<compile_context>
chip_gen: v7x
topology: tpu7x:2x2x1
jax: 0.10.2.dev20260603
libtpu: 0.0.44.dev20260713+nightly
codegen_flags: <defaults>
</compile_context>

<pallas_src>
import functools

import jax
import jax.numpy as jnp
from jax import lax
from jax.experimental import pallas as pl
from jax.experimental.pallas import tpu as pltpu
from jax.experimental.pallas import tpu_sc as plsc

VOCAB = 1000000
EMBED = 64
BATCH = 16384
CTX = 5

NC, NS, L = 2, 16, 16
NW = NC * NS
PER_W = BATCH // NW
CB = 128
CHUNKS = PER_W // CB
NLK_C = CB * CTX
PACKED = EMBED // 2
HI = -65536

VBLK = 8192
GRID = (VOCAB + VBLK - 1) // VBLK
RB = VBLK // 4
ROWS = GRID * RB
SB = 13
SR = 11



def _pack_body(src, dst):
    x = src[...]
    parts = []
    for q in range(4):
        xq = x[:, q * RB:(q + 1) * RB]
        lo = lax.convert_element_type(xq[:PACKED, :], jnp.bfloat16)
        hi = lax.convert_element_type(xq[PACKED:, :], jnp.bfloat16)
        lo_u = lax.convert_element_type(
            lax.bitcast_convert_type(lo, jnp.uint16), jnp.uint32)
        hi_u = lax.convert_element_type(
            lax.bitcast_convert_type(hi, jnp.uint16), jnp.uint32)
        parts.append(jnp.bitwise_or(lo_u, jnp.left_shift(hi_u, 16)))
    pk2 = lax.bitcast_convert_type(
        jnp.concatenate(parts, axis=0), jnp.int32)
    dst[...] = jnp.transpose(pk2, (1, 0))


def _pack_table(table):
    return pl.pallas_call(
        _pack_body,
        grid=(GRID,),
        in_specs=[pl.BlockSpec((EMBED, VBLK), lambda i: (0, i))],
        out_specs=pl.BlockSpec((RB, 4 * PACKED), lambda i: (i, 0)),
        out_shape=jax.ShapeDtypeStruct((ROWS, 4 * PACKED), jnp.int32),
    )(table.T)



def _body(ttab, ctab, tidx, cidx, out,
          t_idx, c_idx, t_pos0, c_pos0, t_blk, c_blk, out_v, sem):
    wid = lax.axis_index("s") * NC + lax.axis_index("c")
    iota = lax.iota(jnp.int32, L)

    def chunk(ch, _):
        b0 = wid * PER_W + ch * CB
        pltpu.sync_copy(tidx.at[pl.ds(b0, CB)], t_idx)
        pltpu.sync_copy(cidx.at[pl.ds(b0 * CTX, NLK_C)], c_idx)

        def prep_t(g, _):
            v = t_idx[pl.ds(g * L, L)]
            t_pos0[pl.ds(g * L, L)] = (
                jnp.bitwise_and(jnp.right_shift(v, SR), 3) * PACKED)
            t_idx[pl.ds(g * L, L)] = jnp.bitwise_or(
                jnp.left_shift(jnp.right_shift(v, SB), SR),
                jnp.bitwise_and(v, RB - 1))
            return 0

        def prep_c(g, _):
            v = c_idx[pl.ds(g * L, L)]
            c_pos0[pl.ds(g * L, L)] = (
                jnp.bitwise_and(jnp.right_shift(v, SR), 3) * PACKED)
            c_idx[pl.ds(g * L, L)] = jnp.bitwise_or(
                jnp.left_shift(jnp.right_shift(v, SB), SR),
                jnp.bitwise_and(v, RB - 1))
            return 0

        lax.fori_loop(0, CB // L, prep_t, 0)
        lax.fori_loop(0, NLK_C // L, prep_c, 0)

        cps = [pltpu.async_copy(ttab.at[t_idx], t_blk, sem)]
        for j in range(CTX):
            cps.append(pltpu.async_copy(
                ctab.at[c_idx.at[pl.ds(j * CB, CB)]],
                c_blk.at[pl.ds(j * CB, CB)], sem))
        for cp in cps:
            cp.wait()

        def pair_group(grp, _):
            p0 = grp * L
            p = iota + p0
            b_loc = jnp.right_shift(p * 52429, 18)
            t_base = plsc.load_gather(t_pos0, [b_loc])
            c_base = c_pos0[pl.ds(p0, L)]
            acc = jnp.zeros((L,), jnp.float32)
            for k in range(PACKED):
                tx = plsc.load_gather(t_blk, [b_loc, t_base + k])
                cx = plsc.load_gather(c_blk, [p, c_base + k])
                tlo = plsc.bitcast(jnp.left_shift(tx, 16), jnp.float32)
                thi = plsc.bitcast(jnp.bitwise_and(tx, HI), jnp.float32)
                clo = plsc.bitcast(jnp.left_shift(cx, 16), jnp.float32)
                chi = plsc.bitcast(jnp.bitwise_and(cx, HI), jnp.float32)
                acc = acc + tlo * clo + thi * chi
            out_v[pl.ds(p0, L)] = acc
            return 0

        lax.fori_loop(0, NLK_C // L, pair_group, 0)
        pltpu.sync_copy(out_v, out.at[pl.ds(b0 * CTX, NLK_C)])
        return 0

    lax.fori_loop(0, CHUNKS, chunk, 0)


@jax.jit
def kernel(target, context, target_table, context_table):
    tt = _pack_table(target_table)
    ct = _pack_table(context_table)
    tidx = target.astype(jnp.int32)
    cidx = context.astype(jnp.int32).reshape(BATCH * CTX)
    fn = pl.kernel(
        _body,
        out_type=jax.ShapeDtypeStruct((BATCH * CTX,), jnp.float32),
        mesh=plsc.VectorSubcoreMesh(core_axis_name="c", subcore_axis_name="s"),
        compiler_params=pltpu.CompilerParams(needs_layout_passes=False),
        scratch_types=[
            pltpu.VMEM((CB,), jnp.int32),
            pltpu.VMEM((NLK_C,), jnp.int32),
            pltpu.VMEM((CB,), jnp.int32),
            pltpu.VMEM((NLK_C,), jnp.int32),
            pltpu.VMEM((CB, 4 * PACKED), jnp.int32),
            pltpu.VMEM((NLK_C, 4 * PACKED), jnp.int32),
            pltpu.VMEM((NLK_C,), jnp.float32),
            pltpu.SemaphoreType.DMA,
        ],
    )
    dots = fn(tt, ct, tidx, cidx)
    return dots.reshape(BATCH, CTX)

# --- scband reference (transcript-rebuilt; emitter-appended) ---
"""Pipeline reference for scband-word2-vec-10986526343798 (READ-ONLY COPY).

The authoritative reference and input builder live on the scoring server;
editing this copy changes nothing except your own understanding.
"""

import jax, jax.numpy as jnp
import numpy as np

VOCAB = 1000000
EMBED = 64
BATCH = 16384
CTX = 5


def setup_inputs(seed: int = 0) -> dict:
    key = jax.random.key(seed)
    k1, k2, k3, k4 = jax.random.split(key, 4)
    target = jax.random.randint(k1, (BATCH,), 0, VOCAB, dtype=jnp.int64 if jax.config.jax_enable_x64 else jnp.int32)
    context = jax.random.randint(k2, (BATCH, CTX), 0, VOCAB, dtype=jnp.int64 if jax.config.jax_enable_x64 else jnp.int32)
    target_table = jax.random.normal(k3, (VOCAB, EMBED), dtype=jnp.float32) * 0.02
    context_table = jax.random.normal(k4, (VOCAB, EMBED), dtype=jnp.float32) * 0.02
    return {"target": target, "context": context, "target_table": target_table, "context_table": context_table}


def reference(target, context, target_table, context_table):
    # target_embedding lookup: [B] -> [B, E]
    target_emb = jnp.take(target_table, target, axis=0)
    # context_embedding lookup: [B, C] -> [B, C, E]
    context_emb = jnp.take(context_table, context, axis=0)
    # dots = einsum('be,bce->bc')
    dots = jnp.einsum('be,bce->bc', target_emb, context_emb)
    return dots

if __name__ == "__main__":
    import jax
    _d = setup_inputs()
    print(jax.jit(kernel)(*tuple(_d.values())))

</pallas_src>

<mosaic_0001>
#map = affine_map<(d0, d1) -> (0, 0)>
#map1 = affine_map<(d0, d1) -> (0)>
module attributes {stable_mosaic.version = 14 : i64} {
  func.func @_body(%arg0: i32, %arg1: i32, %arg2: memref<251904x128xi32, #tpu.memory_space<hbm>>, %arg3: memref<251904x128xi32, #tpu.memory_space<hbm>>, %arg4: memref<16384xi32, #tpu.memory_space<hbm>>, %arg5: memref<81920xi32, #tpu.memory_space<hbm>>, %arg6: memref<81920xf32, #tpu.memory_space<hbm>>, %arg7: memref<128xi32, #tpu.memory_space<vmem>>, %arg8: memref<640xi32, #tpu.memory_space<vmem>>, %arg9: memref<128xi32, #tpu.memory_space<vmem>>, %arg10: memref<640xi32, #tpu.memory_space<vmem>>, %arg11: memref<128x128xi32, #tpu.memory_space<vmem>>, %arg12: memref<640x128xi32, #tpu.memory_space<vmem>>, %arg13: memref<640xf32, #tpu.memory_space<vmem>>, %arg14: memref<!tpu.dma_semaphore, #tpu.memory_space<semaphore_mem>>) attributes {dimension_semantics = [#tpu.dimension_semantics<core_parallel>, #tpu.dimension_semantics<subcore_parallel>], iteration_bounds = array<i64: 2, 16>, scalar_prefetch = 0 : i64, scratch_operands = 8 : i64, tpu.core_type = #tpu.core_type<sc_vector_subcore>, window_params = [{transform_indices = #map}, {transform_indices = #map}, {transform_indices = #map1}, {transform_indices = #map1}, {transform_indices = #map1}]} {
    %mul3A = arith.constant 2 : i32
    %mul3A_0 = arith.muli %arg1, %mul3A : i32
    %add3A = arith.addi %mul3A_0, %arg0 : i32
    %iota3A = tpu.iota {dimensions = array<i32: 0>} : vector<16xi32>
    %scan3A = arith.constant 0 : i32
    %scan3A_1 = arith.constant 0 : i32
    %scan3A_2 = arith.constant 4 : i32
    %scan3A_3 = arith.addi %scan3A_1, %scan3A_2 : i32
    %scan3A_4 = arith.constant 1 : i32
    %scan3A_5 = scf.for %scan3A_7 = %scan3A_1 to %scan3A_3 step %scan3A_4 iter_args(%scan3A_8 = %scan3A) -> (i32)  : i32 {
      %mul3A_9 = arith.constant 512 : i32
      %mul3A_10 = arith.muli %add3A, %mul3A_9 : i32
      %mul3A_11 = arith.constant 128 : i32
      %mul3A_12 = arith.muli %scan3A_7, %mul3A_11 : i32
      %add3A_13 = arith.addi %mul3A_10, %mul3A_12 : i32
      "tpu.region"() ({
        %run_scoped3A = tpu.sem_alloc : memref<!tpu.dma_semaphore, #tpu.memory_space<semaphore_mem>>
        %dma_start3A_124 = tpu.memref_slice %arg4[%add3A_13] : memref<16384xi32, #tpu.memory_space<hbm>> -> memref<128xi32, #tpu.memory_space<hbm>>
        %dma_start3A_125 = tpu.memref_slice %arg4[%add3A_13] : memref<16384xi32, #tpu.memory_space<hbm>> -> memref<128xi32, #tpu.memory_space<hbm>>
        tpu.enqueue_dma source(%dma_start3A_125 : memref<128xi32, #tpu.memory_space<hbm>>) target(%arg7 : memref<128xi32, #tpu.memory_space<vmem>>) target_semaphore(%run_scoped3A : memref<!tpu.dma_semaphore, #tpu.memory_space<semaphore_mem>>)
        %dma_wait3A_126 = tpu.memref_slice %arg4[%add3A_13] : memref<16384xi32, #tpu.memory_space<hbm>> -> memref<128xi32, #tpu.memory_space<hbm>>
        %dma_wait3A_127 = tpu.memref_slice %arg4[%add3A_13] : memref<16384xi32, #tpu.memory_space<hbm>> -> memref<128xi32, #tpu.memory_space<hbm>>
        tpu.wait_dma2 semaphore(%run_scoped3A : memref<!tpu.dma_semaphore, #tpu.memory_space<semaphore_mem>>) src(%dma_wait3A_127 : memref<128xi32, #tpu.memory_space<hbm>>) dst(%arg7 : memref<128xi32, #tpu.memory_space<vmem>>)
        tpu.yield
      }) : () -> ()
      %mul3A_14 = arith.constant 5 : i32
      %mul3A_15 = arith.muli %add3A_13, %mul3A_14 : i32
      "tpu.region"() ({
        %run_scoped3A = tpu.sem_alloc : memref<!tpu.dma_semaphore, #tpu.memory_space<semaphore_mem>>
        %dma_start3A_124 = tpu.memref_slice %arg5[%mul3A_15] : memref<81920xi32, #tpu.memory_space<hbm>> -> memref<640xi32, #tpu.memory_space<hbm>>
        %dma_start3A_125 = tpu.memref_slice %arg5[%mul3A_15] : memref<81920xi32, #tpu.memory_space<hbm>> -> memref<640xi32, #tpu.memory_space<hbm>>
        tpu.enqueue_dma source(%dma_start3A_125 : memref<640xi32, #tpu.memory_space<hbm>>) target(%arg8 : memref<640xi32, #tpu.memory_space<vmem>>) target_semaphore(%run_scoped3A : memref<!tpu.dma_semaphore, #tpu.memory_space<semaphore_mem>>)
        %dma_wait3A_126 = tpu.memref_slice %arg5[%mul3A_15] : memref<81920xi32, #tpu.memory_space<hbm>> -> memref<640xi32, #tpu.memory_space<hbm>>
        %dma_wait3A_127 = tpu.memref_slice %arg5[%mul3A_15] : memref<81920xi32, #tpu.memory_space<hbm>> -> memref<640xi32, #tpu.memory_space<hbm>>
        tpu.wait_dma2 semaphore(%run_scoped3A : memref<!tpu.dma_semaphore, #tpu.memory_space<semaphore_mem>>) src(%dma_wait3A_127 : memref<640xi32, #tpu.memory_space<hbm>>) dst(%arg8 : memref<640xi32, #tpu.memory_space<vmem>>)
        tpu.yield
      }) : () -> ()
      %scan3A_16 = arith.constant 0 : i32
      %scan3A_17 = arith.constant 0 : i32
      %scan3A_18 = arith.constant 8 : i32
      %scan3A_19 = arith.addi %scan3A_17, %scan3A_18 : i32
      %scan3A_20 = arith.constant 1 : i32
      %scan3A_21 = scf.for %scan3A_124 = %scan3A_17 to %scan3A_19 step %scan3A_20 iter_args(%scan3A_125 = %scan3A_16) -> (i32)  : i32 {
        %mul3A_126 = arith.constant 16 : i32
        %mul3A_127 = arith.muli %scan3A_124, %mul3A_126 : i32
        %get3A = arith.index_cast %mul3A_127 : i32 to index
        %get3A_128 = tpu.vector_load %arg7[%get3A] {strides = array<i32>} : memref<128xi32, #tpu.memory_space<vmem>>, vector<16xi32>,
        %shift_right_arithmetic3A = arith.constant 11 : i32
        %shift_right_arithmetic3A_129 = vector.broadcast %shift_right_arithmetic3A : i32 to vector<16xi32>
        %shift_right_arithmetic3A_130 = arith.shrsi %get3A_128, %shift_right_arithmetic3A_129 : vector<16xi32>
        %and3A = arith.constant 3 : i32
        %and3A_131 = vector.broadcast %and3A : i32 to vector<16xi32>
        %and3A_132 = arith.andi %shift_right_arithmetic3A_130, %and3A_131 : vector<16xi32>
        %mul3A_133 = arith.constant 32 : i32
        %mul3A_134 = vector.broadcast %mul3A_133 : i32 to vector<16xi32>
        %mul3A_135 = arith.muli %and3A_132, %mul3A_134 : vector<16xi32>
        %mul3A_136 = arith.constant 16 : i32
        %mul3A_137 = arith.muli %scan3A_124, %mul3A_136 : i32
        %swap3A = arith.index_cast %mul3A_137 : i32 to index
        %swap3A_138 = tpu.vector_load %arg9[%swap3A] {strides = array<i32>} : memref<128xi32, #tpu.memory_space<vmem>>, vector<16xi32>,
        tpu.vector_store %arg9[%swap3A], %mul3A_135 {strides = array<i32>} : memref<128xi32, #tpu.memory_space<vmem>>, vector<16xi32>,
        %shift_right_arithmetic3A_139 = arith.constant 13 : i32
        %shift_right_arithmetic3A_140 = vector.broadcast %shift_right_arithmetic3A_139 : i32 to vector<16xi32>
        %shift_right_arithmetic3A_141 = arith.shrsi %get3A_128, %shift_right_arithmetic3A_140 : vector<16xi32>
        %shift_left3A = arith.constant 11 : i32
        %shift_left3A_142 = vector.broadcast %shift_left3A : i32 to vector<16xi32>
        %shift_left3A_143 = arith.shli %shift_right_arithmetic3A_141, %shift_left3A_142 : vector<16xi32>
        %and3A_144 = arith.constant 2047 : i32
        %and3A_145 = vector.broadcast %and3A_144 : i32 to vector<16xi32>
        %and3A_146 = arith.andi %get3A_128, %and3A_145 : vector<16xi32>
        %or3A = arith.ori %shift_left3A_143, %and3A_146 : vector<16xi32>
        %mul3A_147 = arith.constant 16 : i32
        %mul3A_148 = arith.muli %scan3A_124, %mul3A_147 : i32
        %swap3A_149 = arith.index_cast %mul3A_148 : i32 to index
        %swap3A_150 = tpu.vector_load %arg7[%swap3A_149] {strides = array<i32>} : memref<128xi32, #tpu.memory_space<vmem>>, vector<16xi32>,
        tpu.vector_store %arg7[%swap3A_149], %or3A {strides = array<i32>} : memref<128xi32, #tpu.memory_space<vmem>>, vector<16xi32>,
        %scan3A_151 = arith.constant 0 : i32
        scf.yield %scan3A_151 : i32
      }
      %scan3A_22 = arith.constant 8 : i32
      %scan3A_23 = arith.constant 0 : i32
      %scan3A_24 = arith.constant 0 : i32
      %scan3A_25 = arith.constant 40 : i32
      %scan3A_26 = arith.addi %scan3A_24, %scan3A_25 : i32
      %scan3A_27 = arith.constant 1 : i32
      %scan3A_28 = scf.for %scan3A_124 = %scan3A_24 to %scan3A_26 step %scan3A_27 iter_args(%scan3A_125 = %scan3A_23) -> (i32)  : i32 {
        %mul3A_126 = arith.constant 16 : i32
        %mul3A_127 = arith.muli %scan3A_124, %mul3A_126 : i32
        %get3A = arith.index_cast %mul3A_127 : i32 to index
        %get3A_128 = tpu.vector_load %arg8[%get3A] {strides = array<i32>} : memref<640xi32, #tpu.memory_space<vmem>>, vector<16xi32>,
        %shift_right_arithmetic3A = arith.constant 11 : i32
        %shift_right_arithmetic3A_129 = vector.broadcast %shift_right_arithmetic3A : i32 to vector<16xi32>
        %shift_right_arithmetic3A_130 = arith.shrsi %get3A_128, %shift_right_arithmetic3A_129 : vector<16xi32>
        %and3A = arith.constant 3 : i32
        %and3A_131 = vector.broadcast %and3A : i32 to vector<16xi32>
        %and3A_132 = arith.andi %shift_right_arithmetic3A_130, %and3A_131 : vector<16xi32>
        %mul3A_133 = arith.constant 32 : i32
        %mul3A_134 = vector.broadcast %mul3A_133 : i32 to vector<16xi32>
        %mul3A_135 = arith.muli %and3A_132, %mul3A_134 : vector<16xi32>
        %mul3A_136 = arith.constant 16 : i32
        %mul3A_137 = arith.muli %scan3A_124, %mul3A_136 : i32
        %swap3A = arith.index_cast %mul3A_137 : i32 to index
        %swap3A_138 = tpu.vector_load %arg10[%swap3A] {strides = array<i32>} : memref<640xi32, #tpu.memory_space<vmem>>, vector<16xi32>,
        tpu.vector_store %arg10[%swap3A], %mul3A_135 {strides = array<i32>} : memref<640xi32, #tpu.memory_space<vmem>>, vector<16xi32>,
        %shift_right_arithmetic3A_139 = arith.constant 13 : i32
        %shift_right_arithmetic3A_140 = vector.broadcast %shift_right_arithmetic3A_139 : i32 to vector<16xi32>
        %shift_right_arithmetic3A_141 = arith.shrsi %get3A_128, %shift_right_arithmetic3A_140 : vector<16xi32>
        %shift_left3A = arith.constant 11 : i32
        %shift_left3A_142 = vector.broadcast %shift_left3A : i32 to vector<16xi32>
        %shift_left3A_143 = arith.shli %shift_right_arithmetic3A_141, %shift_left3A_142 : vector<16xi32>
        %and3A_144 = arith.constant 2047 : i32
        %and3A_145 = vector.broadcast %and3A_144 : i32 to vector<16xi32>
        %and3A_146 = arith.andi %get3A_128, %and3A_145 : vector<16xi32>
        %or3A = arith.ori %shift_left3A_143, %and3A_146 : vector<16xi32>
        %mul3A_147 = arith.constant 16 : i32
        %mul3A_148 = arith.muli %scan3A_124, %mul3A_147 : i32
        %swap3A_149 = arith.index_cast %mul3A_148 : i32 to index
        %swap3A_150 = tpu.vector_load %arg8[%swap3A_149] {strides = array<i32>} : memref<640xi32, #tpu.memory_space<vmem>>, vector<16xi32>,
        tpu.vector_store %arg8[%swap3A_149], %or3A {strides = array<i32>} : memref<640xi32, #tpu.memory_space<vmem>>, vector<16xi32>,
        %scan3A_151 = arith.constant 0 : i32
        scf.yield %scan3A_151 : i32
      }
      %scan3A_29 = arith.constant 40 : i32
      %dma_start3A = arith.constant 0 : i32
      %dma_start3A_30 = arith.constant 0 : i32
      %dma_start3A_31 = tpu.memref_slice %arg2[%dma_start3A, %dma_start3A_30] : memref<251904x128xi32, #tpu.memory_space<hbm>> -> memref<251904x128xi32, #tpu.memory_space<hbm>>
      tpu.enqueue_indirect_dma source(%dma_start3A_31 : memref<251904x128xi32, #tpu.memory_space<hbm>>) target(%arg11 : memref<128x128xi32, #tpu.memory_space<vmem>>) offsets(%arg7 : memref<128xi32, #tpu.memory_space<vmem>>) semaphore(%arg14 : memref<!tpu.dma_semaphore, #tpu.memory_space<semaphore_mem>>)
      %dma_start3A_32 = arith.constant 0 : i32
      %dma_start3A_33 = arith.constant 0 : i32
      %dma_start3A_34 = tpu.memref_slice %arg12[%dma_start3A_32, %dma_start3A_33] : memref<640x128xi32, #tpu.memory_space<vmem>> -> memref<128x128xi32, #tpu.memory_space<vmem>>
      %dma_start3A_35 = arith.constant 0 : i32
      %dma_start3A_36 = tpu.memref_slice %arg8[%dma_start3A_35] : memref<640xi32, #tpu.memory_space<vmem>> -> memref<128xi32, #tpu.memory_space<vmem>>
      %dma_start3A_37 = arith.constant 0 : i32
      %dma_start3A_38 = arith.constant 0 : i32
      %dma_start3A_39 = tpu.memref_slice %arg3[%dma_start3A_37, %dma_start3A_38] : memref<251904x128xi32, #tpu.memory_space<hbm>> -> memref<251904x128xi32, #tpu.memory_space<hbm>>
      tpu.enqueue_indirect_dma source(%dma_start3A_39 : memref<251904x128xi32, #tpu.memory_space<hbm>>) target(%dma_start3A_34 : memref<128x128xi32, #tpu.memory_space<vmem>>) offsets(%dma_start3A_36 : memref<128xi32, #tpu.memory_space<vmem>>) semaphore(%arg14 : memref<!tpu.dma_semaphore, #tpu.memory_space<semaphore_mem>>)
      %dma_start3A_40 = arith.constant 128 : i32
      %dma_start3A_41 = arith.constant 0 : i32
      %dma_start3A_42 = tpu.memref_slice %arg12[%dma_start3A_40, %dma_start3A_41] : memref<640x128xi32, #tpu.memory_space<vmem>> -> memref<128x128xi32, #tpu.memory_space<vmem>>
      %dma_start3A_43 = arith.constant 128 : i32
      %dma_start3A_44 = tpu.memref_slice %arg8[%dma_start3A_43] : memref<640xi32, #tpu.memory_space<vmem>> -> memref<128xi32, #tpu.memory_space<vmem>>
      %dma_start3A_45 = arith.constant 0 : i32
      %dma_start3A_46 = arith.constant 0 : i32
      %dma_start3A_47 = tpu.memref_slice %arg3[%dma_start3A_45, %dma_start3A_46] : memref<251904x128xi32, #tpu.memory_space<hbm>> -> memref<251904x128xi32, #tpu.memory_space<hbm>>
      tpu.enqueue_indirect_dma source(%dma_start3A_47 : memref<251904x128xi32, #tpu.memory_space<hbm>>) target(%dma_start3A_42 : memref<128x128xi32, #tpu.memory_space<vmem>>) offsets(%dma_start3A_44 : memref<128xi32, #tpu.memory_space<vmem>>) semaphore(%arg14 : memref<!tpu.dma_semaphore, #tpu.memory_space<semaphore_mem>>)
      %dma_start3A_48 = arith.constant 256 : i32
      %dma_start3A_49 = arith.constant 0 : i32
      %dma_start3A_50 = tpu.memref_slice %arg12[%dma_start3A_48, %dma_start3A_49] : memref<640x128xi32, #tpu.memory_space<vmem>> -> memref<128x128xi32, #tpu.memory_space<vmem>>
      %dma_start3A_51 = arith.constant 256 : i32
      %dma_start3A_52 = tpu.memref_slice %arg8[%dma_start3A_51] : memref<640xi32, #tpu.memory_space<vmem>> -> memref<128xi32, #tpu.memory_space<vmem>>
      %dma_start3A_53 = arith.constant 0 : i32
      %dma_start3A_54 = arith.constant 0 : i32
      %dma_start3A_55 = tpu.memref_slice %arg3[%dma_start3A_53, %dma_start3A_54] : memref<251904x128xi32, #tpu.memory_space<hbm>> -> memref<251904x128xi32, #tpu.memory_space<hbm>>
      tpu.enqueue_indirect_dma source(%dma_start3A_55 : memref<251904x128xi32, #tpu.memory_space<hbm>>) target(%dma_start3A_50 : memref<128x128xi32, #tpu.memory_space<vmem>>) offsets(%dma_start3A_52 : memref<128xi32, #tpu.memory_space<vmem>>) semaphore(%arg14 : memref<!tpu.dma_semaphore, #tpu.memory_space<semaphore_mem>>)
      %dma_start3A_56 = arith.constant 384 : i32
      %dma_start3A_57 = arith.constant 0 : i32
      %dma_start3A_58 = tpu.memref_slice %arg12[%dma_start3A_56, %dma_start3A_57] : memref<640x128xi32, #tpu.memory_space<vmem>> -> memref<128x128xi32, #tpu.memory_space<vmem>>
      %dma_start3A_59 = arith.constant 384 : i32
      %dma_start3A_60 = tpu.memref_slice %arg8[%dma_start3A_59] : memref<640xi32, #tpu.memory_space<vmem>> -> memref<128xi32, #tpu.memory_space<vmem>>
      %dma_start3A_61 = arith.constant 0 : i32
      %dma_start3A_62 = arith.constant 0 : i32
      %dma_start3A_63 = tpu.memref_slice %arg3[%dma_start3A_61, %dma_start3A_62] : memref<251904x128xi32, #tpu.memory_space<hbm>> -> memref<251904x128xi32, #tpu.memory_space<hbm>>
      tpu.enqueue_indirect_dma source(%dma_start3A_63 : memref<251904x128xi32, #tpu.memory_space<hbm>>) target(%dma_start3A_58 : memref<128x128xi32, #tpu.memory_space<vmem>>) offsets(%dma_start3A_60 : memref<128xi32, #tpu.memory_space<vmem>>) semaphore(%arg14 : memref<!tpu.dma_semaphore, #tpu.memory_space<semaphore_mem>>)
      %dma_start3A_64 = arith.constant 512 : i32
      %dma_start3A_65 = arith.constant 0 : i32
      %dma_start3A_66 = tpu.memref_slice %arg12[%dma_start3A_64, %dma_start3A_65] : memref<640x128xi32, #tpu.memory_space<vmem>> -> memref<128x128xi32, #tpu.memory_space<vmem>>
      %dma_start3A_67 = arith.constant 512 : i32
      %dma_start3A_68 = tpu.memref_slice %arg8[%dma_start3A_67] : memref<640xi32, #tpu.memory_space<vmem>> -> memref<128xi32, #tpu.memory_space<vmem>>
      %dma_start3A_69 = arith.constant 0 : i32
      %dma_start3A_70 = arith.constant 0 : i32
      %dma_start3A_71 = tpu.memref_slice %arg3[%dma_start3A_69, %dma_start3A_70] : memref<251904x128xi32, #tpu.memory_space<hbm>> -> memref<251904x128xi32, #tpu.memory_space<hbm>>
      tpu.enqueue_indirect_dma source(%dma_start3A_71 : memref<251904x128xi32, #tpu.memory_space<hbm>>) target(%dma_start3A_66 : memref<128x128xi32, #tpu.memory_space<vmem>>) offsets(%dma_start3A_68 : memref<128xi32, #tpu.memory_space<vmem>>) semaphore(%arg14 : memref<!tpu.dma_semaphore, #tpu.memory_space<semaphore_mem>>)
      %dma_wait3A = arith.constant 0 : i32
      %dma_wait3A_72 = arith.constant 0 : i32
      %dma_wait3A_73 = tpu.memref_slice %arg2[%dma_wait3A, %dma_wait3A_72] : memref<251904x128xi32, #tpu.memory_space<hbm>> -> memref<251904x128xi32, #tpu.memory_space<hbm>>
      tpu.wait_indirect_dma semaphore(%arg14 : memref<!tpu.dma_semaphore, #tpu.memory_space<semaphore_mem>>) src(%dma_wait3A_73 : memref<251904x128xi32, #tpu.memory_space<hbm>>) dst(%arg11 : memref<128x128xi32, #tpu.memory_space<vmem>>)
      %dma_wait3A_74 = arith.constant 0 : i32
      %dma_wait3A_75 = arith.constant 0 : i32
      %dma_wait3A_76 = tpu.memref_slice %arg12[%dma_wait3A_74, %dma_wait3A_75] : memref<640x128xi32, #tpu.memory_space<vmem>> -> memref<128x128xi32, #tpu.memory_space<vmem>>
      %dma_wait3A_77 = arith.constant 0 : i32
      %dma_wait3A_78 = tpu.memref_slice %arg8[%dma_wait3A_77] : memref<640xi32, #tpu.memory_space<vmem>> -> memref<128xi32, #tpu.memory_space<vmem>>
      %dma_wait3A_79 = arith.constant 0 : i32
      %dma_wait3A_80 = arith.constant 0 : i32
      %dma_wait3A_81 = tpu.memref_slice %arg3[%dma_wait3A_79, %dma_wait3A_80] : memref<251904x128xi32, #tpu.memory_space<hbm>> -> memref<251904x128xi32, #tpu.memory_space<hbm>>
      tpu.wait_indirect_dma semaphore(%arg14 : memref<!tpu.dma_semaphore, #tpu.memory_space<semaphore_mem>>) src(%dma_wait3A_81 : memref<251904x128xi32, #tpu.memory_space<hbm>>) dst(%dma_wait3A_76 : memref<128x128xi32, #tpu.memory_space<vmem>>)
      %dma_wait3A_82 = arith.constant 128 : i32
      %dma_wait3A_83 = arith.constant 0 : i32
      %dma_wait3A_84 = tpu.memref_slice %arg12[%dma_wait3A_82, %dma_wait3A_83] : memref<640x128xi32, #tpu.memory_space<vmem>> -> memref<128x128xi32, #tpu.memory_space<vmem>>
      %dma_wait3A_85 = arith.constant 128 : i32
      %dma_wait3A_86 = tpu.memref_slice %arg8[%dma_wait3A_85] : memref<640xi32, #tpu.memory_space<vmem>> -> memref<128xi32, #tpu.memory_space<vmem>>
      %dma_wait3A_87 = arith.constant 0 : i32
      %dma_wait3A_88 = arith.constant 0 : i32
      %dma_wait3A_89 = tpu.memref_slice %arg3[%dma_wait3A_87, %dma_wait3A_88] : memref<251904x128xi32, #tpu.memory_space<hbm>> -> memref<251904x128xi32, #tpu.memory_space<hbm>>
      tpu.wait_indirect_dma semaphore(%arg14 : memref<!tpu.dma_semaphore, #tpu.memory_space<semaphore_mem>>) src(%dma_wait3A_89 : memref<251904x128xi32, #tpu.memory_space<hbm>>) dst(%dma_wait3A_84 : memref<128x128xi32, #tpu.memory_space<vmem>>)
      %dma_wait3A_90 = arith.constant 256 : i32
      %dma_wait3A_91 = arith.constant 0 : i32
      %dma_wait3A_92 = tpu.memref_slice %arg12[%dma_wait3A_90, %dma_wait3A_91] : memref<640x128xi32, #tpu.memory_space<vmem>> -> memref<128x128xi32, #tpu.memory_space<vmem>>
      %dma_wait3A_93 = arith.constant 256 : i32
      %dma_wait3A_94 = tpu.memref_slice %arg8[%dma_wait3A_93] : memref<640xi32, #tpu.memory_space<vmem>> -> memref<128xi32, #tpu.memory_space<vmem>>
      %dma_wait3A_95 = arith.constant 0 : i32
      %dma_wait3A_96 = arith.constant 0 : i32
      %dma_wait3A_97 = tpu.memref_slice %arg3[%dma_wait3A_95, %dma_wait3A_96] : memref<251904x128xi32, #tpu.memory_space<hbm>> -> memref<251904x128xi32, #tpu.memory_space<hbm>>
      tpu.wait_indirect_dma semaphore(%arg14 : memref<!tpu.dma_semaphore, #tpu.memory_space<semaphore_mem>>) src(%dma_wait3A_97 : memref<251904x128xi32, #tpu.memory_space<hbm>>) dst(%dma_wait3A_92 : memref<128x128xi32, #tpu.memory_space<vmem>>)
      %dma_wait3A_98 = arith.constant 384 : i32
      %dma_wait3A_99 = arith.constant 0 : i32
      %dma_wait3A_100 = tpu.memref_slice %arg12[%dma_wait3A_98, %dma_wait3A_99] : memref<640x128xi32, #tpu.memory_space<vmem>> -> memref<128x128xi32, #tpu.memory_space<vmem>>
      %dma_wait3A_101 = arith.constant 384 : i32
      %dma_wait3A_102 = tpu.memref_slice %arg8[%dma_wait3A_101] : memref<640xi32, #tpu.memory_space<vmem>> -> memref<128xi32, #tpu.memory_space<vmem>>
      %dma_wait3A_103 = arith.constant 0 : i32
      %dma_wait3A_104 = arith.constant 0 : i32
      %dma_wait3A_105 = tpu.memref_slice %arg3[%dma_wait3A_103, %dma_wait3A_104] : memref<251904x128xi32, #tpu.memory_space<hbm>> -> memref<251904x128xi32, #tpu.memory_space<hbm>>
      tpu.wait_indirect_dma semaphore(%arg14 : memref<!tpu.dma_semaphore, #tpu.memory_space<semaphore_mem>>) src(%dma_wait3A_105 : memref<251904x128xi32, #tpu.memory_space<hbm>>) dst(%dma_wait3A_100 : memref<128x128xi32, #tpu.memory_space<vmem>>)
      %dma_wait3A_106 = arith.constant 512 : i32
      %dma_wait3A_107 = arith.constant 0 : i32
      %dma_wait3A_108 = tpu.memref_slice %arg12[%dma_wait3A_106, %dma_wait3A_107] : memref<640x128xi32, #tpu.memory_space<vmem>> -> memref<128x128xi32, #tpu.memory_space<vmem>>
      %dma_wait3A_109 = arith.constant 512 : i32
      %dma_wait3A_110 = tpu.memref_slice %arg8[%dma_wait3A_109] : memref<640xi32, #tpu.memory_space<vmem>> -> memref<128xi32, #tpu.memory_space<vmem>>
      %dma_wait3A_111 = arith.constant 0 : i32
      %dma_wait3A_112 = arith.constant 0 : i32
      %dma_wait3A_113 = tpu.memref_slice %arg3[%dma_wait3A_111, %dma_wait3A_112] : memref<251904x128xi32, #tpu.memory_space<hbm>> -> memref<251904x128xi32, #tpu.memory_space<hbm>>
      tpu.wait_indirect_dma semaphore(%arg14 : memref<!tpu.dma_semaphore, #tpu.memory_space<semaphore_mem>>) src(%dma_wait3A_113 : memref<251904x128xi32, #tpu.memory_space<hbm>>) dst(%dma_wait3A_108 : memref<128x128xi32, #tpu.memory_space<vmem>>)
      %scan3A_114 = arith.constant 0 : i32
      %scan3A_115 = arith.constant 0 : i32
      %scan3A_116 = arith.constant 40 : i32
      %scan3A_117 = arith.addi %scan3A_115, %scan3A_116 : i32
      %scan3A_118 = arith.constant 1 : i32
      %scan3A_119 = scf.for %scan3A_124 = %scan3A_115 to %scan3A_117 step %scan3A_118 iter_args(%scan3A_125 = %scan3A_114) -> (i32)  : i32 {
        %mul3A_126 = arith.constant 16 : i32
        %mul3A_127 = arith.muli %scan3A_124, %mul3A_126 : i32
        %add3A_128 = vector.broadcast %mul3A_127 : i32 to vector<16xi32>
        %add3A_129 = arith.addi %iota3A, %add3A_128 : vector<16xi32>
        %mul3A_130 = arith.constant 52429 : i32
        %mul3A_131 = vector.broadcast %mul3A_130 : i32 to vector<16xi32>
        %mul3A_132 = arith.muli %add3A_129, %mul3A_131 : vector<16xi32>
        %shift_right_arithmetic3A = arith.constant 18 : i32
        %shift_right_arithmetic3A_133 = vector.broadcast %shift_right_arithmetic3A : i32 to vector<16xi32>
        %shift_right_arithmetic3A_134 = arith.shrsi %mul3A_132, %shift_right_arithmetic3A_133 : vector<16xi32>
        %gather3A = tpu.vector_load_idx %arg9[%shift_right_arithmetic3A_134] : memref<128xi32, #tpu.memory_space<vmem>>[vector<16xi32>], vector<16xi32>,
        %get3A = arith.index_cast %mul3A_127 : i32 to index
        %get3A_135 = tpu.vector_load %arg10[%get3A] {strides = array<i32>} : memref<640xi32, #tpu.memory_space<vmem>>, vector<16xi32>,
        %broadcast_in_dim3A = arith.constant 0.000000e+00 : f32
        %broadcast_in_dim3A_136 = vector.broadcast %broadcast_in_dim3A : f32 to vector<16xf32>
        %add3A_137 = arith.constant 0 : i32
        %add3A_138 = vector.broadcast %add3A_137 : i32 to vector<16xi32>
        %add3A_139 = arith.addi %gather3A, %add3A_138 : vector<16xi32>
        %gather3A_140 = tpu.vector_load_idx %arg11[%shift_right_arithmetic3A_134, %add3A_139] : memref<128x128xi32, #tpu.memory_space<vmem>>[vector<16xi32>, vector<16xi32>], vector<16xi32>,
        %add3A_141 = arith.constant 0 : i32
        %add3A_142 = vector.broadcast %add3A_141 : i32 to vector<16xi32>
        %add3A_143 = arith.addi %get3A_135, %add3A_142 : vector<16xi32>
        %gather3A_144 = tpu.vector_load_idx %arg12[%add3A_129, %add3A_143] : memref<640x128xi32, #tpu.memory_space<vmem>>[vector<16xi32>, vector<16xi32>], vector<16xi32>,
        %shift_left3A = arith.constant 16 : i32
        %shift_left3A_145 = vector.broadcast %shift_left3A : i32 to vector<16xi32>
        %shift_left3A_146 = arith.shli %gather3A_140, %shift_left3A_145 : vector<16xi32>
        %bitcast3A = vector.bitcast %shift_left3A_146 : vector<16xi32> to vector<16xf32>
        %and3A = arith.constant -65536 : i32
        %and3A_147 = vector.broadcast %and3A : i32 to vector<16xi32>
        %and3A_148 = arith.andi %gather3A_140, %and3A_147 : vector<16xi32>
        %bitcast3A_149 = vector.bitcast %and3A_148 : vector<16xi32> to vector<16xf32>
        %shift_left3A_150 = arith.constant 16 : i32
        %shift_left3A_151 = vector.broadcast %shift_left3A_150 : i32 to vector<16xi32>
        %shift_left3A_152 = arith.shli %gather3A_144, %shift_left3A_151 : vector<16xi32>
        %bitcast3A_153 = vector.bitcast %shift_left3A_152 : vector<16xi32> to vector<16xf32>
        %and3A_154 = arith.constant -65536 : i32
        %and3A_155 = vector.broadcast %and3A_154 : i32 to vector<16xi32>
        %and3A_156 = arith.andi %gather3A_144, %and3A_155 : vector<16xi32>
        %bitcast3A_157 = vector.bitcast %and3A_156 : vector<16xi32> to vector<16xf32>
        %mul3A_158 = arith.mulf %bitcast3A, %bitcast3A_153 : vector<16xf32>
        %add3A_159 = arith.addf %broadcast_in_dim3A_136, %mul3A_158 : vector<16xf32>
        %mul3A_160 = arith.mulf %bitcast3A_149, %bitcast3A_157 : vector<16xf32>
        %add3A_161 = arith.addf %add3A_159, %mul3A_160 : vector<16xf32>
        %add3A_162 = arith.constant 1 : i32
        %add3A_163 = vector.broadcast %add3A_162 : i32 to vector<16xi32>
        %add3A_164 = arith.addi %gather3A, %add3A_163 : vector<16xi32>
        %gather3A_165 = tpu.vector_load_idx %arg11[%shift_right_arithmetic3A_134, %add3A_164] : memref<128x128xi32, #tpu.memory_space<vmem>>[vector<16xi32>, vector<16xi32>], vector<16xi32>,
        %add3A_166 = arith.constant 1 : i32
        %add3A_167 = vector.broadcast %add3A_166 : i32 to vector<16xi32>
        %add3A_168 = arith.addi %get3A_135, %add3A_167 : vector<16xi32>
        %gather3A_169 = tpu.vector_load_idx %arg12[%add3A_129, %add3A_168] : memref<640x128xi32, #tpu.memory_space<vmem>>[vector<16xi32>, vector<16xi32>], vector<16xi32>,
        %shift_left3A_170 = arith.constant 16 : i32
        %shift_left3A_171 = vector.broadcast %shift_left3A_170 : i32 to vector<16xi32>
        %shift_left3A_172 = arith.shli %gather3A_165, %shift_left3A_171 : vector<16xi32>
        %bitcast3A_173 = vector.bitcast %shift_left3A_172 : vector<16xi32> to vector<16xf32>
        %and3A_174 = arith.constant -65536 : i32
        %and3A_175 = vector.broadcast %and3A_174 : i32 to vector<16xi32>
        %and3A_176 = arith.andi %gather3A_165, %and3A_175 : vector<16xi32>
        %bitcast3A_177 = vector.bitcast %and3A_176 : vector<16xi32> to vector<16xf32>
        %shift_left3A_178 = arith.constant 16 : i32
        %shift_left3A_179 = vector.broadcast %shift_left3A_178 : i32 to vector<16xi32>
        %shift_left3A_180 = arith.shli %gather3A_169, %shift_left3A_179 : vector<16xi32>
        %bitcast3A_181 = vector.bitcast %shift_left3A_180 : vector<16xi32> to vector<16xf32>
        %and3A_182 = arith.constant -65536 : i32
        %and3A_183 = vector.broadcast %and3A_182 : i32 to vector<16xi32>
        %and3A_184 = arith.andi %gather3A_169, %and3A_183 : vector<16xi32>
        %bitcast3A_185 = vector.bitcast %and3A_184 : vector<16xi32> to vector<16xf32>
        %mul3A_186 = arith.mulf %bitcast3A_173, %bitcast3A_181 : vector<16xf32>
        %add3A_187 = arith.addf %add3A_161, %mul3A_186 : vector<16xf32>
        %mul3A_188 = arith.mulf %bitcast3A_177, %bitcast3A_185 : vector<16xf32>
        %add3A_189 = arith.addf %add3A_187, %mul3A_188 : vector<16xf32>
        %add3A_190 = arith.constant 2 : i32
        %add3A_191 = vector.broadcast %add3A_190 : i32 to vector<16xi32>
        %add3A_192 = arith.addi %gather3A, %add3A_191 : vector<16xi32>
        %gather3A_193 = tpu.vector_load_idx %arg11[%shift_right_arithmetic3A_134, %add3A_192] : memref<128x128xi32, #tpu.memory_space<vmem>>[vector<16xi32>, vector<16xi32>], vector<16xi32>,
        %add3A_194 = arith.constant 2 : i32
        %add3A_195 = vector.broadcast %add3A_194 : i32 to vector<16xi32>
        %add3A_196 = arith.addi %get3A_135, %add3A_195 : vector<16xi32>
        %gather3A_197 = tpu.vector_load_idx %arg12[%add3A_129, %add3A_196] : memref<640x128xi32, #tpu.memory_space<vmem>>[vector<16xi32>, vector<16xi32>], vector<16xi32>,
        %shift_left3A_198 = arith.constant 16 : i32
        %shift_left3A_199 = vector.broadcast %shift_left3A_198 : i32 to vector<16xi32>
        %shift_left3A_200 = arith.shli %gather3A_193, %shift_left3A_199 : vector<16xi32>
        %bitcast3A_201 = vector.bitcast %shift_left3A_200 : vector<16xi32> to vector<16xf32>
        %and3A_202 = arith.constant -65536 : i32
        %and3A_203 = vector.broadcast %and3A_202 : i32 to vector<16xi32>
        %and3A_204 = arith.andi %gather3A_193, %and3A_203 : vector<16xi32>
        %bitcast3A_205 = vector.bitcast %and3A_204 : vector<16xi32> to vector<16xf32>
        %shift_left3A_206 = arith.constant 16 : i32
        %shift_left3A_207 = vector.broadcast %shift_left3A_206 : i32 to vector<16xi32>
        %shift_left3A_208 = arith.shli %gather3A_197, %shift_left3A_207 : vector<16xi32>
        %bitcast3A_209 = vector.bitcast %shift_left3A_208 : vector<16xi32> to vector<16xf32>
        %and3A_210 = arith.constant -65536 : i32
        %and3A_211 = vector.broadcast %and3A_210 : i32 to vector<16xi32>
        %and3A_212 = arith.andi %gather3A_197, %and3A_211 : vector<16xi32>
        %bitcast3A_213 = vector.bitcast %and3A_212 : vector<16xi32> to vector<16xf32>
        %mul3A_214 = arith.mulf %bitcast3A_201, %bitcast3A_209 : vector<16xf32>
        %add3A_215 = arith.addf %add3A_189, %mul3A_214 : vector<16xf32>
        %mul3A_216 = arith.mulf %bitcast3A_205, %bitcast3A_213 : vector<16xf32>
        %add3A_217 = arith.addf %add3A_215, %mul3A_216 : vector<16xf32>
        %add3A_218 = arith.constant 3 : i32
        %add3A_219 = vector.broadcast %add3A_218 : i32 to vector<16xi32>
        %add3A_220 = arith.addi %gather3A, %add3A_219 : vector<16xi32>
        %gather3A_221 = tpu.vector_load_idx %arg11[%shift_right_arithmetic3A_134, %add3A_220] : memref<128x128xi32, #tpu.memory_space<vmem>>[vector<16xi32>, vector<16xi32>], vector<16xi32>,
        %add3A_222 = arith.constant 3 : i32
        %add3A_223 = vector.broadcast %add3A_222 : i32 to vector<16xi32>
        %add3A_224 = arith.addi %get3A_135, %add3A_223 : vector<16xi32>
        %gather3A_225 = tpu.vector_load_idx %arg12[%add3A_129, %add3A_224] : memref<640x128xi32, #tpu.memory_space<vmem>>[vector<16xi32>, vector<16xi32>], vector<16xi32>,
        %shift_left3A_226 = arith.constant 16 : i32
        %shift_left3A_227 = vector.broadcast %shift_left3A_226 : i32 to vector<16xi32>
        %shift_left3A_228 = arith.shli %gather3A_221, %shift_left3A_227 : vector<16xi32>
        %bitcast3A_229 = vector.bitcast %shift_left3A_228 : vector<16xi32> to vector<16xf32>
        %and3A_230 = arith.constant -65536 : i32
        %and3A_231 = vector.broadcast %and3A_230 : i32 to vector<16xi32>
        %and3A_232 = arith.andi %gather3A_221, %and3A_231 : vector<16xi32>
        %bitcast3A_233 = vector.bitcast %and3A_232 : vector<16xi32> to vector<16xf32>
        %shift_left3A_234 = arith.constant 16 : i32
        %shift_left3A_235 = vector.broadcast %shift_left3A_234 : i32 to vector<16xi32>
        %shift_left3A_236 = arith.shli %gather3A_225, %shift_left3A_235 : vector<16xi32>
        %bitcast3A_237 = vector.bitcast %shift_left3A_236 : vector<16xi32> to vector<16xf32>
        %and3A_238 = arith.constant -65536 : i32
        %and3A_239 = vector.broadcast %and3A_238 : i32 to vector<16xi32>
        %and3A_240 = arith.andi %gather3A_225, %and3A_239 : vector<16xi32>
        %bitcast3A_241 = vector.bitcast %and3A_240 : vector<16xi32> to vector<16xf32>
        %mul3A_242 = arith.mulf %bitcast3A_229, %bitcast3A_237 : vector<16xf32>
        %add3A_243 = arith.addf %add3A_217, %mul3A_242 : vector<16xf32>
        %mul3A_244 = arith.mulf %bitcast3A_233, %bitcast3A_241 : vector<16xf32>
        %add3A_245 = arith.addf %add3A_243, %mul3A_244 : vector<16xf32>
        %add3A_246 = arith.constant 4 : i32
        %add3A_247 = vector.broadcast %add3A_246 : i32 to vector<16xi32>
        %add3A_248 = arith.addi %gather3A, %add3A_247 : vector<16xi32>
        %gather3A_249 = tpu.vector_load_idx %arg11[%shift_right_arithmetic3A_134, %add3A_248] : memref<128x128xi32, #tpu.memory_space<vmem>>[vector<16xi32>, vector<16xi32>], vector<16xi32>,
        %add3A_250 = arith.constant 4 : i32
        %add3A_251 = vector.broadcast %add3A_250 : i32 to vector<16xi32>
        %add3A_252 = arith.addi %get3A_135, %add3A_251 : vector<16xi32>
        %gather3A_253 = tpu.vector_load_idx %arg12[%add3A_129, %add3A_252] : memref<640x128xi32, #tpu.memory_space<vmem>>[vector<16xi32>, vector<16xi32>], vector<16xi32>,
        %shift_left3A_254 = arith.constant 16 : i32
        %shift_left3A_255 = vector.broadcast %shift_left3A_254 : i32 to vector<16xi32>
        %shift_left3A_256 = arith.shli %gather3A_249, %shift_left3A_255 : vector<16xi32>
        %bitcast3A_257 = vector.bitcast %shift_left3A_256 : vector<16xi32> to vector<16xf32>
        %and3A_258 = arith.constant -65536 : i32
        %and3A_259 = vector.broadcast %and3A_258 : i32 to vector<16xi32>
        %and3A_260 = arith.andi %gather3A_249, %and3A_259 : vector<16xi32>
        %bitcast3A_261 = vector.bitcast %and3A_260 : vector<16xi32> to vector<16xf32>
        %shift_left3A_262 = arith.constant 16 : i32
        %shift_left3A_263 = vector.broadcast %shift_left3A_262 : i32 to vector<16xi32>
        %shift_left3A_264 = arith.shli %gather3A_253, %shift_left3A_263 : vector<16xi32>
        %bitcast3A_265 = vector.bitcast %shift_left3A_264 : vector<16xi32> to vector<16xf32>
        %and3A_266 = arith.constant -65536 : i32
        %and3A_267 = vector.broadcast %and3A_266 : i32 to vector<16xi32>
        %and3A_268 = arith.andi %gather3A_253, %and3A_267 : vector<16xi32>
        %bitcast3A_269 = vector.bitcast %and3A_268 : vector<16xi32> to vector<16xf32>
        %mul3A_270 = arith.mulf %bitcast3A_257, %bitcast3A_265 : vector<16xf32>
        %add3A_271 = arith.addf %add3A_245, %mul3A_270 : vector<16xf32>
        %mul3A_272 = arith.mulf %bitcast3A_261, %bitcast3A_269 : vector<16xf32>
        %add3A_273 = arith.addf %add3A_271, %mul3A_272 : vector<16xf32>
        %add3A_274 = arith.constant 5 : i32
        %add3A_275 = vector.broadcast %add3A_274 : i32 to vector<16xi32>
        %add3A_276 = arith.addi %gather3A, %add3A_275 : vector<16xi32>
        %gather3A_277 = tpu.vector_load_idx %arg11[%shift_right_arithmetic3A_134, %add3A_276] : memref<128x128xi32, #tpu.memory_space<vmem>>[vector<16xi32>, vector<16xi32>], vector<16xi32>,
        %add3A_278 = arith.constant 5 : i32
        %add3A_279 = vector.broadcast %add3A_278 : i32 to vector<16xi32>
        %add3A_280 = arith.addi %get3A_135, %add3A_279 : vector<16xi32>
        %gather3A_281 = tpu.vector_load_idx %arg12[%add3A_129, %add3A_280] : memref<640x128xi32, #tpu.memory_space<vmem>>[vector<16xi32>, vector<16xi32>], vector<16xi32>,
        %shift_left3A_282 = arith.constant 16 : i32
        %shift_left3A_283 = vector.broadcast %shift_left3A_282 : i32 to vector<16xi32>
        %shift_left3A_284 = arith.shli %gather3A_277, %shift_left3A_283 : vector<16xi32>
        %bitcast3A_285 = vector.bitcast %shift_left3A_284 : vector<16xi32> to vector<16xf32>
        %and3A_286 = arith.constant -65536 : i32
        %and3A_287 = vector.broadcast %and3A_286 : i32 to vector<16xi32>
        %and3A_288 = arith.andi %gather3A_277, %and3A_287 : vector<16xi32>
        %bitcast3A_289 = vector.bitcast %and3A_288 : vector<16xi32> to vector<16xf32>
        %shift_left3A_290 = arith.constant 16 : i32
        %shift_left3A_291 = vector.broadcast %shift_left3A_290 : i32 to vector<16xi32>
        %shift_left3A_292 = arith.shli %gather3A_281, %shift_left3A_291 : vector<16xi32>
        %bitcast3A_293 = vector.bitcast %shift_left3A_292 : vector<16xi32> to vector<16xf32>
        %and3A_294 = arith.constant -65536 : i32
        %and3A_295 = vector.broadcast %and3A_294 : i32 to vector<16xi32>
        %and3A_296 = arith.andi %gather3A_281, %and3A_295 : vector<16xi32>
        %bitcast3A_297 = vector.bitcast %and3A_296 : vector<16xi32> to vector<16xf32>
        %mul3A_298 = arith.mulf %bitcast3A_285, %bitcast3A_293 : vector<16xf32>
        %add3A_299 = arith.addf %add3A_273, %mul3A_298 : vector<16xf32>
        %mul3A_300 = arith.mulf %bitcast3A_289, %bitcast3A_297 : vector<16xf32>
        %add3A_301 = arith.addf %add3A_299, %mul3A_300 : vector<16xf32>
        %add3A_302 = arith.constant 6 : i32
        %add3A_303 = vector.broadcast %add3A_302 : i32 to vector<16xi32>
        %add3A_304 = arith.addi %gather3A, %add3A_303 : vector<16xi32>
        %gather3A_305 = tpu.vector_load_idx %arg11[%shift_right_arithmetic3A_134, %add3A_304] : memref<128x128xi32, #tpu.memory_space<vmem>>[vector<16xi32>, vector<16xi32>], vector<16xi32>,
        %add3A_306 = arith.constant 6 : i32
        %add3A_307 = vector.broadcast %add3A_306 : i32 to vector<16xi32>
        %add3A_308 = arith.addi %get3A_135, %add3A_307 : vector<16xi32>
        %gather3A_309 = tpu.vector_load_idx %arg12[%add3A_129, %add3A_308] : memref<640x128xi32, #tpu.memory_space<vmem>>[vector<16xi32>, vector<16xi32>], vector<16xi32>,
        %shift_left3A_310 = arith.constant 16 : i32
        %shift_left3A_311 = vector.broadcast %shift_left3A_310 : i32 to vector<16xi32>
        %shift_left3A_312 = arith.shli %gather3A_305, %shift_left3A_311 : vector<16xi32>
        %bitcast3A_313 = vector.bitcast %shift_left3A_312 : vector<16xi32> to vector<16xf32>
        %and3A_314 = arith.constant -65536 : i32
        %and3A_315 = vector.broadcast %and3A_314 : i32 to vector<16xi32>
        %and3A_316 = arith.andi %gather3A_305, %and3A_315 : vector<16xi32>
        %bitcast3A_317 = vector.bitcast %and3A_316 : vector<16xi32> to vector<16xf32>
        %shift_left3A_318 = arith.constant 16 : i32
        %shift_left3A_319 = vector.broadcast %shift_left3A_318 : i32 to vector<16xi32>
        %shift_left3A_320 = arith.shli %gather3A_309, %shift_left3A_319 : vector<16xi32>
        %bitcast3A_321 = vector.bitcast %shift_left3A_320 : vector<16xi32> to vector<16xf32>
        %and3A_322 = arith.constant -65536 : i32
        %and3A_323 = vector.broadcast %and3A_322 : i32 to vector<16xi32>
        %and3A_324 = arith.andi %gather3A_309, %and3A_323 : vector<16xi32>
        %bitcast3A_325 = vector.bitcast %and3A_324 : vector<16xi32> to vector<16xf32>
        %mul3A_326 = arith.mulf %bitcast3A_313, %bitcast3A_321 : vector<16xf32>
        %add3A_327 = arith.addf %add3A_301, %mul3A_326 : vector<16xf32>
        %mul3A_328 = arith.mulf %bitcast3A_317, %bitcast3A_325 : vector<16xf32>
        %add3A_329 = arith.addf %add3A_327, %mul3A_328 : vector<16xf32>
        %add3A_330 = arith.constant 7 : i32
        %add3A_331 = vector.broadcast %add3A_330 : i32 to vector<16xi32>
        %add3A_332 = arith.addi %gather3A, %add3A_331 : vector<16xi32>
        %gather3A_333 = tpu.vector_load_idx %arg11[%shift_right_arithmetic3A_134, %add3A_332] : memref<128x128xi32, #tpu.memory_space<vmem>>[vector<16xi32>, vector<16xi32>], vector<16xi32>,
        %add3A_334 = arith.constant 7 : i32
        %add3A_335 = vector.broadcast %add3A_334 : i32 to vector<16xi32>
        %add3A_336 = arith.addi %get3A_135, %add3A_335 : vector<16xi32>
        %gather3A_337 = tpu.vector_load_idx %arg12[%add3A_129, %add3A_336] : memref<640x128xi32, #tpu.memory_space<vmem>>[vector<16xi32>, vector<16xi32>], vector<16xi32>,
        %shift_left3A_338 = arith.constant 16 : i32
        %shift_left3A_339 = vector.broadcast %shift_left3A_338 : i32 to vector<16xi32>
        %shift_left3A_340 = arith.shli %gather3A_333, %shift_left3A_339 : vector<16xi32>
        %bitcast3A_341 = vector.bitcast %shift_left3A_340 : vector<16xi32> to vector<16xf32>
        %and3A_342 = arith.constant -65536 : i32
        %and3A_343 = vector.broadcast %and3A_342 : i32 to vector<16xi32>
        %and3A_344 = arith.andi %gather3A_333, %and3A_343 : vector<16xi32>
        %bitcast3A_345 = vector.bitcast %and3A_344 : vector<16xi32> to vector<16xf32>
        %shift_left3A_346 = arith.constant 16 : i32
        %shift_left3A_347 = vector.broadcast %shift_left3A_346 : i32 to vector<16xi32>
        %shift_left3A_348 = arith.shli %gather3A_337, %shift_left3A_347 : vector<16xi32>
        %bitcast3A_349 = vector.bitcast %shift_left3A_348 : vector<16xi32> to vector<16xf32>
        %and3A_350 = arith.constant -65536 : i32
        %and3A_351 = vector.broadcast %and3A_350 : i32 to vector<16xi32>
        %and3A_352 = arith.andi %gather3A_337, %and3A_351 : vector<16xi32>
        %bitcast3A_353 = vector.bitcast %and3A_352 : vector<16xi32> to vector<16xf32>
        %mul3A_354 = arith.mulf %bitcast3A_341, %bitcast3A_349 : vector<16xf32>
        %add3A_355 = arith.addf %add3A_329, %mul3A_354 : vector<16xf32>
        %mul3A_356 = arith.mulf %bitcast3A_345, %bitcast3A_353 : vector<16xf32>
        %add3A_357 = arith.addf %add3A_355, %mul3A_356 : vector<16xf32>
        %add3A_358 = arith.constant 8 : i32
        %add3A_359 = vector.broadcast %add3A_358 : i32 to vector<16xi32>
        %add3A_360 = arith.addi %gather3A, %add3A_359 : vector<16xi32>
        %gather3A_361 = tpu.vector_load_idx %arg11[%shift_right_arithmetic3A_134, %add3A_360] : memref<128x128xi32, #tpu.memory_space<vmem>>[vector<16xi32>, vector<16xi32>], vector<16xi32>,
        %add3A_362 = arith.constant 8 : i32
        %add3A_363 = vector.broadcast %add3A_362 : i32 to vector<16xi32>
        %add3A_364 = arith.addi %get3A_135, %add3A_363 : vector<16xi32>
        %gather3A_365 = tpu.vector_load_idx %arg12[%add3A_129, %add3A_364] : memref<640x128xi32, #tpu.memory_space<vmem>>[vector<16xi32>, vector<16xi32>], vector<16xi32>,
        %shift_left3A_366 = arith.constant 16 : i32
        %shift_left3A_367 = vector.broadcast %shift_left3A_366 : i32 to vector<16xi32>
        %shift_left3A_368 = arith.shli %gather3A_361, %shift_left3A_367 : vector<16xi32>
        %bitcast3A_369 = vector.bitcast %shift_left3A_368 : vector<16xi32> to vector<16xf32>
        %and3A_370 = arith.constant -65536 : i32
        %and3A_371 = vector.broadcast %and3A_370 : i32 to vector<16xi32>
        %and3A_372 = arith.andi %gather3A_361, %and3A_371 : vector<16xi32>
        %bitcast3A_373 = vector.bitcast %and3A_372 : vector<16xi32> to vector<16xf32>
        %shift_left3A_374 = arith.constant 16 : i32
        %shift_left3A_375 = vector.broadcast %shift_left3A_374 : i32 to vector<16xi32>
        %shift_left3A_376 = arith.shli %gather3A_365, %shift_left3A_375 : vector<16xi32>
        %bitcast3A_377 = vector.bitcast %shift_left3A_376 : vector<16xi32> to vector<16xf32>
        %and3A_378 = arith.constant -65536 : i32
        %and3A_379 = vector.broadcast %and3A_378 : i32 to vector<16xi32>
        %and3A_380 = arith.andi %gather3A_365, %and3A_379 : vector<16xi32>
        %bitcast3A_381 = vector.bitcast %and3A_380 : vector<16xi32> to vector<16xf32>
        %mul3A_382 = arith.mulf %bitcast3A_369, %bitcast3A_377 : vector<16xf32>
        %add3A_383 = arith.addf %add3A_357, %mul3A_382 : vector<16xf32>
        %mul3A_384 = arith.mulf %bitcast3A_373, %bitcast3A_381 : vector<16xf32>
        %add3A_385 = arith.addf %add3A_383, %mul3A_384 : vector<16xf32>
        %add3A_386 = arith.constant 9 : i32
        %add3A_387 = vector.broadcast %add3A_386 : i32 to vector<16xi32>
        %add3A_388 = arith.addi %gather3A, %add3A_387 : vector<16xi32>
        %gather3A_389 = tpu.vector_load_idx %arg11[%shift_right_arithmetic3A_134, %add3A_388] : memref<128x128xi32, #tpu.memory_space<vmem>>[vector<16xi32>, vector<16xi32>], vector<16xi32>,
        %add3A_390 = arith.constant 9 : i32
        %add3A_391 = vector.broadcast %add3A_390 : i32 to vector<16xi32>
        %add3A_392 = arith.addi %get3A_135, %add3A_391 : vector<16xi32>
        %gather3A_393 = tpu.vector_load_idx %arg12[%add3A_129, %add3A_392] : memref<640x128xi32, #tpu.memory_space<vmem>>[vector<16xi32>, vector<16xi32>], vector<16xi32>,
        %shift_left3A_394 = arith.constant 16 : i32
        %shift_left3A_395 = vector.broadcast %shift_left3A_394 : i32 to vector<16xi32>
        %shift_left3A_396 = arith.shli %gather3A_389, %shift_left3A_395 : vector<16xi32>
        %bitcast3A_397 = vector.bitcast %shift_left3A_396 : vector<16xi32> to vector<16xf32>
        %and3A_398 = arith.constant -65536 : i32
        %and3A_399 = vector.broadcast %and3A_398 : i32 to vector<16xi32>
        %and3A_400 = arith.andi %gather3A_389, %and3A_399 : vector<16xi32>
        %bitcast3A_401 = vector.bitcast %and3A_400 : vector<16xi32> to vector<16xf32>
        %shift_left3A_402 = arith.constant 16 : i32
        %shift_left3A_403 = vector.broadcast %shift_left3A_402 : i32 to vector<16xi32>
        %shift_left3A_404 = arith.shli %gather3A_393, %shift_left3A_403 : vector<16xi32>
        %bitcast3A_405 = vector.bitcast %shift_left3A_404 : vector<16xi32> to vector<16xf32>
        %and3A_406 = arith.constant -65536 : i32
        %and3A_407 = vector.broadcast %and3A_406 : i32 to vector<16xi32>
        %and3A_408 = arith.andi %gather3A_393, %and3A_407 : vector<16xi32>
        %bitcast3A_409 = vector.bitcast %and3A_408 : vector<16xi32> to vector<16xf32>
        %mul3A_410 = arith.mulf %bitcast3A_397, %bitcast3A_405 : vector<16xf32>
        %add3A_411 = arith.addf %add3A_385, %mul3A_410 : vector<16xf32>
        %mul3A_412 = arith.mulf %bitcast3A_401, %bitcast3A_409 : vector<16xf32>
        %add3A_413 = arith.addf %add3A_411, %mul3A_412 : vector<16xf32>
        %add3A_414 = arith.constant 10 : i32
        %add3A_415 = vector.broadcast %add3A_414 : i32 to vector<16xi32>
        %add3A_416 = arith.addi %gather3A, %add3A_415 : vector<16xi32>
        %gather3A_417 = tpu.vector_load_idx %arg11[%shift_right_arithmetic3A_134, %add3A_416] : memref<128x128xi32, #tpu.memory_space<vmem>>[vector<16xi32>, vector<16xi32>], vector<16xi32>,
        %add3A_418 = arith.constant 10 : i32
        %add3A_419 = vector.broadcast %add3A_418 : i32 to vector<16xi32>
        %add3A_420 = arith.addi %get3A_135, %add3A_419 : vector<16xi32>
        %gather3A_421 = tpu.vector_load_idx %arg12[%add3A_129, %add3A_420] : memref<640x128xi32, #tpu.memory_space<vmem>>[vector<16xi32>, vector<16xi32>], vector<16xi32>,
        %shift_left3A_422 = arith.constant 16 : i32
        %shift_left3A_423 = vector.broadcast %shift_left3A_422 : i32 to vector<16xi32>
        %shift_left3A_424 = arith.shli %gather3A_417, %shift_left3A_423 : vector<16xi32>
        %bitcast3A_425 = vector.bitcast %shift_left3A_424 : vector<16xi32> to vector<16xf32>
        %and3A_426 = arith.constant -65536 : i32
        %and3A_427 = vector.broadcast %and3A_426 : i32 to vector<16xi32>
        %and3A_428 = arith.andi %gather3A_417, %and3A_427 : vector<16xi32>
        %bitcast3A_429 = vector.bitcast %and3A_428 : vector<16xi32> to vector<16xf32>
        %shift_left3A_430 = arith.constant 16 : i32
        %shift_left3A_431 = vector.broadcast %shift_left3A_430 : i32 to vector<16xi32>
        %shift_left3A_432 = arith.shli %gather3A_421, %shift_left3A_431 : vector<16xi32>
        %bitcast3A_433 = vector.bitcast %shift_left3A_432 : vector<16xi32> to vector<16xf32>
        %and3A_434 = arith.constant -65536 : i32
        %and3A_435 = vector.broadcast %and3A_434 : i32 to vector<16xi32>
        %and3A_436 = arith.andi %gather3A_421, %and3A_435 : vector<16xi32>
        %bitcast3A_437 = vector.bitcast %and3A_436 : vector<16xi32> to vector<16xf32>
        %mul3A_438 = arith.mulf %bitcast3A_425, %bitcast3A_433 : vector<16xf32>
        %add3A_439 = arith.addf %add3A_413, %mul3A_438 : vector<16xf32>
        %mul3A_440 = arith.mulf %bitcast3A_429, %bitcast3A_437 : vector<16xf32>
        %add3A_441 = arith.addf %add3A_439, %mul3A_440 : vector<16xf32>
        %add3A_442 = arith.constant 11 : i32
        %add3A_443 = vector.broadcast %add3A_442 : i32 to vector<16xi32>
        %add3A_444 = arith.addi %gather3A, %add3A_443 : vector<16xi32>
        %gather3A_445 = tpu.vector_load_idx %arg11[%shift_right_arithmetic3A_134, %add3A_444] : memref<128x128xi32, #tpu.memory_space<vmem>>[vector<16xi32>, vector<16xi32>], vector<16xi32>,
        %add3A_446 = arith.constant 11 : i32
        %add3A_447 = vector.broadcast %add3A_446 : i32 to vector<16xi32>
        %add3A_448 = arith.addi %get3A_135, %add3A_447 : vector<16xi32>
        %gather3A_449 = tpu.vector_load_idx %arg12[%add3A_129, %add3A_448] : memref<640x128xi32, #tpu.memory_space<vmem>>[vector<16xi32>, vector<16xi32>], vector<16xi32>,
        %shift_left3A_450 = arith.constant 16 : i32
        %shift_left3A_451 = vector.broadcast %shift_left3A_450 : i32 to vector<16xi32>
        %shift_left3A_452 = arith.shli %gather3A_445, %shift_left3A_451 : vector<16xi32>
        %bitcast3A_453 = vector.bitcast %shift_left3A_452 : vector<16xi32> to vector<16xf32>
        %and3A_454 = arith.constant -65536 : i32
        %and3A_455 = vector.broadcast %and3A_454 : i32 to vector<16xi32>
        %and3A_456 = arith.andi %gather3A_445, %and3A_455 : vector<16xi32>
        %bitcast3A_457 = vector.bitcast %and3A_456 : vector<16xi32> to vector<16xf32>
        %shift_left3A_458 = arith.constant 16 : i32
        %shift_left3A_459 = vector.broadcast %shift_left3A_458 : i32 to vector<16xi32>
        %shift_left3A_460 = arith.shli %gather3A_449, %shift_left3A_459 : vector<16xi32>
        %bitcast3A_461 = vector.bitcast %shift_left3A_460 : vector<16xi32> to vector<16xf32>
        %and3A_462 = arith.constant -65536 : i32
        %and3A_463 = vector.broadcast %and3A_462 : i32 to vector<16xi32>
        %and3A_464 = arith.andi %gather3A_449, %and3A_463 : vector<16xi32>
        %bitcast3A_465 = vector.bitcast %and3A_464 : vector<16xi32> to vector<16xf32>
        %mul3A_466 = arith.mulf %bitcast3A_453, %bitcast3A_461 : vector<16xf32>
        %add3A_467 = arith.addf %add3A_441, %mul3A_466 : vector<16xf32>
        %mul3A_468 = arith.mulf %bitcast3A_457, %bitcast3A_465 : vector<16xf32>
        %add3A_469 = arith.addf %add3A_467, %mul3A_468 : vector<16xf32>
        %add3A_470 = arith.constant 12 : i32
        %add3A_471 = vector.broadcast %add3A_470 : i32 to vector<16xi32>
        %add3A_472 = arith.addi %gather3A, %add3A_471 : vector<16xi32>
        %gather3A_473 = tpu.vector_load_idx %arg11[%shift_right_arithmetic3A_134, %add3A_472] : memref<128x128xi32, #tpu.memory_space<vmem>>[vector<16xi32>, vector<16xi32>], vector<16xi32>,
        %add3A_474 = arith.constant 12 : i32
        %add3A_475 = vector.broadcast %add3A_474 : i32 to vector<16xi32>
        %add3A_476 = arith.addi %get3A_135, %add3A_475 : vector<16xi32>
        %gather3A_477 = tpu.vector_load_idx %arg12[%add3A_129, %add3A_476] : memref<640x128xi32, #tpu.memory_space<vmem>>[vector<16xi32>, vector<16xi32>], vector<16xi32>,
        %shift_left3A_478 = arith.constant 16 : i32
        %shift_left3A_479 = vector.broadcast %shift_left3A_478 : i32 to vector<16xi32>
        %shift_left3A_480 = arith.shli %gather3A_473, %shift_left3A_479 : vector<16xi32>
        %bitcast3A_481 = vector.bitcast %shift_left3A_480 : vector<16xi32> to vector<16xf32>
        %and3A_482 = arith.constant -65536 : i32
        %and3A_483 = vector.broadcast %and3A_482 : i32 to vector<16xi32>
        %and3A_484 = arith.andi %gather3A_473, %and3A_483 : vector<16xi32>
        %bitcast3A_485 = vector.bitcast %and3A_484 : vector<16xi32> to vector<16xf32>
        %shift_left3A_486 = arith.constant 16 : i32
        %shift_left3A_487 = vector.broadcast %shift_left3A_486 : i32 to vector<16xi32>
        %shift_left3A_488 = arith.shli %gather3A_477, %shift_left3A_487 : vector<16xi32>
        %bitcast3A_489 = vector.bitcast %shift_left3A_488 : vector<16xi32> to vector<16xf32>
        %and3A_490 = arith.constant -65536 : i32
        %and3A_491 = vector.broadcast %and3A_490 : i32 to vector<16xi32>
        %and3A_492 = arith.andi %gather3A_477, %and3A_491 : vector<16xi32>
        %bitcast3A_493 = vector.bitcast %and3A_492 : vector<16xi32> to vector<16xf32>
        %mul3A_494 = arith.mulf %bitcast3A_481, %bitcast3A_489 : vector<16xf32>
        %add3A_495 = arith.addf %add3A_469, %mul3A_494 : vector<16xf32>
        %mul3A_496 = arith.mulf %bitcast3A_485, %bitcast3A_493 : vector<16xf32>
        %add3A_497 = arith.addf %add3A_495, %mul3A_496 : vector<16xf32>
        %add3A_498 = arith.constant 13 : i32
        %add3A_499 = vector.broadcast %add3A_498 : i32 to vector<16xi32>
        %add3A_500 = arith.addi %gather3A, %add3A_499 : vector<16xi32>
        %gather3A_501 = tpu.vector_load_idx %arg11[%shift_right_arithmetic3A_134, %add3A_500] : memref<128x128xi32, #tpu.memory_space<vmem>>[vector<16xi32>, vector<16xi32>], vector<16xi32>,
        %add3A_502 = arith.constant 13 : i32
        %add3A_503 = vector.broadcast %add3A_502 : i32 to vector<16xi32>
        %add3A_504 = arith.addi %get3A_135, %add3A_503 : vector<16xi32>
        %gather3A_505 = tpu.vector_load_idx %arg12[%add3A_129, %add3A_504] : memref<640x128xi32, #tpu.memory_space<vmem>>[vector<16xi32>, vector<16xi32>], vector<16xi32>,
        %shift_left3A_506 = arith.constant 16 : i32
        %shift_left3A_507 = vector.broadcast %shift_left3A_506 : i32 to vector<16xi32>
        %shift_left3A_508 = arith.shli %gather3A_501, %shift_left3A_507 : vector<16xi32>
        %bitcast3A_509 = vector.bitcast %shift_left3A_508 : vector<16xi32> to vector<16xf32>
        %and3A_510 = arith.constant -65536 : i32
        %and3A_511 = vector.broadcast %and3A_510 : i32 to vector<16xi32>
        %and3A_512 = arith.andi %gather3A_501, %and3A_511 : vector<16xi32>
        %bitcast3A_513 = vector.bitcast %and3A_512 : vector<16xi32> to vector<16xf32>
        %shift_left3A_514 = arith.constant 16 : i32
        %shift_left3A_515 = vector.broadcast %shift_left3A_514 : i32 to vector<16xi32>
        %shift_left3A_516 = arith.shli %gather3A_505, %shift_left3A_515 : vector<16xi32>
        %bitcast3A_517 = vector.bitcast %shift_left3A_516 : vector<16xi32> to vector<16xf32>
        %and3A_518 = arith.constant -65536 : i32
        %and3A_519 = vector.broadcast %and3A_518 : i32 to vector<16xi32>
        %and3A_520 = arith.andi %gather3A_505, %and3A_519 : vector<16xi32>
        %bitcast3A_521 = vector.bitcast %and3A_520 : vector<16xi32> to vector<16xf32>
        %mul3A_522 = arith.mulf %bitcast3A_509, %bitcast3A_517 : vector<16xf32>
        %add3A_523 = arith.addf %add3A_497, %mul3A_522 : vector<16xf32>
        %mul3A_524 = arith.mulf %bitcast3A_513, %bitcast3A_521 : vector<16xf32>
        %add3A_525 = arith.addf %add3A_523, %mul3A_524 : vector<16xf32>
        %add3A_526 = arith.constant 14 : i32
        %add3A_527 = vector.broadcast %add3A_526 : i32 to vector<16xi32>
        %add3A_528 = arith.addi %gather3A, %add3A_527 : vector<16xi32>
        %gather3A_529 = tpu.vector_load_idx %arg11[%shift_right_arithmetic3A_134, %add3A_528] : memref<128x128xi32, #tpu.memory_space<vmem>>[vector<16xi32>, vector<16xi32>], vector<16xi32>,
        %add3A_530 = arith.constant 14 : i32
        %add3A_531 = vector.broadcast %add3A_530 : i32 to vector<16xi32>
        %add3A_532 = arith.addi %get3A_135, %add3A_531 : vector<16xi32>
        %gather3A_533 = tpu.vector_load_idx %arg12[%add3A_129, %add3A_532] : memref<640x128xi32, #tpu.memory_space<vmem>>[vector<16xi32>, vector<16xi32>], vector<16xi32>,
        %shift_left3A_534 = arith.constant 16 : i32
        %shift_left3A_535 = vector.broadcast %shift_left3A_534 : i32 to vector<16xi32>
        %shift_left3A_536 = arith.shli %gather3A_529, %shift_left3A_535 : vector<16xi32>
        %bitcast3A_537 = vector.bitcast %shift_left3A_536 : vector<16xi32> to vector<16xf32>
        %and3A_538 = arith.constant -65536 : i32
        %and3A_539 = vector.broadcast %and3A_538 : i32 to vector<16xi32>
        %and3A_540 = arith.andi %gather3A_529, %and3A_539 : vector<16xi32>
        %bitcast3A_541 = vector.bitcast %and3A_540 : vector<16xi32> to vector<16xf32>
        %shift_left3A_542 = arith.constant 16 : i32
        %shift_left3A_543 = vector.broadcast %shift_left3A_542 : i32 to vector<16xi32>
        %shift_left3A_544 = arith.shli %gather3A_533, %shift_left3A_543 : vector<16xi32>
        %bitcast3A_545 = vector.bitcast %shift_left3A_544 : vector<16xi32> to vector<16xf32>
        %and3A_546 = arith.constant -65536 : i32
        %and3A_547 = vector.broadcast %and3A_546 : i32 to vector<16xi32>
        %and3A_548 = arith.andi %gather3A_533, %and3A_547 : vector<16xi32>
        %bitcast3A_549 = vector.bitcast %and3A_548 : vector<16xi32> to vector<16xf32>
        %mul3A_550 = arith.mulf %bitcast3A_537, %bitcast3A_545 : vector<16xf32>
        %add3A_551 = arith.addf %add3A_525, %mul3A_550 : vector<16xf32>
        %mul3A_552 = arith.mulf %bitcast3A_541, %bitcast3A_549 : vector<16xf32>
        %add3A_553 = arith.addf %add3A_551, %mul3A_552 : vector<16xf32>
        %add3A_554 = arith.constant 15 : i32
        %add3A_555 = vector.broadcast %add3A_554 : i32 to vector<16xi32>
        %add3A_556 = arith.addi %gather3A, %add3A_555 : vector<16xi32>
        %gather3A_557 = tpu.vector_load_idx %arg11[%shift_right_arithmetic3A_134, %add3A_556] : memref<128x128xi32, #tpu.memory_space<vmem>>[vector<16xi32>, vector<16xi32>], vector<16xi32>,
        %add3A_558 = arith.constant 15 : i32
        %add3A_559 = vector.broadcast %add3A_558 : i32 to vector<16xi32>
        %add3A_560 = arith.addi %get3A_135, %add3A_559 : vector<16xi32>
        %gather3A_561 = tpu.vector_load_idx %arg12[%add3A_129, %add3A_560] : memref<640x128xi32, #tpu.memory_space<vmem>>[vector<16xi32>, vector<16xi32>], vector<16xi32>,
        %shift_left3A_562 = arith.constant 16 : i32
        %shift_left3A_563 = vector.broadcast %shift_left3A_562 : i32 to vector<16xi32>
        %shift_left3A_564 = arith.shli %gather3A_557, %shift_left3A_563 : vector<16xi32>
        %bitcast3A_565 = vector.bitcast %shift_left3A_564 : vector<16xi32> to vector<16xf32>
        %and3A_566 = arith.constant -65536 : i32
        %and3A_567 = vector.broadcast %and3A_566 : i32 to vector<16xi32>
        %and3A_568 = arith.andi %gather3A_557, %and3A_567 : vector<16xi32>
        %bitcast3A_569 = vector.bitcast %and3A_568 : vector<16xi32> to vector<16xf32>
        %shift_left3A_570 = arith.constant 16 : i32
        %shift_left3A_571 = vector.broadcast %shift_left3A_570 : i32 to vector<16xi32>
        %shift_left3A_572 = arith.shli %gather3A_561, %shift_left3A_571 : vector<16xi32>
        %bitcast3A_573 = vector.bitcast %shift_left3A_572 : vector<16xi32> to vector<16xf32>
        %and3A_574 = arith.constant -65536 : i32
        %and3A_575 = vector.broadcast %and3A_574 : i32 to vector<16xi32>
        %and3A_576 = arith.andi %gather3A_561, %and3A_575 : vector<16xi32>
        %bitcast3A_577 = vector.bitcast %and3A_576 : vector<16xi32> to vector<16xf32>
        %mul3A_578 = arith.mulf %bitcast3A_565, %bitcast3A_573 : vector<16xf32>
        %add3A_579 = arith.addf %add3A_553, %mul3A_578 : vector<16xf32>
        %mul3A_580 = arith.mulf %bitcast3A_569, %bitcast3A_577 : vector<16xf32>
        %add3A_581 = arith.addf %add3A_579, %mul3A_580 : vector<16xf32>
        %add3A_582 = arith.constant 16 : i32
        %add3A_583 = vector.broadcast %add3A_582 : i32 to vector<16xi32>
        %add3A_584 = arith.addi %gather3A, %add3A_583 : vector<16xi32>
        %gather3A_585 = tpu.vector_load_idx %arg11[%shift_right_arithmetic3A_134, %add3A_584] : memref<128x128xi32, #tpu.memory_space<vmem>>[vector<16xi32>, vector<16xi32>], vector<16xi32>,
        %add3A_586 = arith.constant 16 : i32
        %add3A_587 = vector.broadcast %add3A_586 : i32 to vector<16xi32>
        %add3A_588 = arith.addi %get3A_135, %add3A_587 : vector<16xi32>
        %gather3A_589 = tpu.vector_load_idx %arg12[%add3A_129, %add3A_588] : memref<640x128xi32, #tpu.memory_space<vmem>>[vector<16xi32>, vector<16xi32>], vector<16xi32>,
        %shift_left3A_590 = arith.constant 16 : i32
        %shift_left3A_591 = vector.broadcast %shift_left3A_590 : i32 to vector<16xi32>
        %shift_left3A_592 = arith.shli %gather3A_585, %shift_left3A_591 : vector<16xi32>
        %bitcast3A_593 = vector.bitcast %shift_left3A_592 : vector<16xi32> to vector<16xf32>
        %and3A_594 = arith.constant -65536 : i32
        %and3A_595 = vector.broadcast %and3A_594 : i32 to vector<16xi32>
        %and3A_596 = arith.andi %gather3A_585, %and3A_595 : vector<16xi32>
        %bitcast3A_597 = vector.bitcast %and3A_596 : vector<16xi32> to vector<16xf32>
        %shift_left3A_598 = arith.constant 16 : i32
        %shift_left3A_599 = vector.broadcast %shift_left3A_598 : i32 to vector<16xi32>
        %shift_left3A_600 = arith.shli %gather3A_589, %shift_left3A_599 : vector<16xi32>
        %bitcast3A_601 = vector.bitcast %shift_left3A_600 : vector<16xi32> to vector<16xf32>
        %and3A_602 = arith.constant -65536 : i32
        %and3A_603 = vector.broadcast %and3A_602 : i32 to vector<16xi32>
        %and3A_604 = arith.andi %gather3A_589, %and3A_603 : vector<16xi32>
        %bitcast3A_605 = vector.bitcast %and3A_604 : vector<16xi32> to vector<16xf32>
        %mul3A_606 = arith.mulf %bitcast3A_593, %bitcast3A_601 : vector<16xf32>
        %add3A_607 = arith.addf %add3A_581, %mul3A_606 : vector<16xf32>
        %mul3A_608 = arith.mulf %bitcast3A_597, %bitcast3A_605 : vector<16xf32>
        %add3A_609 = arith.addf %add3A_607, %mul3A_608 : vector<16xf32>
        %add3A_610 = arith.constant 17 : i32
        %add3A_611 = vector.broadcast %add3A_610 : i32 to vector<16xi32>
        %add3A_612 = arith.addi %gather3A, %add3A_611 : vector<16xi32>
        %gather3A_613 = tpu.vector_load_idx %arg11[%shift_right_arithmetic3A_134, %add3A_612] : memref<128x128xi32, #tpu.memory_space<vmem>>[vector<16xi32>, vector<16xi32>], vector<16xi32>,
        %add3A_614 = arith.constant 17 : i32
        %add3A_615 = vector.broadcast %add3A_614 : i32 to vector<16xi32>
        %add3A_616 = arith.addi %get3A_135, %add3A_615 : vector<16xi32>
        %gather3A_617 = tpu.vector_load_idx %arg12[%add3A_129, %add3A_616] : memref<640x128xi32, #tpu.memory_space<vmem>>[vector<16xi32>, vector<16xi32>], vector<16xi32>,
        %shift_left3A_618 = arith.constant 16 : i32
        %shift_left3A_619 = vector.broadcast %shift_left3A_618 : i32 to vector<16xi32>
        %shift_left3A_620 = arith.shli %gather3A_613, %shift_left3A_619 : vector<16xi32>
        %bitcast3A_621 = vector.bitcast %shift_left3A_620 : vector<16xi32> to vector<16xf32>
        %and3A_622 = arith.constant -65536 : i32
        %and3A_623 = vector.broadcast %and3A_622 : i32 to vector<16xi32>
        %and3A_624 = arith.andi %gather3A_613, %and3A_623 : vector<16xi32>
        %bitcast3A_625 = vector.bitcast %and3A_624 : vector<16xi32> to vector<16xf32>
        %shift_left3A_626 = arith.constant 16 : i32
        %shift_left3A_627 = vector.broadcast %shift_left3A_626 : i32 to vector<16xi32>
        %shift_left3A_628 = arith.shli %gather3A_617, %shift_left3A_627 : vector<16xi32>
        %bitcast3A_629 = vector.bitcast %shift_left3A_628 : vector<16xi32> to vector<16xf32>
        %and3A_630 = arith.constant -65536 : i32
        %and3A_631 = vector.broadcast %and3A_630 : i32 to vector<16xi32>
        %and3A_632 = arith.andi %gather3A_617, %and3A_631 : vector<16xi32>
        %bitcast3A_633 = vector.bitcast %and3A_632 : vector<16xi32> to vector<16xf32>
        %mul3A_634 = arith.mulf %bitcast3A_621, %bitcast3A_629 : vector<16xf32>
        %add3A_635 = arith.addf %add3A_609, %mul3A_634 : vector<16xf32>
        %mul3A_636 = arith.mulf %bitcast3A_625, %bitcast3A_633 : vector<16xf32>
        %add3A_637 = arith.addf %add3A_635, %mul3A_636 : vector<16xf32>
        %add3A_638 = arith.constant 18 : i32
        %add3A_639 = vector.broadcast %add3A_638 : i32 to vector<16xi32>
        %add3A_640 = arith.addi %gather3A, %add3A_639 : vector<16xi32>
        %gather3A_641 = tpu.vector_load_idx %arg11[%shift_right_arithmetic3A_134, %add3A_640] : memref<128x128xi32, #tpu.memory_space<vmem>>[vector<16xi32>, vector<16xi32>], vector<16xi32>,
        %add3A_642 = arith.constant 18 : i32
        %add3A_643 = vector.broadcast %add3A_642 : i32 to vector<16xi32>
        %add3A_644 = arith.addi %get3A_135, %add3A_643 : vector<16xi32>
        %gather3A_645 = tpu.vector_load_idx %arg12[%add3A_129, %add3A_644] : memref<640x128xi32, #tpu.memory_space<vmem>>[vector<16xi32>, vector<16xi32>], vector<16xi32>,
        %shift_left3A_646 = arith.constant 16 : i32
        %shift_left3A_647 = vector.broadcast %shift_left3A_646 : i32 to vector<16xi32>
        %shift_left3A_648 = arith.shli %gather3A_641, %shift_left3A_647 : vector<16xi32>
        %bitcast3A_649 = vector.bitcast %shift_left3A_648 : vector<16xi32> to vector<16xf32>
        %and3A_650 = arith.constant -65536 : i32
        %and3A_651 = vector.broadcast %and3A_650 : i32 to vector<16xi32>
        %and3A_652 = arith.andi %gather3A_641, %and3A_651 : vector<16xi32>
        %bitcast3A_653 = vector.bitcast %and3A_652 : vector<16xi32> to vector<16xf32>
        %shift_left3A_654 = arith.constant 16 : i32
        %shift_left3A_655 = vector.broadcast %shift_left3A_654 : i32 to vector<16xi32>
        %shift_left3A_656 = arith.shli %gather3A_645, %shift_left3A_655 : vector<16xi32>
        %bitcast3A_657 = vector.bitcast %shift_left3A_656 : vector<16xi32> to vector<16xf32>
        %and3A_658 = arith.constant -65536 : i32
        %and3A_659 = vector.broadcast %and3A_658 : i32 to vector<16xi32>
        %and3A_660 = arith.andi %gather3A_645, %and3A_659 : vector<16xi32>
        %bitcast3A_661 = vector.bitcast %and3A_660 : vector<16xi32> to vector<16xf32>
        %mul3A_662 = arith.mulf %bitcast3A_649, %bitcast3A_657 : vector<16xf32>
        %add3A_663 = arith.addf %add3A_637, %mul3A_662 : vector<16xf32>
        %mul3A_664 = arith.mulf %bitcast3A_653, %bitcast3A_661 : vector<16xf32>
        %add3A_665 = arith.addf %add3A_663, %mul3A_664 : vector<16xf32>
        %add3A_666 = arith.constant 19 : i32
        %add3A_667 = vector.broadcast %add3A_666 : i32 to vector<16xi32>
        %add3A_668 = arith.addi %gather3A, %add3A_667 : vector<16xi32>
        %gather3A_669 = tpu.vector_load_idx %arg11[%shift_right_arithmetic3A_134, %add3A_668] : memref<128x128xi32, #tpu.memory_space<vmem>>[vector<16xi32>, vector<16xi32>], vector<16xi32>,
        %add3A_670 = arith.constant 19 : i32
        %add3A_671 = vector.broadcast %add3A_670 : i32 to vector<16xi32>
        %add3A_672 = arith.addi %get3A_135, %add3A_671 : vector<16xi32>
        %gather3A_673 = tpu.vector_load_idx %arg12[%add3A_129, %add3A_672] : memref<640x128xi32, #tpu.memory_space<vmem>>[vector<16xi32>, vector<16xi32>], vector<16xi32>,
        %shift_left3A_674 = arith.constant 16 : i32
        %shift_left3A_675 = vector.broadcast %shift_left3A_674 : i32 to vector<16xi32>
        %shift_left3A_676 = arith.shli %gather3A_669, %shift_left3A_675 : vector<16xi32>
        %bitcast3A_677 = vector.bitcast %shift_left3A_676 : vector<16xi32> to vector<16xf32>
        %and3A_678 = arith.constant -65536 : i32
        %and3A_679 = vector.broadcast %and3A_678 : i32 to vector<16xi32>
        %and3A_680 = arith.andi %gather3A_669, %and3A_679 : vector<16xi32>
        %bitcast3A_681 = vector.bitcast %and3A_680 : vector<16xi32> to vector<16xf32>
        %shift_left3A_682 = arith.constant 16 : i32
        %shift_left3A_683 = vector.broadcast %shift_left3A_682 : i32 to vector<16xi32>
        %shift_left3A_684 = arith.shli %gather3A_673, %shift_left3A_683 : vector<16xi32>
        %bitcast3A_685 = vector.bitcast %shift_left3A_684 : vector<16xi32> to vector<16xf32>
        %and3A_686 = arith.constant -65536 : i32
        %and3A_687 = vector.broadcast %and3A_686 : i32 to vector<16xi32>
        %and3A_688 = arith.andi %gather3A_673, %and3A_687 : vector<16xi32>
        %bitcast3A_689 = vector.bitcast %and3A_688 : vector<16xi32> to vector<16xf32>
        %mul3A_690 = arith.mulf %bitcast3A_677, %bitcast3A_685 : vector<16xf32>
        %add3A_691 = arith.addf %add3A_665, %mul3A_690 : vector<16xf32>
        %mul3A_692 = arith.mulf %bitcast3A_681, %bitcast3A_689 : vector<16xf32>
        %add3A_693 = arith.addf %add3A_691, %mul3A_692 : vector<16xf32>
        %add3A_694 = arith.constant 20 : i32
        %add3A_695 = vector.broadcast %add3A_694 : i32 to vector<16xi32>
        %add3A_696 = arith.addi %gather3A, %add3A_695 : vector<16xi32>
        %gather3A_697 = tpu.vector_load_idx %arg11[%shift_right_arithmetic3A_134, %add3A_696] : memref<128x128xi32, #tpu.memory_space<vmem>>[vector<16xi32>, vector<16xi32>], vector<16xi32>,
        %add3A_698 = arith.constant 20 : i32
        %add3A_699 = vector.broadcast %add3A_698 : i32 to vector<16xi32>
        %add3A_700 = arith.addi %get3A_135, %add3A_699 : vector<16xi32>
        %gather3A_701 = tpu.vector_load_idx %arg12[%add3A_129, %add3A_700] : memref<640x128xi32, #tpu.memory_space<vmem>>[vector<16xi32>, vector<16xi32>], vector<16xi32>,
        %shift_left3A_702 = arith.constant 16 : i32
        %shift_left3A_703 = vector.broadcast %shift_left3A_702 : i32 to vector<16xi32>
        %shift_left3A_704 = arith.shli %gather3A_697, %shift_left3A_703 : vector<16xi32>
        %bitcast3A_705 = vector.bitcast %shift_left3A_704 : vector<16xi32> to vector<16xf32>
        %and3A_706 = arith.constant -65536 : i32
        %and3A_707 = vector.broadcast %and3A_706 : i32 to vector<16xi32>
        %and3A_708 = arith.andi %gather3A_697, %and3A_707 : vector<16xi32>
        %bitcast3A_709 = vector.bitcast %and3A_708 : vector<16xi32> to vector<16xf32>
        %shift_left3A_710 = arith.constant 16 : i32
        %shift_left3A_711 = vector.broadcast %shift_left3A_710 : i32 to vector<16xi32>
        %shift_left3A_712 = arith.shli %gather3A_701, %shift_left3A_711 : vector<16xi32>
        %bitcast3A_713 = vector.bitcast %shift_left3A_712 : vector<16xi32> to vector<16xf32>
        %and3A_714 = arith.constant -65536 : i32
        %and3A_715 = vector.broadcast %and3A_714 : i32 to vector<16xi32>
        %and3A_716 = arith.andi %gather3A_701, %and3A_715 : vector<16xi32>
        %bitcast3A_717 = vector.bitcast %and3A_716 : vector<16xi32> to vector<16xf32>
        %mul3A_718 = arith.mulf %bitcast3A_705, %bitcast3A_713 : vector<16xf32>
        %add3A_719 = arith.addf %add3A_693, %mul3A_718 : vector<16xf32>
        %mul3A_720 = arith.mulf %bitcast3A_709, %bitcast3A_717 : vector<16xf32>
        %add3A_721 = arith.addf %add3A_719, %mul3A_720 : vector<16xf32>
        %add3A_722 = arith.constant 21 : i32
        %add3A_723 = vector.broadcast %add3A_722 : i32 to vector<16xi32>
        %add3A_724 = arith.addi %gather3A, %add3A_723 : vector<16xi32>
        %gather3A_725 = tpu.vector_load_idx %arg11[%shift_right_arithmetic3A_134, %add3A_724] : memref<128x128xi32, #tpu.memory_space<vmem>>[vector<16xi32>, vector<16xi32>], vector<16xi32>,
        %add3A_726 = arith.constant 21 : i32
        %add3A_727 = vector.broadcast %add3A_726 : i32 to vector<16xi32>
        %add3A_728 = arith.addi %get3A_135, %add3A_727 : vector<16xi32>
        %gather3A_729 = tpu.vector_load_idx %arg12[%add3A_129, %add3A_728] : memref<640x128xi32, #tpu.memory_space<vmem>>[vector<16xi32>, vector<16xi32>], vector<16xi32>,
        %shift_left3A_730 = arith.constant 16 : i32
        %shift_left3A_731 = vector.broadcast %shift_left3A_730 : i32 to vector<16xi32>
        %shift_left3A_732 = arith.shli %gather3A_725, %shift_left3A_731 : vector<16xi32>
        %bitcast3A_733 = vector.bitcast %shift_left3A_732 : vector<16xi32> to vector<16xf32>
        %and3A_734 = arith.constant -65536 : i32
        %and3A_735 = vector.broadcast %and3A_734 : i32 to vector<16xi32>
        %and3A_736 = arith.andi %gather3A_725, %and3A_735 : vector<16xi32>
        %bitcast3A_737 = vector.bitcast %and3A_736 : vector<16xi32> to vector<16xf32>
        %shift_left3A_738 = arith.constant 16 : i32
        %shift_left3A_739 = vector.broadcast %shift_left3A_738 : i32 to vector<16xi32>
        %shift_left3A_740 = arith.shli %gather3A_729, %shift_left3A_739 : vector<16xi32>
        %bitcast3A_741 = vector.bitcast %shift_left3A_740 : vector<16xi32> to vector<16xf32>
        %and3A_742 = arith.constant -65536 : i32
        %and3A_743 = vector.broadcast %and3A_742 : i32 to vector<16xi32>
        %and3A_744 = arith.andi %gather3A_729, %and3A_743 : vector<16xi32>
        %bitcast3A_745 = vector.bitcast %and3A_744 : vector<16xi32> to vector<16xf32>
        %mul3A_746 = arith.mulf %bitcast3A_733, %bitcast3A_741 : vector<16xf32>
        %add3A_747 = arith.addf %add3A_721, %mul3A_746 : vector<16xf32>
        %mul3A_748 = arith.mulf %bitcast3A_737, %bitcast3A_745 : vector<16xf32>
        %add3A_749 = arith.addf %add3A_747, %mul3A_748 : vector<16xf32>
        %add3A_750 = arith.constant 22 : i32
        %add3A_751 = vector.broadcast %add3A_750 : i32 to vector<16xi32>
        %add3A_752 = arith.addi %gather3A, %add3A_751 : vector<16xi32>
        %gather3A_753 = tpu.vector_load_idx %arg11[%shift_right_arithmetic3A_134, %add3A_752] : memref<128x128xi32, #tpu.memory_space<vmem>>[vector<16xi32>, vector<16xi32>], vector<16xi32>,
        %add3A_754 = arith.constant 22 : i32
        %add3A_755 = vector.broadcast %add3A_754 : i32 to vector<16xi32>
        %add3A_756 = arith.addi %get3A_135, %add3A_755 : vector<16xi32>
        %gather3A_757 = tpu.vector_load_idx %arg12[%add3A_129, %add3A_756] : memref<640x128xi32, #tpu.memory_space<vmem>>[vector<16xi32>, vector<16xi32>], vector<16xi32>,
        %shift_left3A_758 = arith.constant 16 : i32
        %shift_left3A_759 = vector.broadcast %shift_left3A_758 : i32 to vector<16xi32>
        %shift_left3A_760 = arith.shli %gather3A_753, %shift_left3A_759 : vector<16xi32>
        %bitcast3A_761 = vector.bitcast %shift_left3A_760 : vector<16xi32> to vector<16xf32>
        %and3A_762 = arith.constant -65536 : i32
        %and3A_763 = vector.broadcast %and3A_762 : i32 to vector<16xi32>
        %and3A_764 = arith.andi %gather3A_753, %and3A_763 : vector<16xi32>
        %bitcast3A_765 = vector.bitcast %and3A_764 : vector<16xi32> to vector<16xf32>
        %shift_left3A_766 = arith.constant 16 : i32
        %shift_left3A_767 = vector.broadcast %shift_left3A_766 : i32 to vector<16xi32>
        %shift_left3A_768 = arith.shli %gather3A_757, %shift_left3A_767 : vector<16xi32>
        %bitcast3A_769 = vector.bitcast %shift_left3A_768 : vector<16xi32> to vector<16xf32>
        %and3A_770 = arith.constant -65536 : i32
        %and3A_771 = vector.broadcast %and3A_770 : i32 to vector<16xi32>
        %and3A_772 = arith.andi %gather3A_757, %and3A_771 : vector<16xi32>
        %bitcast3A_773 = vector.bitcast %and3A_772 : vector<16xi32> to vector<16xf32>
        %mul3A_774 = arith.mulf %bitcast3A_761, %bitcast3A_769 : vector<16xf32>
        %add3A_775 = arith.addf %add3A_749, %mul3A_774 : vector<16xf32>
        %mul3A_776 = arith.mulf %bitcast3A_765, %bitcast3A_773 : vector<16xf32>
        %add3A_777 = arith.addf %add3A_775, %mul3A_776 : vector<16xf32>
        %add3A_778 = arith.constant 23 : i32
        %add3A_779 = vector.broadcast %add3A_778 : i32 to vector<16xi32>
        %add3A_780 = arith.addi %gather3A, %add3A_779 : vector<16xi32>
        %gather3A_781 = tpu.vector_load_idx %arg11[%shift_right_arithmetic3A_134, %add3A_780] : memref<128x128xi32, #tpu.memory_space<vmem>>[vector<16xi32>, vector<16xi32>], vector<16xi32>,
        %add3A_782 = arith.constant 23 : i32
        %add3A_783 = vector.broadcast %add3A_782 : i32 to vector<16xi32>
        %add3A_784 = arith.addi %get3A_135, %add3A_783 : vector<16xi32>
        %gather3A_785 = tpu.vector_load_idx %arg12[%add3A_129, %add3A_784] : memref<640x128xi32, #tpu.memory_space<vmem>>[vector<16xi32>, vector<16xi32>], vector<16xi32>,
        %shift_left3A_786 = arith.constant 16 : i32
        %shift_left3A_787 = vector.broadcast %shift_left3A_786 : i32 to vector<16xi32>
        %shift_left3A_788 = arith.shli %gather3A_781, %shift_left3A_787 : vector<16xi32>
        %bitcast3A_789 = vector.bitcast %shift_left3A_788 : vector<16xi32> to vector<16xf32>
        %and3A_790 = arith.constant -65536 : i32
        %and3A_791 = vector.broadcast %and3A_790 : i32 to vector<16xi32>
        %and3A_792 = arith.andi %gather3A_781, %and3A_791 : vector<16xi32>
        %bitcast3A_793 = vector.bitcast %and3A_792 : vector<16xi32> to vector<16xf32>
        %shift_left3A_794 = arith.constant 16 : i32
        %shift_left3A_795 = vector.broadcast %shift_left3A_794 : i32 to vector<16xi32>
        %shift_left3A_796 = arith.shli %gather3A_785, %shift_left3A_795 : vector<16xi32>
        %bitcast3A_797 = vector.bitcast %shift_left3A_796 : vector<16xi32> to vector<16xf32>
        %and3A_798 = arith.constant -65536 : i32
        %and3A_799 = vector.broadcast %and3A_798 : i32 to vector<16xi32>
        %and3A_800 = arith.andi %gather3A_785, %and3A_799 : vector<16xi32>
        %bitcast3A_801 = vector.bitcast %and3A_800 : vector<16xi32> to vector<16xf32>
        %mul3A_802 = arith.mulf %bitcast3A_789, %bitcast3A_797 : vector<16xf32>
        %add3A_803 = arith.addf %add3A_777, %mul3A_802 : vector<16xf32>
        %mul3A_804 = arith.mulf %bitcast3A_793, %bitcast3A_801 : vector<16xf32>
        %add3A_805 = arith.addf %add3A_803, %mul3A_804 : vector<16xf32>
        %add3A_806 = arith.constant 24 : i32
        %add3A_807 = vector.broadcast %add3A_806 : i32 to vector<16xi32>
        %add3A_808 = arith.addi %gather3A, %add3A_807 : vector<16xi32>
        %gather3A_809 = tpu.vector_load_idx %arg11[%shift_right_arithmetic3A_134, %add3A_808] : memref<128x128xi32, #tpu.memory_space<vmem>>[vector<16xi32>, vector<16xi32>], vector<16xi32>,
        %add3A_810 = arith.constant 24 : i32
        %add3A_811 = vector.broadcast %add3A_810 : i32 to vector<16xi32>
        %add3A_812 = arith.addi %get3A_135, %add3A_811 : vector<16xi32>
        %gather3A_813 = tpu.vector_load_idx %arg12[%add3A_129, %add3A_812] : memref<640x128xi32, #tpu.memory_space<vmem>>[vector<16xi32>, vector<16xi32>], vector<16xi32>,
        %shift_left3A_814 = arith.constant 16 : i32
        %shift_left3A_815 = vector.broadcast %shift_left3A_814 : i32 to vector<16xi32>
        %shift_left3A_816 = arith.shli %gather3A_809, %shift_left3A_815 : vector<16xi32>
        %bitcast3A_817 = vector.bitcast %shift_left3A_816 : vector<16xi32> to vector<16xf32>
        %and3A_818 = arith.constant -65536 : i32
        %and3A_819 = vector.broadcast %and3A_818 : i32 to vector<16xi32>
        %and3A_820 = arith.andi %gather3A_809, %and3A_819 : vector<16xi32>
        %bitcast3A_821 = vector.bitcast %and3A_820 : vector<16xi32> to vector<16xf32>
        %shift_left3A_822 = arith.constant 16 : i32
        %shift_left3A_823 = vector.broadcast %shift_left3A_822 : i32 to vector<16xi32>
        %shift_left3A_824 = arith.shli %gather3A_813, %shift_left3A_823 : vector<16xi32>
        %bitcast3A_825 = vector.bitcast %shift_left3A_824 : vector<16xi32> to vector<16xf32>
        %and3A_826 = arith.constant -65536 : i32
        %and3A_827 = vector.broadcast %and3A_826 : i32 to vector<16xi32>
        %and3A_828 = arith.andi %gather3A_813, %and3A_827 : vector<16xi32>
        %bitcast3A_829 = vector.bitcast %and3A_828 : vector<16xi32> to vector<16xf32>
        %mul3A_830 = arith.mulf %bitcast3A_817, %bitcast3A_825 : vector<16xf32>
        %add3A_831 = arith.addf %add3A_805, %mul3A_830 : vector<16xf32>
        %mul3A_832 = arith.mulf %bitcast3A_821, %bitcast3A_829 : vector<16xf32>
        %add3A_833 = arith.addf %add3A_831, %mul3A_832 : vector<16xf32>
        %add3A_834 = arith.constant 25 : i32
        %add3A_835 = vector.broadcast %add3A_834 : i32 to vector<16xi32>
        %add3A_836 = arith.addi %gather3A, %add3A_835 : vector<16xi32>
        %gather3A_837 = tpu.vector_load_idx %arg11[%shift_right_arithmetic3A_134, %add3A_836] : memref<128x128xi32, #tpu.memory_space<vmem>>[vector<16xi32>, vector<16xi32>], vector<16xi32>,
        %add3A_838 = arith.constant 25 : i32
        %add3A_839 = vector.broadcast %add3A_838 : i32 to vector<16xi32>
        %add3A_840 = arith.addi %get3A_135, %add3A_839 : vector<16xi32>
        %gather3A_841 = tpu.vector_load_idx %arg12[%add3A_129, %add3A_840] : memref<640x128xi32, #tpu.memory_space<vmem>>[vector<16xi32>, vector<16xi32>], vector<16xi32>,
        %shift_left3A_842 = arith.constant 16 : i32
        %shift_left3A_843 = vector.broadcast %shift_left3A_842 : i32 to vector<16xi32>
        %shift_left3A_844 = arith.shli %gather3A_837, %shift_left3A_843 : vector<16xi32>
        %bitcast3A_845 = vector.bitcast %shift_left3A_844 : vector<16xi32> to vector<16xf32>
        %and3A_846 = arith.constant -65536 : i32
        %and3A_847 = vector.broadcast %and3A_846 : i32 to vector<16xi32>
        %and3A_848 = arith.andi %gather3A_837, %and3A_847 : vector<16xi32>
        %bitcast3A_849 = vector.bitcast %and3A_848 : vector<16xi32> to vector<16xf32>
        %shift_left3A_850 = arith.constant 16 : i32
        %shift_left3A_851 = vector.broadcast %shift_left3A_850 : i32 to vector<16xi32>
        %shift_left3A_852 = arith.shli %gather3A_841, %shift_left3A_851 : vector<16xi32>
        %bitcast3A_853 = vector.bitcast %shift_left3A_852 : vector<16xi32> to vector<16xf32>
        %and3A_854 = arith.constant -65536 : i32
        %and3A_855 = vector.broadcast %and3A_854 : i32 to vector<16xi32>
        %and3A_856 = arith.andi %gather3A_841, %and3A_855 : vector<16xi32>
        %bitcast3A_857 = vector.bitcast %and3A_856 : vector<16xi32> to vector<16xf32>
        %mul3A_858 = arith.mulf %bitcast3A_845, %bitcast3A_853 : vector<16xf32>
        %add3A_859 = arith.addf %add3A_833, %mul3A_858 : vector<16xf32>
        %mul3A_860 = arith.mulf %bitcast3A_849, %bitcast3A_857 : vector<16xf32>
        %add3A_861 = arith.addf %add3A_859, %mul3A_860 : vector<16xf32>
        %add3A_862 = arith.constant 26 : i32
        %add3A_863 = vector.broadcast %add3A_862 : i32 to vector<16xi32>
        %add3A_864 = arith.addi %gather3A, %add3A_863 : vector<16xi32>
        %gather3A_865 = tpu.vector_load_idx %arg11[%shift_right_arithmetic3A_134, %add3A_864] : memref<128x128xi32, #tpu.memory_space<vmem>>[vector<16xi32>, vector<16xi32>], vector<16xi32>,
        %add3A_866 = arith.constant 26 : i32
        %add3A_867 = vector.broadcast %add3A_866 : i32 to vector<16xi32>
        %add3A_868 = arith.addi %get3A_135, %add3A_867 : vector<16xi32>
        %gather3A_869 = tpu.vector_load_idx %arg12[%add3A_129, %add3A_868] : memref<640x128xi32, #tpu.memory_space<vmem>>[vector<16xi32>, vector<16xi32>], vector<16xi32>,
        %shift_left3A_870 = arith.constant 16 : i32
        %shift_left3A_871 = vector.broadcast %shift_left3A_870 : i32 to vector<16xi32>
        %shift_left3A_872 = arith.shli %gather3A_865, %shift_left3A_871 : vector<16xi32>
        %bitcast3A_873 = vector.bitcast %shift_left3A_872 : vector<16xi32> to vector<16xf32>
        %and3A_874 = arith.constant -65536 : i32
        %and3A_875 = vector.broadcast %and3A_874 : i32 to vector<16xi32>
        %and3A_876 = arith.andi %gather3A_865, %and3A_875 : vector<16xi32>
        %bitcast3A_877 = vector.bitcast %and3A_876 : vector<16xi32> to vector<16xf32>
        %shift_left3A_878 = arith.constant 16 : i32
        %shift_left3A_879 = vector.broadcast %shift_left3A_878 : i32 to vector<16xi32>
        %shift_left3A_880 = arith.shli %gather3A_869, %shift_left3A_879 : vector<16xi32>
        %bitcast3A_881 = vector.bitcast %shift_left3A_880 : vector<16xi32> to vector<16xf32>
        %and3A_882 = arith.constant -65536 : i32
        %and3A_883 = vector.broadcast %and3A_882 : i32 to vector<16xi32>
        %and3A_884 = arith.andi %gather3A_869, %and3A_883 : vector<16xi32>
        %bitcast3A_885 = vector.bitcast %and3A_884 : vector<16xi32> to vector<16xf32>
        %mul3A_886 = arith.mulf %bitcast3A_873, %bitcast3A_881 : vector<16xf32>
        %add3A_887 = arith.addf %add3A_861, %mul3A_886 : vector<16xf32>
        %mul3A_888 = arith.mulf %bitcast3A_877, %bitcast3A_885 : vector<16xf32>
        %add3A_889 = arith.addf %add3A_887, %mul3A_888 : vector<16xf32>
        %add3A_890 = arith.constant 27 : i32
        %add3A_891 = vector.broadcast %add3A_890 : i32 to vector<16xi32>
        %add3A_892 = arith.addi %gather3A, %add3A_891 : vector<16xi32>
        %gather3A_893 = tpu.vector_load_idx %arg11[%shift_right_arithmetic3A_134, %add3A_892] : memref<128x128xi32, #tpu.memory_space<vmem>>[vector<16xi32>, vector<16xi32>], vector<16xi32>,
        %add3A_894 = arith.constant 27 : i32
        %add3A_895 = vector.broadcast %add3A_894 : i32 to vector<16xi32>
        %add3A_896 = arith.addi %get3A_135, %add3A_895 : vector<16xi32>
        %gather3A_897 = tpu.vector_load_idx %arg12[%add3A_129, %add3A_896] : memref<640x128xi32, #tpu.memory_space<vmem>>[vector<16xi32>, vector<16xi32>], vector<16xi32>,
        %shift_left3A_898 = arith.constant 16 : i32
        %shift_left3A_899 = vector.broadcast %shift_left3A_898 : i32 to vector<16xi32>
        %shift_left3A_900 = arith.shli %gather3A_893, %shift_left3A_899 : vector<16xi32>
        %bitcast3A_901 = vector.bitcast %shift_left3A_900 : vector<16xi32> to vector<16xf32>
        %and3A_902 = arith.constant -65536 : i32
        %and3A_903 = vector.broadcast %and3A_902 : i32 to vector<16xi32>
        %and3A_904 = arith.andi %gather3A_893, %and3A_903 : vector<16xi32>
        %bitcast3A_905 = vector.bitcast %and3A_904 : vector<16xi32> to vector<16xf32>
        %shift_left3A_906 = arith.constant 16 : i32
        %shift_left3A_907 = vector.broadcast %shift_left3A_906 : i32 to vector<16xi32>
        %shift_left3A_908 = arith.shli %gather3A_897, %shift_left3A_907 : vector<16xi32>
        %bitcast3A_909 = vector.bitcast %shift_left3A_908 : vector<16xi32> to vector<16xf32>
        %and3A_910 = arith.constant -65536 : i32
        %and3A_911 = vector.broadcast %and3A_910 : i32 to vector<16xi32>
        %and3A_912 = arith.andi %gather3A_897, %and3A_911 : vector<16xi32>
        %bitcast3A_913 = vector.bitcast %and3A_912 : vector<16xi32> to vector<16xf32>
        %mul3A_914 = arith.mulf %bitcast3A_901, %bitcast3A_909 : vector<16xf32>
        %add3A_915 = arith.addf %add3A_889, %mul3A_914 : vector<16xf32>
        %mul3A_916 = arith.mulf %bitcast3A_905, %bitcast3A_913 : vector<16xf32>
        %add3A_917 = arith.addf %add3A_915, %mul3A_916 : vector<16xf32>
        %add3A_918 = arith.constant 28 : i32
        %add3A_919 = vector.broadcast %add3A_918 : i32 to vector<16xi32>
        %add3A_920 = arith.addi %gather3A, %add3A_919 : vector<16xi32>
        %gather3A_921 = tpu.vector_load_idx %arg11[%shift_right_arithmetic3A_134, %add3A_920] : memref<128x128xi32, #tpu.memory_space<vmem>>[vector<16xi32>, vector<16xi32>], vector<16xi32>,
        %add3A_922 = arith.constant 28 : i32
        %add3A_923 = vector.broadcast %add3A_922 : i32 to vector<16xi32>
        %add3A_924 = arith.addi %get3A_135, %add3A_923 : vector<16xi32>
        %gather3A_925 = tpu.vector_load_idx %arg12[%add3A_129, %add3A_924] : memref<640x128xi32, #tpu.memory_space<vmem>>[vector<16xi32>, vector<16xi32>], vector<16xi32>,
        %shift_left3A_926 = arith.constant 16 : i32
        %shift_left3A_927 = vector.broadcast %shift_left3A_926 : i32 to vector<16xi32>
        %shift_left3A_928 = arith.shli %gather3A_921, %shift_left3A_927 : vector<16xi32>
        %bitcast3A_929 = vector.bitcast %shift_left3A_928 : vector<16xi32> to vector<16xf32>
        %and3A_930 = arith.constant -65536 : i32
        %and3A_931 = vector.broadcast %and3A_930 : i32 to vector<16xi32>
        %and3A_932 = arith.andi %gather3A_921, %and3A_931 : vector<16xi32>
        %bitcast3A_933 = vector.bitcast %and3A_932 : vector<16xi32> to vector<16xf32>
        %shift_left3A_934 = arith.constant 16 : i32
        %shift_left3A_935 = vector.broadcast %shift_left3A_934 : i32 to vector<16xi32>
        %shift_left3A_936 = arith.shli %gather3A_925, %shift_left3A_935 : vector<16xi32>
        %bitcast3A_937 = vector.bitcast %shift_left3A_936 : vector<16xi32> to vector<16xf32>
        %and3A_938 = arith.constant -65536 : i32
        %and3A_939 = vector.broadcast %and3A_938 : i32 to vector<16xi32>
        %and3A_940 = arith.andi %gather3A_925, %and3A_939 : vector<16xi32>
        %bitcast3A_941 = vector.bitcast %and3A_940 : vector<16xi32> to vector<16xf32>
        %mul3A_942 = arith.mulf %bitcast3A_929, %bitcast3A_937 : vector<16xf32>
        %add3A_943 = arith.addf %add3A_917, %mul3A_942 : vector<16xf32>
        %mul3A_944 = arith.mulf %bitcast3A_933, %bitcast3A_941 : vector<16xf32>
        %add3A_945 = arith.addf %add3A_943, %mul3A_944 : vector<16xf32>
        %add3A_946 = arith.constant 29 : i32
        %add3A_947 = vector.broadcast %add3A_946 : i32 to vector<16xi32>
        %add3A_948 = arith.addi %gather3A, %add3A_947 : vector<16xi32>
        %gather3A_949 = tpu.vector_load_idx %arg11[%shift_right_arithmetic3A_134, %add3A_948] : memref<128x128xi32, #tpu.memory_space<vmem>>[vector<16xi32>, vector<16xi32>], vector<16xi32>,
        %add3A_950 = arith.constant 29 : i32
        %add3A_951 = vector.broadcast %add3A_950 : i32 to vector<16xi32>
        %add3A_952 = arith.addi %get3A_135, %add3A_951 : vector<16xi32>
        %gather3A_953 = tpu.vector_load_idx %arg12[%add3A_129, %add3A_952] : memref<640x128xi32, #tpu.memory_space<vmem>>[vector<16xi32>, vector<16xi32>], vector<16xi32>,
        %shift_left3A_954 = arith.constant 16 : i32
        %shift_left3A_955 = vector.broadcast %shift_left3A_954 : i32 to vector<16xi32>
        %shift_left3A_956 = arith.shli %gather3A_949, %shift_left3A_955 : vector<16xi32>
        %bitcast3A_957 = vector.bitcast %shift_left3A_956 : vector<16xi32> to vector<16xf32>
        %and3A_958 = arith.constant -65536 : i32
        %and3A_959 = vector.broadcast %and3A_958 : i32 to vector<16xi32>
        %and3A_960 = arith.andi %gather3A_949, %and3A_959 : vector<16xi32>
        %bitcast3A_961 = vector.bitcast %and3A_960 : vector<16xi32> to vector<16xf32>
        %shift_left3A_962 = arith.constant 16 : i32
        %shift_left3A_963 = vector.broadcast %shift_left3A_962 : i32 to vector<16xi32>
        %shift_left3A_964 = arith.shli %gather3A_953, %shift_left3A_963 : vector<16xi32>
        %bitcast3A_965 = vector.bitcast %shift_left3A_964 : vector<16xi32> to vector<16xf32>
        %and3A_966 = arith.constant -65536 : i32
        %and3A_967 = vector.broadcast %and3A_966 : i32 to vector<16xi32>
        %and3A_968 = arith.andi %gather3A_953, %and3A_967 : vector<16xi32>
        %bitcast3A_969 = vector.bitcast %and3A_968 : vector<16xi32> to vector<16xf32>
        %mul3A_970 = arith.mulf %bitcast3A_957, %bitcast3A_965 : vector<16xf32>
        %add3A_971 = arith.addf %add3A_945, %mul3A_970 : vector<16xf32>
        %mul3A_972 = arith.mulf %bitcast3A_961, %bitcast3A_969 : vector<16xf32>
        %add3A_973 = arith.addf %add3A_971, %mul3A_972 : vector<16xf32>
        %add3A_974 = arith.constant 30 : i32
        %add3A_975 = vector.broadcast %add3A_974 : i32 to vector<16xi32>
        %add3A_976 = arith.addi %gather3A, %add3A_975 : vector<16xi32>
        %gather3A_977 = tpu.vector_load_idx %arg11[%shift_right_arithmetic3A_134, %add3A_976] : memref<128x128xi32, #tpu.memory_space<vmem>>[vector<16xi32>, vector<16xi32>], vector<16xi32>,
        %add3A_978 = arith.constant 30 : i32
        %add3A_979 = vector.broadcast %add3A_978 : i32 to vector<16xi32>
        %add3A_980 = arith.addi %get3A_135, %add3A_979 : vector<16xi32>
        %gather3A_981 = tpu.vector_load_idx %arg12[%add3A_129, %add3A_980] : memref<640x128xi32, #tpu.memory_space<vmem>>[vector<16xi32>, vector<16xi32>], vector<16xi32>,
        %shift_left3A_982 = arith.constant 16 : i32
        %shift_left3A_983 = vector.broadcast %shift_left3A_982 : i32 to vector<16xi32>
        %shift_left3A_984 = arith.shli %gather3A_977, %shift_left3A_983 : vector<16xi32>
        %bitcast3A_985 = vector.bitcast %shift_left3A_984 : vector<16xi32> to vector<16xf32>
        %and3A_986 = arith.constant -65536 : i32
        %and3A_987 = vector.broadcast %and3A_986 : i32 to vector<16xi32>
        %and3A_988 = arith.andi %gather3A_977, %and3A_987 : vector<16xi32>
        %bitcast3A_989 = vector.bitcast %and3A_988 : vector<16xi32> to vector<16xf32>
        %shift_left3A_990 = arith.constant 16 : i32
        %shift_left3A_991 = vector.broadcast %shift_left3A_990 : i32 to vector<16xi32>
        %shift_left3A_992 = arith.shli %gather3A_981, %shift_left3A_991 : vector<16xi32>
        %bitcast3A_993 = vector.bitcast %shift_left3A_992 : vector<16xi32> to vector<16xf32>
        %and3A_994 = arith.constant -65536 : i32
        %and3A_995 = vector.broadcast %and3A_994 : i32 to vector<16xi32>
        %and3A_996 = arith.andi %gather3A_981, %and3A_995 : vector<16xi32>
        %bitcast3A_997 = vector.bitcast %and3A_996 : vector<16xi32> to vector<16xf32>
        %mul3A_998 = arith.mulf %bitcast3A_985, %bitcast3A_993 : vector<16xf32>
        %add3A_999 = arith.addf %add3A_973, %mul3A_998 : vector<16xf32>
        %mul3A_1000 = arith.mulf %bitcast3A_989, %bitcast3A_997 : vector<16xf32>
        %add3A_1001 = arith.addf %add3A_999, %mul3A_1000 : vector<16xf32>
        %add3A_1002 = arith.constant 31 : i32
        %add3A_1003 = vector.broadcast %add3A_1002 : i32 to vector<16xi32>
        %add3A_1004 = arith.addi %gather3A, %add3A_1003 : vector<16xi32>
        %gather3A_1005 = tpu.vector_load_idx %arg11[%shift_right_arithmetic3A_134, %add3A_1004] : memref<128x128xi32, #tpu.memory_space<vmem>>[vector<16xi32>, vector<16xi32>], vector<16xi32>,
        %add3A_1006 = arith.constant 31 : i32
        %add3A_1007 = vector.broadcast %add3A_1006 : i32 to vector<16xi32>
        %add3A_1008 = arith.addi %get3A_135, %add3A_1007 : vector<16xi32>
        %gather3A_1009 = tpu.vector_load_idx %arg12[%add3A_129, %add3A_1008] : memref<640x128xi32, #tpu.memory_space<vmem>>[vector<16xi32>, vector<16xi32>], vector<16xi32>,
        %shift_left3A_1010 = arith.constant 16 : i32
        %shift_left3A_1011 = vector.broadcast %shift_left3A_1010 : i32 to vector<16xi32>
        %shift_left3A_1012 = arith.shli %gather3A_1005, %shift_left3A_1011 : vector<16xi32>
        %bitcast3A_1013 = vector.bitcast %shift_left3A_1012 : vector<16xi32> to vector<16xf32>
        %and3A_1014 = arith.constant -65536 : i32
        %and3A_1015 = vector.broadcast %and3A_1014 : i32 to vector<16xi32>
        %and3A_1016 = arith.andi %gather3A_1005, %and3A_1015 : vector<16xi32>
        %bitcast3A_1017 = vector.bitcast %and3A_1016 : vector<16xi32> to vector<16xf32>
        %shift_left3A_1018 = arith.constant 16 : i32
        %shift_left3A_1019 = vector.broadcast %shift_left3A_1018 : i32 to vector<16xi32>
        %shift_left3A_1020 = arith.shli %gather3A_1009, %shift_left3A_1019 : vector<16xi32>
        %bitcast3A_1021 = vector.bitcast %shift_left3A_1020 : vector<16xi32> to vector<16xf32>
        %and3A_1022 = arith.constant -65536 : i32
        %and3A_1023 = vector.broadcast %and3A_1022 : i32 to vector<16xi32>
        %and3A_1024 = arith.andi %gather3A_1009, %and3A_1023 : vector<16xi32>
        %bitcast3A_1025 = vector.bitcast %and3A_1024 : vector<16xi32> to vector<16xf32>
        %mul3A_1026 = arith.mulf %bitcast3A_1013, %bitcast3A_1021 : vector<16xf32>
        %add3A_1027 = arith.addf %add3A_1001, %mul3A_1026 : vector<16xf32>
        %mul3A_1028 = arith.mulf %bitcast3A_1017, %bitcast3A_1025 : vector<16xf32>
        %add3A_1029 = arith.addf %add3A_1027, %mul3A_1028 : vector<16xf32>
        %swap3A = arith.index_cast %mul3A_127 : i32 to index
        %swap3A_1030 = tpu.vector_load %arg13[%swap3A] {strides = array<i32>} : memref<640xf32, #tpu.memory_space<vmem>>, vector<16xf32>,
        tpu.vector_store %arg13[%swap3A], %add3A_1029 {strides = array<i32>} : memref<640xf32, #tpu.memory_space<vmem>>, vector<16xf32>,
        %scan3A_1031 = arith.constant 0 : i32
        scf.yield %scan3A_1031 : i32
      }
      %scan3A_120 = arith.constant 40 : i32
      %mul3A_121 = arith.constant 5 : i32
      %mul3A_122 = arith.muli %add3A_13, %mul3A_121 : i32
      "tpu.region"() ({
        %run_scoped3A = tpu.sem_alloc : memref<!tpu.dma_semaphore, #tpu.memory_space<semaphore_mem>>
        %dma_start3A_124 = tpu.memref_slice %arg6[%mul3A_122] : memref<81920xf32, #tpu.memory_space<hbm>> -> memref<640xf32, #tpu.memory_space<hbm>>
        %dma_start3A_125 = tpu.memref_slice %arg6[%mul3A_122] : memref<81920xf32, #tpu.memory_space<hbm>> -> memref<640xf32, #tpu.memory_space<hbm>>
        tpu.enqueue_dma source(%arg13 : memref<640xf32, #tpu.memory_space<vmem>>) target(%dma_start3A_125 : memref<640xf32, #tpu.memory_space<hbm>>) target_semaphore(%run_scoped3A : memref<!tpu.dma_semaphore, #tpu.memory_space<semaphore_mem>>)
        %dma_wait3A_126 = tpu.memref_slice %arg6[%mul3A_122] : memref<81920xf32, #tpu.memory_space<hbm>> -> memref<640xf32, #tpu.memory_space<hbm>>
        %dma_wait3A_127 = tpu.memref_slice %arg6[%mul3A_122] : memref<81920xf32, #tpu.memory_space<hbm>> -> memref<640xf32, #tpu.memory_space<hbm>>
        tpu.wait_dma2 semaphore(%run_scoped3A : memref<!tpu.dma_semaphore, #tpu.memory_space<semaphore_mem>>) src(%arg13 : memref<640xf32, #tpu.memory_space<vmem>>) dst(%dma_wait3A_127 : memref<640xf32, #tpu.memory_space<hbm>>)
        tpu.yield
      }) : () -> ()
      %scan3A_123 = arith.constant 0 : i32
      scf.yield %scan3A_123 : i32
    }
    %scan3A_6 = arith.constant 4 : i32
    return
  }
}

module attributes {stable_mosaic.version = 14 : i64} {
  func.func @_pack_body(%arg0: i32, %arg1: memref<64x8192xf32, #tpu.memory_space<vmem>>, %arg2: memref<2048x128xi32, #tpu.memory_space<vmem>>) attributes {dimension_semantics = [#tpu.dimension_semantics<arbitrary>], iteration_bounds = array<i64: 123>, scalar_prefetch = 0 : i64, scratch_operands = 0 : i64, tpu.core_type = #tpu.core_type<tc>, window_params = [{transform_indices = @transform_0, window_bounds = array<i64: 64, 8192>}, {transform_indices = @transform_1, window_bounds = array<i64: 2048, 128>}]} {
    %get3A = arith.constant 0 : index
    %get3A_0 = arith.constant 0 : index
    %get3A_1 = vector.load %arg1[%get3A, %get3A_0] : memref<64x8192xf32, #tpu.memory_space<vmem>>, vector<64x8192xf32>
    %slice3A = vector.extract_strided_slice %get3A_1 {offsets = [0, 0], sizes = [64, 2048], strides = [1, 1]} : vector<64x8192xf32> to vector<64x2048xf32>
    %slice3A_2 = vector.extract_strided_slice %slice3A {offsets = [0, 0], sizes = [32, 2048], strides = [1, 1]} : vector<64x2048xf32> to vector<32x2048xf32>
    %convert_element_type3A = arith.truncf %slice3A_2 : vector<32x2048xf32> to vector<32x2048xbf16>
    %slice3A_3 = vector.extract_strided_slice %slice3A {offsets = [32, 0], sizes = [32, 2048], strides = [1, 1]} : vector<64x2048xf32> to vector<32x2048xf32>
    %convert_element_type3A_4 = arith.truncf %slice3A_3 : vector<32x2048xf32> to vector<32x2048xbf16>
    %bitcast_convert_type3A = tpu.bitcast %convert_element_type3A : vector<32x2048xbf16> -> vector<32x2048xi16>
    %convert_element_type3A_5 = arith.extui %bitcast_convert_type3A : vector<32x2048xi16> to vector<32x2048xi32>
    %bitcast_convert_type3A_6 = tpu.bitcast %convert_element_type3A_4 : vector<32x2048xbf16> -> vector<32x2048xi16>
    %convert_element_type3A_7 = arith.extui %bitcast_convert_type3A_6 : vector<32x2048xi16> to vector<32x2048xi32>
    %shift_left3A = arith.constant 16 : i32
    %shift_left3A_8 = vector.broadcast %shift_left3A : i32 to vector<32x2048xi32>
    %shift_left3A_9 = arith.shli %convert_element_type3A_7, %shift_left3A_8 : vector<32x2048xi32>
    %or3A = arith.ori %convert_element_type3A_5, %shift_left3A_9 : vector<32x2048xi32>
    %slice3A_10 = vector.extract_strided_slice %get3A_1 {offsets = [0, 2048], sizes = [64, 2048], strides = [1, 1]} : vector<64x8192xf32> to vector<64x2048xf32>
    %slice3A_11 = vector.extract_strided_slice %slice3A_10 {offsets = [0, 0], sizes = [32, 2048], strides = [1, 1]} : vector<64x2048xf32> to vector<32x2048xf32>
    %convert_element_type3A_12 = arith.truncf %slice3A_11 : vector<32x2048xf32> to vector<32x2048xbf16>
    %slice3A_13 = vector.extract_strided_slice %slice3A_10 {offsets = [32, 0], sizes = [32, 2048], strides = [1, 1]} : vector<64x2048xf32> to vector<32x2048xf32>
    %convert_element_type3A_14 = arith.truncf %slice3A_13 : vector<32x2048xf32> to vector<32x2048xbf16>
    %bitcast_convert_type3A_15 = tpu.bitcast %convert_element_type3A_12 : vector<32x2048xbf16> -> vector<32x2048xi16>
    %convert_element_type3A_16 = arith.extui %bitcast_convert_type3A_15 : vector<32x2048xi16> to vector<32x2048xi32>
    %bitcast_convert_type3A_17 = tpu.bitcast %convert_element_type3A_14 : vector<32x2048xbf16> -> vector<32x2048xi16>
    %convert_element_type3A_18 = arith.extui %bitcast_convert_type3A_17 : vector<32x2048xi16> to vector<32x2048xi32>
    %shift_left3A_19 = arith.constant 16 : i32
    %shift_left3A_20 = vector.broadcast %shift_left3A_19 : i32 to vector<32x2048xi32>
    %shift_left3A_21 = arith.shli %convert_element_type3A_18, %shift_left3A_20 : vector<32x2048xi32>
    %or3A_22 = arith.ori %convert_element_type3A_16, %shift_left3A_21 : vector<32x2048xi32>
    %slice3A_23 = vector.extract_strided_slice %get3A_1 {offsets = [0, 4096], sizes = [64, 2048], strides = [1, 1]} : vector<64x8192xf32> to vector<64x2048xf32>
    %slice3A_24 = vector.extract_strided_slice %slice3A_23 {offsets = [0, 0], sizes = [32, 2048], strides = [1, 1]} : vector<64x2048xf32> to vector<32x2048xf32>
    %convert_element_type3A_25 = arith.truncf %slice3A_24 : vector<32x2048xf32> to vector<32x2048xbf16>
    %slice3A_26 = vector.extract_strided_slice %slice3A_23 {offsets = [32, 0], sizes = [32, 2048], strides = [1, 1]} : vector<64x2048xf32> to vector<32x2048xf32>
    %convert_element_type3A_27 = arith.truncf %slice3A_26 : vector<32x2048xf32> to vector<32x2048xbf16>
    %bitcast_convert_type3A_28 = tpu.bitcast %convert_element_type3A_25 : vector<32x2048xbf16> -> vector<32x2048xi16>
    %convert_element_type3A_29 = arith.extui %bitcast_convert_type3A_28 : vector<32x2048xi16> to vector<32x2048xi32>
    %bitcast_convert_type3A_30 = tpu.bitcast %convert_element_type3A_27 : vector<32x2048xbf16> -> vector<32x2048xi16>
    %convert_element_type3A_31 = arith.extui %bitcast_convert_type3A_30 : vector<32x2048xi16> to vector<32x2048xi32>
    %shift_left3A_32 = arith.constant 16 : i32
    %shift_left3A_33 = vector.broadcast %shift_left3A_32 : i32 to vector<32x2048xi32>
    %shift_left3A_34 = arith.shli %convert_element_type3A_31, %shift_left3A_33 : vector<32x2048xi32>
    %or3A_35 = arith.ori %convert_element_type3A_29, %shift_left3A_34 : vector<32x2048xi32>
    %slice3A_36 = vector.extract_strided_slice %get3A_1 {offsets = [0, 6144], sizes = [64, 2048], strides = [1, 1]} : vector<64x8192xf32> to vector<64x2048xf32>
    %slice3A_37 = vector.extract_strided_slice %slice3A_36 {offsets = [0, 0], sizes = [32, 2048], strides = [1, 1]} : vector<64x2048xf32> to vector<32x2048xf32>
    %convert_element_type3A_38 = arith.truncf %slice3A_37 : vector<32x2048xf32> to vector<32x2048xbf16>
    %slice3A_39 = vector.extract_strided_slice %slice3A_36 {offsets = [32, 0], sizes = [32, 2048], strides = [1, 1]} : vector<64x2048xf32> to vector<32x2048xf32>
    %convert_element_type3A_40 = arith.truncf %slice3A_39 : vector<32x2048xf32> to vector<32x2048xbf16>
    %bitcast_convert_type3A_41 = tpu.bitcast %convert_element_type3A_38 : vector<32x2048xbf16> -> vector<32x2048xi16>
    %convert_element_type3A_42 = arith.extui %bitcast_convert_type3A_41 : vector<32x2048xi16> to vector<32x2048xi32>
    %bitcast_convert_type3A_43 = tpu.bitcast %convert_element_type3A_40 : vector<32x2048xbf16> -> vector<32x2048xi16>
    %convert_element_type3A_44 = arith.extui %bitcast_convert_type3A_43 : vector<32x2048xi16> to vector<32x2048xi32>
    %shift_left3A_45 = arith.constant 16 : i32
    %shift_left3A_46 = vector.broadcast %shift_left3A_45 : i32 to vector<32x2048xi32>
    %shift_left3A_47 = arith.shli %convert_element_type3A_44, %shift_left3A_46 : vector<32x2048xi32>
    %or3A_48 = arith.ori %convert_element_type3A_42, %shift_left3A_47 : vector<32x2048xi32>
    %concatenate3A = tpu.concatenate %or3A, %or3A_22, %or3A_35, %or3A_48 in 0 : vector<32x2048xi32>, vector<32x2048xi32>, vector<32x2048xi32>, vector<32x2048xi32> -> vector<128x2048xi32>
    %bitcast_convert_type3A_49 = tpu.bitcast %concatenate3A : vector<128x2048xi32> -> vector<128x2048xi32>
    %transpose3A = tpu.transpose %bitcast_convert_type3A_49, [1, 0] : vector<128x2048xi32> -> vector<2048x128xi32>
    %swap3A = arith.constant 0 : index
    %swap3A_50 = arith.constant 0 : index
    %swap3A_51 = vector.load %arg2[%swap3A, %swap3A_50] : memref<2048x128xi32, #tpu.memory_space<vmem>>, vector<2048x128xi32>
    tpu.vector_store %arg2[%swap3A, %swap3A_50], %transpose3A {strides = array<i32>} : memref<2048x128xi32, #tpu.memory_space<vmem>>, vector<2048x128xi32>,
    return
  }
  func.func @transform_0(%arg0: i32) -> (i32, i32) {
    %c0_i32 = arith.constant 0 : i32
    %c0_i32_0 = arith.constant 0 : i32
    return %c0_i32, %arg0 : i32, i32
  }
  func.func @transform_1(%arg0: i32) -> (i32, i32) {
    %c0_i32 = arith.constant 0 : i32
    %c0_i32_0 = arith.constant 0 : i32
    return %arg0, %c0_i32 : i32, i32
  }
}

</mosaic_0001>

<sc_bundles>
// kernel: kernel.5.cloned.1.call-start
scs
__scs_entry_jumppad:
0x0: {  	(pc) =	sbr.rel $0x88, $3  }
0x1: {  	(tag) =	ssettag $0x0;
	lr =	simm.s32 $0x1  }
0x2: {  	[smem:$0x3F9D] =	sst lr;
	_ =	strace $0xD0000000  }
0x3: {  	_ = 	snop  }
0x4: {  	_ = 	snop  }
0x5: {  	_ = 	snop  }
0x6: {  	_ = 	snop  }
0x7: {  	_ = 	snop  }
__scs_overlays_trampoline_lowered:
0x8: {  	[smem:$0x3FAC] =	sst s0  }
0x9: {  	[smem:$0x3FAD] =	sst s1  }
0xa: {  	[smem:$0x3FAE] =	sst s2  }
0xb: {  	[smem:$0x3FAF] =	sst s3  }
0xc: {  	[smem:$0x3FB0] =	sst s4  }
0xd: {  	[smem:$0x3FB1] =	sst s5  }
0xe: {  	[smem:$0x3FB2] =	sst s6  }
0xf: {  	[smem:$0x3FB3] =	sst s7  }
0x10: {  	[smem:$0x3FB4] =	sst s8  }
0x11: {  	[smem:$0x3FB5] =	sst s9;
	s0 =	simm.s32 @!p0 $0x0  }
0x12: {  	s1 =	sld [smem:$0x3F9B];
	s0 =	simm.s32 @p0 $0x1  }
0x13: {  	[smem:$0x3FB6] =	sst s0;
	s0 =	simm.s32 @!p1 $0x0  }
0x14: {  	s2 =	sld [smem:$0x3F9A];
	s0 =	simm.s32 @p1 $0x1  }
0x15: {  	[smem:$0x3FB7] =	sst s0;
	s0 =	simm.s32 @!p2 $0x0  }
0x16: {  	s3 =	sld [smem:$0x3FDB];
	s0 =	simm.s32 @p2 $0x1  }
0x17: {  	s4 =	simm.s32 $0x1BF5;
	[smem:$0x3FB9] =	sst s0  }
0x18: {  	s0 =	sld [smem:$0x3F9C];
	_ =	swait.ge [sflag:s4], $0x0  }
0x19: {  	s7 =	sld [smem:$0x3F9D]  }
0x1a: {  	s8 =	sadd.s32 $0xFFFFE003, lr  }
0x1b: {  	s9 =	sadd.s32 $0xFFFFFEF7, lr;
	s5 =	simm.s32 $0xFFFFFFFF;
	p2 =	slt.u32 s8, $0xFFFFF086  }
0x1c: {  	p1 =	slt.u32 s9, $0xF7A;
	s5 =	simm.s32 @!p2 $0x0  }
0x1d: {  	s5 =	simm.s32 @p1 $0x1;
	p0 =	seq.s32 s7, s2  }
0x1e: {  	s7 =	smul.u32 @!p0 $0xF7A, s2;
	p2 =	seq.s32 @!p0 s5, $0x0  }
0x1f: {  	s9 =	smul.u32 $0xF7A, s1;
	s8 =	simm.s32 @!p0 $0x1BF5;
	p2 =	por !p2, p0  }
0x20: {  	[sflag:s8] =	ssyncset.s32 @!p0 $0xFFFFF086;
	s6 =	sadd.s32 @!p0 s3, s7;
	s7 =	simm.s32 @!p0 $0x108  }
0x21: {  	s3 =	sadd.s32 s3, s9;
	s6 =	sadd.s32 @!p0 $0x88, s6;
	s7 =	simm.s32 @p2 $0x1082  }
0x22: {  	[simem:s7], [sflag:s8] =	dma.local @!p0 [hbm:s6], $0xF7A  }
0x23: {  	s9 =	sor.u32 $0xD0000000, s2;
	s6 =	simm.s32 $0x108;
	_ =	swait.ge @!p0 [sflag:s8], $0x0  }
0x24: {  	s3 =	sadd.s32 $0x88, s3;
	s6 =	simm.s32 @!p1 $0x1082;
	[sflag:s4] =	ssyncset.s32 $0xFFFFF086  }
0x25: {  	[simem:s6], [sflag:s4] =	dma.local [hbm:s3], $0xF7A  }
0x26: {  	[smem:$0x3F9D] =	sst s1;
	(tag) =	ssettag s2;
	_ =	strace s9  }
0x27: {  	s1 =	sld [smem:$0x3FAD]  }
0x28: {  	s2 =	sld [smem:$0x3FAE]  }
0x29: {  	s4 =	sld [smem:$0x3FB0]  }
0x2a: {  	p0 =	seq.s32 s5, $0x0;
	s5 =	sld [smem:$0x3FB1]  }
0x2b: {  	s6 =	sld [smem:$0x3FB2]  }
0x2c: {  	s7 =	sld [smem:$0x3FB3]  }
0x2d: {  	s3 =	simm.s32 $0x108;
	s8 =	sld [smem:$0x3FB4]  }
0x2e: {  	s3 =	simm.s32 @!p0 $0x1082;
	s9 =	sld [smem:$0x3FB5]  }
0x2f: {  	lr =	sadd.s32 s0, s3;
	s0 =	sld [smem:$0x3FAC]  }
0x30: {  	s3 =	sld [smem:$0x3FAF]  }
0x31: {  	[smem:$0x3FB8] =	sst s10  }
0x32: {  	s10 =	sld [smem:$0x3FB6];
	_ =	sdelay $0x3  }
0x33: {  	p0 =	seq.s32 s10, $0x1;
	s10 =	sld [smem:$0x3FB8];
	_ =	sdelay $0x3  }
0x34: {  	[smem:$0x3FB8] =	sst s10  }
0x35: {  	s10 =	sld [smem:$0x3FB7];
	_ =	sdelay $0x3  }
0x36: {  	p1 =	seq.s32 s10, $0x1;
	s10 =	sld [smem:$0x3FB8];
	_ =	sdelay $0x3  }
0x37: {  	[smem:$0x3FB8] =	sst s10  }
0x38: {  	s10 =	sld [smem:$0x3FB9]  }
0x39: {  	_ = 	snop;
	(pc) =	sbr.ind lr, $3  }
0x3a: {  	_ = 	snop  }
0x3b: {  	_ = 	snop  }
0x3c: {  	p2 =	seq.s32 s10, $0x1;
	s10 =	sld [smem:$0x3FB8]  }
0x3d: {  	_ =	shalt  }
0x3e: {  	_ =	shalt  }
0x3f: {  	_ =	shalt  }
0x40: {  	_ =	shalt  }
0x41: {  	_ =	shalt  }
0x42: {  	_ =	shalt  }
0x43: {  	_ =	shalt  }
0x44: {  	_ =	shalt  }
0x45: {  	_ =	shalt  }
0x46: {  	_ =	shalt  }
0x47: {  	_ =	shalt  }
0x48: {  	_ =	shalt  }
0x49: {  	_ =	shalt  }
0x4a: {  	_ =	shalt  }
0x4b: {  	_ =	shalt  }
0x4c: {  	_ =	shalt  }
0x4d: {  	_ =	shalt  }
0x4e: {  	_ =	shalt  }
0x4f: {  	_ =	shalt  }
0x50: {  	_ =	shalt  }
0x51: {  	_ =	shalt  }
0x52: {  	_ =	shalt  }
0x53: {  	_ =	shalt  }
0x54: {  	_ =	shalt  }
0x55: {  	_ =	shalt  }
0x56: {  	_ =	shalt  }
0x57: {  	_ =	shalt  }
0x58: {  	_ =	shalt  }
0x59: {  	_ =	shalt  }
0x5a: {  	_ =	shalt  }
0x5b: {  	_ =	shalt  }
0x5c: {  	_ =	shalt  }
0x5d: {  	_ =	shalt  }
0x5e: {  	_ =	shalt  }
0x5f: {  	_ =	shalt  }
0x60: {  	_ =	shalt  }
0x61: {  	_ =	shalt  }
0x62: {  	_ =	shalt  }
0x63: {  	_ =	shalt  }
0x64: {  	_ =	shalt  }
0x65: {  	_ =	shalt  }
0x66: {  	_ =	shalt  }
0x67: {  	_ =	shalt  }
0x68: {  	_ =	shalt  }
0x69: {  	_ =	shalt  }
0x6a: {  	_ =	shalt  }
0x6b: {  	_ =	shalt  }
0x6c: {  	_ =	shalt  }
0x6d: {  	_ =	shalt  }
0x6e: {  	_ =	shalt  }
0x6f: {  	_ =	shalt  }
0x70: {  	_ =	shalt  }
0x71: {  	_ =	shalt  }
0x72: {  	_ =	shalt  }
0x73: {  	_ =	shalt  }
0x74: {  	_ =	shalt  }
0x75: {  	_ =	shalt  }
0x76: {  	_ =	shalt  }
0x77: {  	_ =	shalt  }
0x78: {  	_ =	shalt  }
0x79: {  	_ =	shalt  }
0x7a: {  	_ =	shalt  }
0x7b: {  	_ =	shalt  }
0x7c: {  	_ =	shalt  }
0x7d: {  	_ =	shalt  }
0x7e: {  	_ =	shalt  }
0x7f: {  	_ =	shalt  }
0x80: {  	_ =	shalt  }
0x81: {  	_ =	shalt  }
0x82: {  	_ =	shalt  }
0x83: {  	_ =	shalt  }
0x84: {  	_ =	shalt  }
0x85: {  	_ =	shalt  }
0x86: {  	_ =	shalt  }
0x87: {  	_ =	shalt  }
.Lfunc_end0:
.L_simem_size_0:
called_computation_lowered:
.L_overlay_start_0:
0x88: {  	s2 =	sld [smem:$0x3FD9]  }
0x89: {  	s3 =	sld [smem:$0x3FFE];
	_ =	sdelay $0x1  }
0x8a: {  	s1 =	srdreg.scid  }
0x8b: {  	s0 =	sand.u32 $0x1, s1  }
0x8c: {  	s17 =	sshll.u32 s0, $0xA;
	s2 =	sadd.s32 s3, s2  }
0x8d: {  	s2 =	sadd.s32 s2, s17  }
0x8e: {  	[smem:$0x3FC4] =	sst s2  }
0x8f: {  	_ = 	snop  }
0x90: {  	s2 =	sld [smem:$0x3FC9]  }
0x91: {  	s18 =	sld [smem:$0x3FD0];
	(tm) =	ssettm $0x1  }
0x92: {  	s4 =	sld [smem:$0x3FFB];
	_ =	sdelay $0x3  }
0x93: {  	_ =	strace s4  }
0x94: {  	s4 =	sld [smem:$0x3FFC];
	_ =	sdelay $0x3  }
0x95: {  	_ =	strace s4  }
0x96: {  	s4 =	sld [smem:$0x3FFD];
	_ =	sdelay $0x3  }
0x97: {  	_ =	strace s4  }
0x98: {  	_ =	strace $0x8FFFFFFF  }
0x99: {  	s19 =	sld [smem:$0x3FDB];
	_ =	sdelay $0x1  }
0x9a: {  	s5 =	simm.s32 $_scs_section_size  }
0x9b: {  	s6 =	simm.s32 $_size__tile_overlayer_lowered;
	s7 =	simm.s32 $_tile_overlayer_lowered  }
0x9c: {  	s22 =	simm.s32 $0x1BFF;
	s21 =	sshll.u32 s7, $0x1;
	s4 =	sadd.s32 s5, s19  }
0x9d: {  	s8 =	simm.s32 $0x0;
	s20 =	sshll.u32 s6, $0x1;
	s6 =	sadd.s32 s21, s4  }
0x9e: {  	[timem:s8], [sflag:s22] =	dma.local [hbm:s6], s20  }
0x9f: {  	_ =	swait.ge [sflag:s22], s20  }
0xa0: {  	s5 =	ssub.s32 $0x0, s20;
	[sflag:s22] =	ssyncset.done $0x0  }
0xa1: {  	[sflag:s22] =	ssyncadd.s32 s5;
	_ =	sdelay $0x1  }
0xa2: {  	s23 =	simm.s32 $0x1B8B  }
0xa3: {  	_ =	swait.ge [sflag:s23], $0x1  }
0xa4: {  	[sflag:s23] =	ssyncset.done $0x0  }
0xa5: {  	s25 =	simm.s32 $0x1B8E;
	s24 =	sld [smem:$0x3FFE];
	[sflag:s23] =	ssyncadd.s32 $0xFFFFFFFF  }
0xa6: {  	s26 =	simm.s32 $execute0_lowered;
	[smem:$0x3FD2] =	sst s25  }
0xa7: {  	s6 =	sshll.u32 s26, $0x1;
	_ =	strace $0x80000046;
	[dreg:$0x1] =	wrdreg $0xFFFFFFFF  }
0xa8: {  	s28 =	simm.s32 $_size_execute0_lowered;
	s4 =	sadd.s32 s4, s6;
	[dreg:$0x0] =	wrdreg $0x0  }
0xa9: {  	s6 =	sshll.u32 s28, $0x1;
	[dreg:$0x2] =	wrdreg s4  }
0xaa: {  	[dreg:$0x3] =	wrdreg s6  }
0xab: {  	[dreg:$0x4] =	wrdreg $0xC0  }
0xac: {  	_ =	task [dreg:s8], $0x5FFFF  }
0xad: {  	[dreg:$0x1] =	wrdreg $0xFFFFFFFF  }
0xae: {  	[dreg:$0x0] =	wrdreg $0x60  }
0xaf: {  	[dreg:$0x2] =	wrdreg s24  }
0xb0: {  	[dreg:$0x3] =	wrdreg s2  }
0xb1: {  	[dreg:$0x4] =	wrdreg s18  }
0xb2: {  	[dreg:$0x5] =	wrdreg $0x9  }
0xb3: {  	_ =	task.clear_ibuf [dreg:s8], $0x6FFFF;
	_ =	strace $0x90000046  }
0xb4: {  	s29 =	simm.s32 $0x9;
	_ =	strace $0x80000048  }
0xb5: {  	_ =	swait.ge [sflag:s29], $0x1  }
0xb6: {  	[sflag:s29] =	ssyncadd.s32 $0xFFFFFFFF  }
0xb7: {  	_ =	strace $0x90000048  }
0xb8: {  	_ =	sfence  }
0xb9: {  	s30 =	sld [smem:$0x0];
	_ =	sdelay $0x2  }
0xba: {  	s31 =	sshll.u32 s1, $0xD;
	s1 =	sshrl.u32 s1, $0x2  }
0xbb: {  	s3 =	sand.u32 $0x4000, s31;
	s1 =	sadd.s32 s1, s30  }
0xbc: {  	s0 =	sor.u32 s3, s0;
	s1 =	sshll.u32 s1, $0x11  }
0xbd: {  	s0 =	sor.u32 s1, s0  }
0xbe: {  	s0 =	sadd.s32 $0x8F2B, s0  }
0xbf: {  	[sflag:s0] =	ssyncadd.remote.s32 $0x1  }
0xc0: {  	_ =	sfence.sel $0xFFFF  }
0xc1: {  	[dreg:$0x0] =	wrdreg $0xFFFFFFFF;
	(pc) =	sbr.abs _section_cstart, $3  }
0xc2: {  	[dreg:$0x1] =	wrdreg $0xFFFFFFFF  }
0xc3: {  	_ =	task.clear_ibuf [dreg:s8], $0x2FFFF;
	_ =	strace $0x9FFFFFFF  }
0xc4: {  	(tm) =	ssettm $0x7FFFFFFF  }
0xc5: {  	_ =	shalt  }
tec
execute0_lowered:
.L_overlay_start_1:
0x0: {  	(tag) =	ssettag $0x1  }
0x1: {  	s4 =	rddreg [dreg:$0x0]  }
0x2: {  	s1 =	rddreg [dreg:$0x1]  }
0x3: {  	s2 =	rddreg [dreg:$0x2]  }
0x4: {  	s0 =	rddreg [dreg:$0x3];
	s3 =	simm.s32 $0x0;
	s5 =	srdreg.scid  }
0x5: {  	s11 =	simm.s32 $0x80;
	s12 =	simm.s32 $0x600;
	s13 =	simm.s32 $0x4600  }
0x6: {  	s14 =	simm.s32 $0x100;
	s15 =	simm.s32 $0x8600;
	s16 =	simm.s32 $0x180  }
0x7: {  	s17 =	simm.s32 $0xC600;
	s18 =	simm.s32 $0x200;
	s19 =	simm.s32 $0x10600  }
0x8: {  	s20 =	simm.s32 $0x280;
	s21 =	simm.s32 $0x14600;
	s22 =	simm.s32 $0x1  }
0x9: {  	s23 =	simm.s32 $0x300;
	s24 =	simm.s32 $0x18600;
	s25 =	simm.s32 $0x0  }
0xa: {  	[smem:$0x7FF] =	sst s3;
	s8 =	sand.u32 $0x1, s5;
	s5 =	sadd.s32 $0x400, s4  }
0xb: {  	s6 =	sadd.s32 $0x3D8400, s4;
	s7 =	sadd.s32 $0x7B0400, s4;
	s9 =	ssub.s32 $0x2, s8  }
0xc: {  	s4 =	stileid.u32;
	_ =	strace $0x80000047;
	s10 =	sshrl.u32 s9, $0x1  }
0xd: {  	s31 =	sshll.u32 s4, $0xA;
	s8 =	sshll.u32 s8, $0x9;
	s9 =	ssub.s32 s9, s10  }
0xe: {  	v0 =	vlaneseq.u32;
	s8 =	sor.u32 s8, s31;
	s10 =	simm.s32 $0x2;
	s9 =	smax.u32 s9, $0x1  }
.LBB2_1:
0xf: {  	s26 =	simm.s32 $0x0  }
.LBB2_2:
0x10: {  	s28 =	sshll.u32 s26, $0x7  }
0x11: {  	s28 =	sadd.s32 s8, s28  }
0x12: {  	s29 =	sshrl.u32 s28, $0x3  }
0x13: {  	s30 =	simm.s32 $0x0;
	s28 =	smul.u32 $0x5, s28;
	s29 =	sadd.s32 s1, s29  }
0x14: {  	[tilespmem:s30], [sflag:$0x2] =	stream.linear.gather [hbm4b:s29+s30], $0x80, $0x38;
	[tilespmem:$0x18880] =	vst v63  }
0x15: {  	_ =	swait.ge [sflag:s10], $0x80  }
0x16: {  	s28 =	sshrl.u32 s28, $0x3;
	[sflag:s10] =	ssyncset.done $0x0  }
0x17: {  	s29 =	sadd.s32 s2, s28;
	[sflag:s10] =	ssyncadd.s32 $0xFFFFFF80  }
0x18: {  	[tilespmem:s11], [sflag:$0x2] =	stream.linear.gather [hbm4b:s29+s30], $0x280, $0x38;
	[tilespmem:$0x18880] =	vst v63  }
0x19: {  	_ =	swait.ge [sflag:s10], $0x280  }
0x1a: {  	[sflag:s10] =	ssyncset.done $0x0  }
0x1b: {  	[sflag:s10] =	ssyncadd.s32 $0xFFFFFD80  }
0x1c: {  	v1 =	vld [tilespmem:$0x0];
	_ =	sdelay $0x1  }
0x1d: {  	v2 =	vld [tilespmem:$0x10];
	_ =	sdelay $0x1  }
0x1e: {  	v3 =	vld [tilespmem:$0x20]  }
0x1f: {  	v4 =	vshrl.u32 v1, $0x6;
	v5 =	vshra.s32 v1, $0x2  }
0x20: {  	v6 =	vld [tilespmem:$0x30];
	v1 =	vand.u32 $0x7FF, v1;
	v4 =	vand.u32 $0x60, v4;
	v5 =	vand.u32 $0xFFFFF800, v5  }
0x21: {  	v56 =	vshrl.u32 v2, $0x6;
	v57 =	vshra.s32 v2, $0x2;
	[tilespmem:$0x300] =	vst v4;
	v1 =	vor.u32 v1, v5  }
0x22: {  	v59 =	vld [tilespmem:$0x40];
	v2 =	vand.u32 $0x7FF, v2;
	v58 =	vand.u32 $0xFFFFF800, v57;
	[tilespmem:$0x0] =	vst v1;
	v1 =	vand.u32 $0x60, v56  }
0x23: {  	v60 =	vshra.s32 v3, $0x2;
	[tilespmem:$0x310] =	vst v1;
	v1 =	vor.u32 v2, v58;
	v2 =	vshrl.u32 v3, $0x6  }
0x24: {  	v61 =	vld [tilespmem:$0x50];
	v3 =	vand.u32 $0x7FF, v3;
	[tilespmem:$0x10] =	vst v1;
	v1 =	vand.u32 $0x60, v2;
	v2 =	vand.u32 $0xFFFFF800, v60  }
0x25: {  	[tilespmem:$0x320] =	vst v1;
	v1 =	vor.u32 v3, v2;
	v2 =	vshrl.u32 v6, $0x6;
	v3 =	vshra.s32 v6, $0x2  }
0x26: {  	v62 =	vld [tilespmem:$0x60];
	[tilespmem:$0x20] =	vst v1;
	v1 =	vand.u32 $0x60, v2;
	v2 =	vand.u32 $0xFFFFF800, v3;
	v3 =	vand.u32 $0x7FF, v6  }
0x27: {  	[tilespmem:$0x330] =	vst v1;
	v1 =	vor.u32 v3, v2;
	v2 =	vshrl.u32 v59, $0x6;
	v3 =	vshra.s32 v59, $0x2  }
0x28: {  	v63 =	vld [tilespmem:$0x70];
	[tilespmem:$0x30] =	vst v1;
	v1 =	vand.u32 $0x60, v2;
	v2 =	vand.u32 $0xFFFFF800, v3;
	v3 =	vand.u32 $0x7FF, v59  }
0x29: {  	[tilespmem:$0x340] =	vst v1;
	v1 =	vor.u32 v3, v2;
	v2 =	vshrl.u32 v61, $0x6;
	v3 =	vshra.s32 v61, $0x2  }
0x2a: {  	[tilespmem:$0x40] =	vst v1;
	v1 =	vand.u32 $0x60, v2;
	v2 =	vand.u32 $0xFFFFF800, v3;
	v3 =	vand.u32 $0x7FF, v61  }
0x2b: {  	[tilespmem:$0x350] =	vst v1;
	v1 =	vor.u32 v3, v2;
	v2 =	vshrl.u32 v62, $0x6;
	v3 =	vshra.s32 v62, $0x2  }
0x2c: {  	[tilespmem:$0x50] =	vst v1;
	v1 =	vand.u32 $0x60, v2;
	v2 =	vand.u32 $0xFFFFF800, v3;
	v3 =	vand.u32 $0x7FF, v62  }
0x2d: {  	[tilespmem:$0x360] =	vst v1;
	v1 =	vor.u32 v3, v2;
	v2 =	vshrl.u32 v63, $0x6;
	v3 =	vshra.s32 v63, $0x2  }
0x2e: {  	[tilespmem:$0x60] =	vst v1;
	v1 =	vand.u32 $0x60, v2;
	v2 =	vand.u32 $0xFFFFF800, v3;
	v3 =	vand.u32 $0x7FF, v63  }
0x2f: {  	[tilespmem:$0x370] =	vst v1;
	v1 =	vor.u32 v3, v2  }
0x30: {  	s29 =	simm.s32 $0x0;
	s30 =	simm.s32 $0x40;
	[tilespmem:$0x70] =	vst v1  }
.LBB2_3:
0x31: {  	p0 =	sne.s32 s30, $0x9C0;
	v1 =	vld [tilespmem:s29+$0x80];
	_ =	sdelay $0x3  }
.Ltmp0:
0x32: {  	(pc) =	sbr.rel @p0 .LBB2_3-.Ltmp0, $4  }
0x33: {  	v2 =	vshrl.u32 v1, $0x6;
	v3 =	vshra.s32 v1, $0x2  }
0x34: {  	v1 =	vand.u32 $0x7FF, v1;
	v2 =	vand.u32 $0x60, v2;
	v3 =	vand.u32 $0xFFFFF800, v3  }
0x35: {  	[tilespmem:s29+$0x380] =	vst v2;
	v1 =	vor.u32 v1, v3  }
0x36: {  	[tilespmem:s29+$0x80] =	vst v1;
	s29 =	sshra.s32 s30, $0x2;
	s30 =	sadd.s32 $0x40, s30  }
0x37: {  	v1 =	vld [tilespmem:s29+$0x80];
	_ =	sdelay $0x4  }
0x38: {  	v2 =	vshrl.u32 v1, $0x6;
	v3 =	vshra.s32 v1, $0x2  }
0x39: {  	v1 =	vand.u32 $0x7FF, v1;
	v2 =	vand.u32 $0x60, v2;
	v3 =	vand.u32 $0xFFFFF800, v3  }
0x3a: {  	[tilespmem:s29+$0x380] =	vst v2;
	v1 =	vor.u32 v1, v3  }
0x3b: {  	[tilespmem:s29+$0x80] =	vst v1;
	s29 =	simm.s32 $0x0  }
0x3c: {  	[tilespmem:s12], [sflag:$0x1] =	stream.indirect.gather [hbm4b:s5+s11], $0x80, s29, s11, $0xb8;
	[tilespmem:$0x18880] =	vst v63  }
0x3d: {  	_ = 	snop  }
0x3e: {  	[tilespmem:s13], [sflag:$0x1] =	stream.indirect.gather [hbm4b:s6+s11], $0x80, s11, s11, $0xb8;
	[tilespmem:$0x18880] =	vst v63  }
0x3f: {  	_ = 	snop  }
0x40: {  	[tilespmem:s15], [sflag:$0x1] =	stream.indirect.gather [hbm4b:s6+s11], $0x80, s14, s11, $0xb8;
	[tilespmem:$0x18880] =	vst v63  }
0x41: {  	_ = 	snop  }
0x42: {  	[tilespmem:s17], [sflag:$0x1] =	stream.indirect.gather [hbm4b:s6+s11], $0x80, s16, s11, $0xb8;
	[tilespmem:$0x18880] =	vst v63  }
0x43: {  	_ = 	snop  }
0x44: {  	[tilespmem:s19], [sflag:$0x1] =	stream.indirect.gather [hbm4b:s6+s11], $0x80, s18, s11, $0xb8;
	[tilespmem:$0x18880] =	vst v63  }
0x45: {  	_ = 	snop  }
0x46: {  	[tilespmem:s21], [sflag:$0x1] =	stream.indirect.gather [hbm4b:s6+s11], $0x80, s20, s11, $0xb8;
	[tilespmem:$0x18880] =	vst v63  }
0x47: {  	_ =	swait.ge [sflag:s22], $0x4000  }
0x48: {  	[sflag:s22] =	ssyncset.done $0x0  }
0x49: {  	[sflag:s22] =	ssyncadd.s32 $0xFFFFC000  }
0x4a: {  	_ =	swait.ge [sflag:s22], $0x4000  }
0x4b: {  	[sflag:s22] =	ssyncset.done $0x0  }
0x4c: {  	[sflag:s22] =	ssyncadd.s32 $0xFFFFC000  }
0x4d: {  	_ =	swait.ge [sflag:s22], $0x4000  }
0x4e: {  	[sflag:s22] =	ssyncset.done $0x0  }
0x4f: {  	[sflag:s22] =	ssyncadd.s32 $0xFFFFC000  }
0x50: {  	_ =	swait.ge [sflag:s22], $0x4000  }
0x51: {  	v1 =	vor.u32 s29, v0;
	[sflag:s22] =	ssyncset.done $0x0  }
0x52: {  	v2 =	vmul.u32 $0xCCCD, v1;
	[sflag:s22] =	ssyncadd.s32 $0xFFFFC000  }
0x53: {  	_ =	swait.ge [sflag:s22], $0x4000  }
0x54: {  	v2 =	vshrl.u32 v2, $0x12;
	[sflag:s22] =	ssyncset.done $0x0  }
0x55: {  	[sflag:s22] =	ssyncadd.s32 $0xFFFFC000  }
0x56: {  	_ =	swait.ge [sflag:s22], $0x4000  }
0x57: {  	[sflag:s22] =	ssyncset.done $0x0  }
0x58: {  	[sflag:s22] =	ssyncadd.s32 $0xFFFFC000  }
0x59: {  	v4 =	vld.idx.msk [tilespmem:v2+s23+$0x0], $0xffff;
	_ =	sdelay $0x4  }
0x5a: {  	v1 =	vshll.u32 v1, $0x7;
	v3 =	vshll.u32 v2, $0x7;
	v2 =	vadd.s32 $0x1E, v4  }
0x5b: {  	v5 =	vadd.s32 $0x1F, v4;
	v6 =	vadd.s32 $0x1B, v4;
	v7 =	vadd.s32 $0x1C, v4  }
0x5c: {  	v8 =	vadd.s32 $0x1D, v4;
	v9 =	vadd.s32 $0x18, v4;
	v10 =	vadd.s32 $0x19, v4  }
0x5d: {  	v11 =	vadd.s32 $0x1A, v4;
	v12 =	vadd.s32 $0x15, v4;
	v13 =	vadd.s32 $0x16, v4  }
0x5e: {  	v14 =	vadd.s32 $0x17, v4;
	v15 =	vadd.s32 $0x12, v4;
	v16 =	vadd.s32 $0x13, v4  }
0x5f: {  	v17 =	vadd.s32 $0x14, v4;
	v18 =	vadd.s32 $0xF, v4;
	v19 =	vadd.s32 $0x10, v4  }
0x60: {  	v20 =	vadd.s32 $0x11, v4;
	v21 =	vadd.s32 $0xC, v4;
	v22 =	vadd.s32 $0xD, v4  }
0x61: {  	v23 =	vadd.s32 $0xE, v4;
	v24 =	vadd.s32 $0x9, v4;
	v25 =	vadd.s32 $0xA, v4  }
0x62: {  	v26 =	vadd.s32 $0xB, v4;
	v27 =	vadd.s32 $0x6, v4;
	v28 =	vadd.s32 $0x7, v4  }
0x63: {  	v29 =	vadd.s32 $0x8, v4;
	v30 =	vadd.s32 $0x3, v4;
	v31 =	vadd.s32 $0x4, v4  }
0x64: {  	v32 =	vadd.s32 $0x5, v4;
	v33 =	vand.u32 $0x7F, v4;
	v34 =	vadd.s32 $0x1, v4  }
0x65: {  	v35 =	vadd.s32 $0x2, v4;
	v4 =	vand.u32 $0xFFFFFF80, v4;
	v36 =	vand.u32 $0xFFFFFF80, v5  }
0x66: {  	v37 =	vand.u32 $0x7F, v5;
	v39 =	vand.u32 $0x7F, v8;
	v5 =	vand.u32 $0xFFFFFF80, v2  }
0x67: {  	v42 =	vand.u32 $0x7F, v2;
	v2 =	vand.u32 $0xFFFFFF80, v7;
	v7 =	vand.u32 $0x7F, v7  }
0x68: {  	v8 =	vand.u32 $0xFFFFFF80, v8;
	v38 =	vand.u32 $0x7F, v11;
	v40 =	vand.u32 $0xFFFFFF80, v6  }
0x69: {  	v6 =	vand.u32 $0x7F, v6;
	v41 =	vand.u32 $0xFFFFFF80, v10;
	v10 =	vand.u32 $0x7F, v10  }
0x6a: {  	v11 =	vand.u32 $0xFFFFFF80, v11;
	v43 =	vand.u32 $0x7F, v14;
	v44 =	vand.u32 $0xFFFFFF80, v9  }
0x6b: {  	v9 =	vand.u32 $0x7F, v9;
	v45 =	vand.u32 $0xFFFFFF80, v13;
	v13 =	vand.u32 $0x7F, v13  }
0x6c: {  	v14 =	vand.u32 $0xFFFFFF80, v14;
	v46 =	vand.u32 $0x7F, v17;
	v47 =	vand.u32 $0xFFFFFF80, v12  }
0x6d: {  	v12 =	vand.u32 $0x7F, v12;
	v48 =	vand.u32 $0xFFFFFF80, v16;
	v16 =	vand.u32 $0x7F, v16  }
0x6e: {  	v17 =	vand.u32 $0xFFFFFF80, v17;
	v49 =	vand.u32 $0x7F, v20;
	v50 =	vand.u32 $0xFFFFFF80, v15  }
0x6f: {  	v15 =	vand.u32 $0x7F, v15;
	v51 =	vand.u32 $0xFFFFFF80, v19;
	v19 =	vand.u32 $0x7F, v19  }
0x70: {  	v20 =	vand.u32 $0xFFFFFF80, v20;
	v52 =	vand.u32 $0x7F, v23;
	v4 =	vadd.s32 v3, v4  }
0x71: {  	v53 =	vand.u32 $0xFFFFFF80, v18;
	v18 =	vand.u32 $0x7F, v18;
	v23 =	vand.u32 $0xFFFFFF80, v23  }
0x72: {  	v54 =	vand.u32 $0x7F, v26;
	v55 =	vand.u32 $0xFFFFFF80, v25;
	v25 =	vand.u32 $0x7F, v25  }
0x73: {  	v26 =	vand.u32 $0xFFFFFF80, v26;
	v63 =	vand.u32 $0xFFFFFF80, v28;
	v28 =	vand.u32 $0x7F, v28  }
0x74: {  	v58 =	vand.u32 $0xFFFFFF80, v27;
	v27 =	vand.u32 $0x7F, v27;
	v60 =	vand.u32 $0x7F, v34  }
0x75: {  	v34 =	vand.u32 $0xFFFFFF80, v34;
	v33 =	vor.u32 v33, v4;
	v4 =	vand.u32 $0xFFFFFF80, v22  }
0x76: {  	v22 =	vand.u32 $0x7F, v22;
	v2 =	vadd.s32 v3, v2;
	v40 =	vadd.s32 v3, v40  }
0x77: {  	v61 =	vadd.s32 v3, v41;
	v62 =	vadd.s32 v3, v44;
	v44 =	vand.u32 $0x7F, v29  }
0x78: {  	v14 =	vadd.s32 v3, v14;
	v56 =	vadd.s32 v3, v45;
	v29 =	vand.u32 $0xFFFFFF80, v29  }
0x79: {  	v57 =	vadd.s32 v3, v47;
	v47 =	vand.u32 $0x7F, v32;
	v17 =	vadd.s32 v3, v17  }
0x7a: {  	v59 =	vadd.s32 v3, v50;
	v50 =	vand.u32 $0x7F, v30;
	v20 =	vadd.s32 v3, v20  }
0x7b: {  	v36 =	vadd.s32 v3, v36;
	v5 =	vadd.s32 v3, v5;
	v8 =	vadd.s32 v3, v8  }
0x7c: {  	v23 =	vadd.s32 v3, v23;
	v26 =	vadd.s32 v3, v26;
	v2 =	vor.u32 v7, v2  }
0x7d: {  	v7 =	vadd.s32 v3, v11;
	v6 =	vor.u32 v6, v40;
	v11 =	vand.u32 $0xFFFFFF80, v21  }
0x7e: {  	v21 =	vand.u32 $0x7F, v21;
	v10 =	vor.u32 v10, v61;
	v9 =	vor.u32 v9, v62  }
0x7f: {  	v40 =	vand.u32 $0xFFFFFF80, v24;
	v24 =	vand.u32 $0x7F, v24;
	v14 =	vor.u32 v43, v14  }
0x80: {  	v13 =	vor.u32 v13, v56;
	v45 =	vor.u32 v12, v57;
	v12 =	vand.u32 $0xFFFFFF80, v32  }
0x81: {  	v32 =	vor.u32 v46, v17;
	v46 =	vand.u32 $0x7F, v31;
	v17 =	vadd.s32 v3, v48  }
0x82: {  	v31 =	vand.u32 $0xFFFFFF80, v31;
	v20 =	vor.u32 v49, v20;
	v61 =	vadd.s32 v3, v51  }
0x83: {  	v62 =	vadd.s32 v3, v53;
	v52 =	vor.u32 v52, v23;
	v23 =	vadd.s32 v3, v63  }
0x84: {  	v29 =	vadd.s32 v3, v29;
	v43 =	vadd.s32 v3, v58;
	v5 =	vor.u32 v42, v5  }
0x85: {  	v8 =	vor.u32 v39, v8;
	v7 =	vor.u32 v38, v7;
	v16 =	vor.u32 v16, v17  }
0x86: {  	v17 =	vand.u32 $0xFFFFFF80, v30;
	v30 =	vor.u32 v15, v59;
	v15 =	vand.u32 $0x7F, v35  }
0x87: {  	v35 =	vand.u32 $0xFFFFFF80, v35;
	v49 =	vor.u32 v19, v61;
	v11 =	vadd.s32 v3, v11  }
0x88: {  	s29 =	simm.s32 $0x380;
	v19 =	vadd.s32 v3, v4;
	v51 =	vor.u32 v18, v62;
	v18 =	vadd.s32 v3, v55  }
0x89: {  	v4 =	vld [tilespmem:s29+$0x0];
	v63 =	vadd.s32 v3, v40;
	v55 =	vadd.s32 v3, v12;
	v31 =	vadd.s32 v3, v31  }
0x8a: {  	v38 =	vor.u32 v54, v26;
	v43 =	vor.u32 v27, v43;
	v42 =	vor.u32 v28, v23;
	v33 =	vld.idx.msk [tilespmem:v33+s12+$0x0], $0xffff  }
0x8b: {  	v41 =	vor.u32 v22, v19;
	v22 =	vadd.s32 v3, v17;
	v56 =	vor.u32 v21, v11;
	v6 =	vld.idx.msk [tilespmem:v6+s12+$0x0], $0xffff  }
0x8c: {  	v11 =	vadd.s32 v3, v34;
	v19 =	vadd.s32 v3, v35;
	v40 =	vor.u32 v25, v18;
	v12 =	vld.idx.msk [tilespmem:v9+s12+$0x0], $0xffff  }
0x8d: {  	v3 =	vor.u32 v37, v36;
	v36 =	vor.u32 v44, v29;
	v34 =	vor.u32 v24, v63;
	v14 =	vld.idx.msk [tilespmem:v14+s12+$0x0], $0xffff  }
0x8e: {  	v35 =	vor.u32 v47, v55;
	v39 =	vor.u32 v46, v31;
	v28 =	vor.u32 v15, v19;
	v19 =	vld.idx.msk [tilespmem:v45+s12+$0x0], $0xffff  }
0x8f: {  	v37 =	vor.u32 v50, v22;
	v24 =	vor.u32 v60, v11;
	v21 =	vld.idx.msk [tilespmem:v32+s12+$0x0], $0xffff;
	v17 =	vand.u32 $0xFFFFFF80, v4  }
0x90: {  	v27 =	vld.idx.msk [tilespmem:v20+s12+$0x0], $0xffff;
	v9 =	vand.u32 $0x7F, v4;
	v20 =	vadd.s32 $0x2, v4;
	v17 =	vadd.s32 v1, v17  }
0x91: {  	v7 =	vld.idx.msk [tilespmem:v7+s12+$0x0], $0xffff;
	v60 =	vadd.s32 $0x3, v4;
	v53 =	vadd.s32 $0x4, v4;
	v9 =	vor.u32 v9, v17  }
0x92: {  	v26 =	vld.idx.msk [tilespmem:v30+s12+$0x0], $0xffff;
	v25 =	vand.u32 $0xFFFFFF80, v20;
	v30 =	vand.u32 $0x7F, v20;
	v61 =	vand.u32 $0xFFFFFF80, v60  }
0x93: {  	v47 =	vand.u32 $0x7F, v60;
	v17 =	vld.idx.msk [tilespmem:v13+s12+$0x0], $0xffff;
	v13 =	vadd.s32 $0x1, v4;
	v57 =	vadd.s32 v1, v25  }
0x94: {  	v23 =	vld.idx.msk [tilespmem:v16+s12+$0x0], $0xffff;
	v48 =	vadd.s32 v1, v61;
	v31 =	vshll.u32 v33, $0x10;
	v15 =	vand.u32 $0xFFFFFF80, v13  }
0x95: {  	v58 =	vld.idx.msk [tilespmem:v24+s12+$0x0], $0xffff;
	v54 =	vand.u32 $0xFFFF0000, v33;
	v16 =	vand.u32 $0x7F, v13;
	v15 =	vadd.s32 v1, v15  }
0x96: {  	v44 =	vor.u32 v30, v57;
	v47 =	vor.u32 v47, v48;
	v29 =	vor.u32 v16, v15;
	v55 =	vld.idx.msk [tilespmem:v9+s13+$0x0], $0xffff  }
0x97: {  	v48 =	vand.u32 $0x7F, v53;
	v11 =	vshll.u32 v6, $0x10;
	v18 =	vshll.u32 v14, $0x10  }
0x98: {  	v62 =	vld.idx.msk [tilespmem:v28+s12+$0x0], $0xffff;
	v22 =	vshll.u32 v19, $0x10;
	v24 =	vshll.u32 v21, $0x10;
	v21 =	vand.u32 $0xFFFF0000, v21  }
0x99: {  	v19 =	vand.u32 $0xFFFF0000, v19;
	v14 =	vand.u32 $0xFFFF0000, v14;
	v6 =	vand.u32 $0xFFFF0000, v6  }
0x9a: {  	v13 =	vshll.u32 v7, $0x10;
	v25 =	vshll.u32 v23, $0x10;
	v63 =	vshll.u32 v58, $0x10  }
0x9b: {  	v45 =	vand.u32 $0xFFFF0000, v58;
	v58 =	vadd.s32 $0x5, v4;
	v59 =	vld.idx.msk [tilespmem:v29+s13+$0x0], $0xffff;
	v30 =	vshll.u32 v55, $0x10  }
0x9c: {  	v28 =	vshll.u32 v26, $0x10;
	v60 =	vand.u32 $0xFFFFFF80, v58;
	v31 =	vmul.f32 v30, v31  }
0x9d: {  	v57 =	vshll.u32 v62, $0x10;
	v44 =	vld.idx.msk [tilespmem:v44+s13+$0x0], $0xffff;
	v61 =	vadd.s32 v1, v60;
	v33 =	vand.u32 $0xFFFF0000, v55  }
0x9e: {  	v30 =	vld.idx.msk [tilespmem:v49+s12+$0x0], $0xffff;
	v32 =	vmul.f32 v33, v54;
	v54 =	vand.u32 $0xFFFFFF80, v53;
	v31 =	vadd.f32 $0.0e+00, v31  }
0x9f: {  	v37 =	vld.idx.msk [tilespmem:v37+s12+$0x0], $0xffff;
	v29 =	vshll.u32 v27, $0x10;
	v49 =	vand.u32 $0xFFFF0000, v62;
	v50 =	vadd.s32 v1, v54  }
0xa0: {  	v47 =	vld.idx.msk [tilespmem:v47+s13+$0x0], $0xffff;
	v46 =	vand.u32 $0xFFFF0000, v59;
	v32 =	vadd.f32 v31, v32;
	v31 =	vshll.u32 v59, $0x10  }
0xa1: {  	v48 =	vor.u32 v48, v50;
	v55 =	vmul.f32 v46, v45;
	v33 =	vmul.f32 v31, v63  }
0xa2: {  	v46 =	vand.u32 $0x7F, v58;
	v59 =	vshll.u32 v44, $0x10;
	v44 =	vand.u32 $0xFFFF0000, v44  }
0xa3: {  	v50 =	vld.idx.msk [tilespmem:v35+s12+$0x0], $0xffff;
	v46 =	vor.u32 v46, v61;
	v31 =	vshll.u32 v30, $0x10;
	v32 =	vadd.f32 v33, v32  }
0xa4: {  	v45 =	vld.idx.msk [tilespmem:v39+s12+$0x0], $0xffff;
	v39 =	vmul.f32 v59, v57;
	v44 =	vmul.f32 v44, v49;
	v63 =	vshll.u32 v37, $0x10  }
0xa5: {  	v57 =	vshll.u32 v47, $0x10;
	v59 =	vadd.s32 $0x6, v4;
	v33 =	vadd.f32 v32, v55  }
0xa6: {  	v37 =	vand.u32 $0xFFFF0000, v37;
	v47 =	vand.u32 $0xFFFF0000, v47;
	v49 =	vmul.f32 v57, v63  }
0xa7: {  	v60 =	vand.u32 $0xFFFFFF80, v59;
	v37 =	vmul.f32 v47, v37;
	v48 =	vld.idx.msk [tilespmem:v48+s13+$0x0], $0xffff;
	v62 =	vadd.f32 v39, v33  }
0xa8: {  	v35 =	vand.u32 $0x7F, v59;
	v59 =	vadd.s32 $0x8, v4;
	v61 =	vadd.s32 v1, v60  }
0xa9: {  	v63 =	vshll.u32 v50, $0x10;
	v50 =	vand.u32 $0xFFFF0000, v50;
	v46 =	vld.idx.msk [tilespmem:v46+s13+$0x0], $0xffff;
	v44 =	vadd.f32 v62, v44  }
0xaa: {  	v41 =	vld.idx.msk [tilespmem:v41+s12+$0x0], $0xffff;
	v58 =	vshll.u32 v45, $0x10;
	v47 =	vor.u32 v35, v61;
	v45 =	vand.u32 $0xFFFF0000, v45  }
0xab: {  	v61 =	vand.u32 $0xFFFFFF80, v59;
	v39 =	vld.idx.msk [tilespmem:v56+s12+$0x0], $0xffff;
	v56 =	vadd.s32 $0x7, v4;
	v44 =	vadd.f32 v49, v44  }
0xac: {  	v43 =	vld.idx.msk [tilespmem:v43+s12+$0x0], $0xffff;
	v57 =	vand.u32 $0xFFFFFF80, v56;
	v53 =	vand.u32 $0x7F, v56;
	v62 =	vshll.u32 v48, $0x10  }
0xad: {  	v48 =	vand.u32 $0xFFFF0000, v48;
	v49 =	vmul.f32 v62, v58;
	v44 =	vadd.f32 v44, v37  }
0xae: {  	v33 =	vld.idx.msk [tilespmem:v52+s12+$0x0], $0xffff;
	v45 =	vmul.f32 v48, v45;
	v60 =	vshll.u32 v46, $0x10;
	v46 =	vand.u32 $0xFFFF0000, v46  }
0xaf: {  	v47 =	vld.idx.msk [tilespmem:v47+s13+$0x0], $0xffff;
	v52 =	vmul.f32 v60, v63;
	v44 =	vadd.f32 v49, v44;
	v49 =	vadd.s32 v1, v57  }
0xb0: {  	v46 =	vmul.f32 v46, v50;
	v50 =	vshll.u32 v41, $0x10;
	v58 =	vor.u32 v53, v49  }
0xb1: {  	v38 =	vld.idx.msk [tilespmem:v38+s12+$0x0], $0xffff;
	v62 =	vshll.u32 v43, $0x10;
	v63 =	vadd.s32 $0x9, v4;
	v43 =	vand.u32 $0xFFFF0000, v43  }
0xb2: {  	v32 =	vld.idx.msk [tilespmem:v51+s12+$0x0], $0xffff;
	v41 =	vand.u32 $0xFFFF0000, v41;
	v51 =	vshll.u32 v39, $0x10;
	v39 =	vand.u32 $0xFFFF0000, v39  }
0xb3: {  	v42 =	vld.idx.msk [tilespmem:v42+s12+$0x0], $0xffff;
	v49 =	vand.u32 $0x7F, v59;
	v44 =	vadd.f32 v44, v45;
	v45 =	vadd.s32 v1, v61  }
0xb4: {  	v36 =	vld.idx.msk [tilespmem:v36+s12+$0x0], $0xffff;
	v56 =	vshll.u32 v47, $0x10;
	v47 =	vand.u32 $0xFFFF0000, v47;
	v45 =	vor.u32 v49, v45  }
0xb5: {  	v57 =	vand.u32 $0xFFFFFF80, v63;
	v43 =	vmul.f32 v47, v43;
	v44 =	vadd.f32 v52, v44;
	v48 =	vld.idx.msk [tilespmem:v58+s13+$0x0], $0xffff  }
0xb6: {  	v47 =	vshll.u32 v38, $0x10;
	v53 =	vadd.s32 v1, v57;
	v59 =	vadd.s32 $0xA, v4  }
0xb7: {  	v49 =	vand.u32 $0x7F, v63;
	v52 =	vmul.f32 v56, v62;
	v44 =	vadd.f32 v44, v46  }
0xb8: {  	v40 =	vld.idx.msk [tilespmem:v40+s12+$0x0], $0xffff;
	v61 =	vand.u32 $0xFFFFFF80, v59;
	v63 =	vadd.s32 $0xB, v4;
	v49 =	vor.u32 v49, v53  }
0xb9: {  	v53 =	vand.u32 $0x7F, v59;
	v62 =	vshll.u32 v36, $0x10;
	v44 =	vadd.f32 v52, v44;
	v45 =	vld.idx.msk [tilespmem:v45+s13+$0x0], $0xffff  }
0xba: {  	v57 =	vand.u32 $0xFFFFFF80, v63;
	v58 =	vshll.u32 v42, $0x10;
	v60 =	vshll.u32 v48, $0x10  }
0xbb: {  	v34 =	vld.idx.msk [tilespmem:v34+s12+$0x0], $0xffff;
	v52 =	vadd.s32 v1, v61;
	v43 =	vadd.f32 v44, v43;
	v44 =	vmul.f32 v60, v58  }
0xbc: {  	v42 =	vand.u32 $0xFFFF0000, v42;
	v52 =	vor.u32 v53, v52;
	v48 =	vand.u32 $0xFFFF0000, v48  }
0xbd: {  	v36 =	vand.u32 $0xFFFF0000, v36;
	v42 =	vmul.f32 v48, v42;
	v48 =	vld.idx.msk [tilespmem:v49+s13+$0x0], $0xffff;
	v43 =	vadd.f32 v44, v43  }
0xbe: {  	v46 =	vshll.u32 v40, $0x10;
	v49 =	vand.u32 $0x7F, v63;
	v56 =	vshll.u32 v45, $0x10  }
0xbf: {  	v44 =	vmul.f32 v56, v62;
	v42 =	vadd.f32 v43, v42;
	v43 =	vadd.s32 v1, v57  }
0xc0: {  	v58 =	vshll.u32 v34, $0x10;
	v45 =	vand.u32 $0xFFFF0000, v45;
	v43 =	vor.u32 v49, v43  }
0xc1: {  	v60 =	vadd.s32 $0xC, v4;
	v59 =	vld.idx.msk [tilespmem:v52+s13+$0x0], $0xffff;
	v36 =	vmul.f32 v45, v36;
	v42 =	vadd.f32 v44, v42  }
0xc2: {  	v61 =	vand.u32 $0xFFFFFF80, v60;
	v52 =	vand.u32 $0x7F, v60;
	v62 =	vshll.u32 v48, $0x10  }
0xc3: {  	v44 =	vadd.s32 v1, v61;
	v63 =	vmul.f32 v62, v58;
	v36 =	vadd.f32 v42, v36  }
0xc4: {  	v34 =	vand.u32 $0xFFFF0000, v34;
	v44 =	vor.u32 v52, v44;
	v52 =	vand.u32 $0xFFFF0000, v48  }
0xc5: {  	v53 =	vadd.s32 $0xD, v4;
	v34 =	vmul.f32 v52, v34;
	v43 =	vld.idx.msk [tilespmem:v43+s13+$0x0], $0xffff;
	v36 =	vadd.f32 v63, v36  }
0xc6: {  	v54 =	vand.u32 $0xFFFFFF80, v53;
	v55 =	vshll.u32 v59, $0x10;
	v48 =	vand.u32 $0x7F, v53  }
0xc7: {  	v42 =	vadd.s32 v1, v54;
	v56 =	vmul.f32 v55, v46;
	v34 =	vadd.f32 v36, v34  }
0xc8: {  	v40 =	vand.u32 $0xFFFF0000, v40;
	v57 =	vand.u32 $0xFFFF0000, v59;
	v42 =	vor.u32 v48, v42  }
0xc9: {  	v58 =	vadd.s32 $0xE, v4;
	v59 =	vmul.f32 v57, v40;
	v44 =	vld.idx.msk [tilespmem:v44+s13+$0x0], $0xffff;
	v34 =	vadd.f32 v56, v34  }
0xca: {  	v60 =	vand.u32 $0xFFFFFF80, v58;
	v46 =	vand.u32 $0x7F, v58;
	v61 =	vshll.u32 v43, $0x10  }
0xcb: {  	v40 =	vadd.s32 v1, v60;
	v34 =	vadd.f32 v34, v59;
	v62 =	vmul.f32 v61, v47  }
0xcc: {  	v38 =	vand.u32 $0xFFFF0000, v38;
	v40 =	vor.u32 v46, v40;
	v43 =	vand.u32 $0xFFFF0000, v43  }
0xcd: {  	v63 =	vadd.s32 $0xF, v4;
	v42 =	vld.idx.msk [tilespmem:v42+s13+$0x0], $0xffff;
	v48 =	vmul.f32 v43, v38;
	v34 =	vadd.f32 v62, v34  }
0xce: {  	v49 =	vand.u32 $0xFFFFFF80, v63;
	v45 =	vand.u32 $0x7F, v63;
	v52 =	vshll.u32 v44, $0x10  }
0xcf: {  	v38 =	vadd.s32 v1, v49;
	v53 =	vmul.f32 v52, v51;
	v34 =	vadd.f32 v34, v48  }
0xd0: {  	v37 =	vshll.u32 v33, $0x10;
	v38 =	vor.u32 v45, v38;
	v54 =	vand.u32 $0xFFFF0000, v44  }
0xd1: {  	v55 =	vadd.s32 $0x10, v4;
	v40 =	vld.idx.msk [tilespmem:v40+s13+$0x0], $0xffff;
	v56 =	vmul.f32 v54, v39;
	v34 =	vadd.f32 v53, v34  }
0xd2: {  	v57 =	vand.u32 $0xFFFFFF80, v55;
	v44 =	vand.u32 $0x7F, v55;
	v58 =	vshll.u32 v42, $0x10  }
0xd3: {  	v39 =	vadd.s32 v1, v57;
	v59 =	vmul.f32 v58, v50;
	v34 =	vadd.f32 v34, v56  }
0xd4: {  	v33 =	vand.u32 $0xFFFF0000, v33;
	v39 =	vor.u32 v44, v39;
	v42 =	vand.u32 $0xFFFF0000, v42  }
0xd5: {  	v60 =	vadd.s32 $0x11, v4;
	v61 =	vmul.f32 v42, v41;
	v38 =	vld.idx.msk [tilespmem:v38+s13+$0x0], $0xffff;
	v34 =	vadd.f32 v59, v34  }
0xd6: {  	v43 =	vand.u32 $0x7F, v60;
	v62 =	vand.u32 $0xFFFFFF80, v60;
	v63 =	vshll.u32 v40, $0x10  }
0xd7: {  	v41 =	vadd.s32 v1, v62;
	v44 =	vmul.f32 v63, v37;
	v34 =	vadd.f32 v34, v61  }
0xd8: {  	v46 =	vadd.s32 $0x12, v4;
	v40 =	vand.u32 $0xFFFF0000, v40;
	v45 =	vor.u32 v43, v41  }
0xd9: {  	v47 =	vand.u32 $0xFFFFFF80, v46;
	v33 =	vmul.f32 v40, v33;
	v39 =	vld.idx.msk [tilespmem:v39+s13+$0x0], $0xffff;
	v34 =	vadd.f32 v44, v34  }
0xda: {  	v35 =	vshll.u32 v32, $0x10;
	v36 =	vadd.s32 v1, v47;
	v48 =	vshll.u32 v38, $0x10  }
0xdb: {  	v41 =	vand.u32 $0x7F, v46;
	v49 =	vmul.f32 v48, v35;
	v33 =	vadd.f32 v34, v33  }
0xdc: {  	v32 =	vand.u32 $0xFFFF0000, v32;
	v50 =	vor.u32 v41, v36;
	v51 =	vand.u32 $0xFFFF0000, v38  }
0xdd: {  	v52 =	vadd.s32 $0x13, v4;
	v37 =	vld.idx.msk [tilespmem:v45+s13+$0x0], $0xffff;
	v32 =	vmul.f32 v51, v32;
	v33 =	vadd.f32 v49, v33  }
0xde: {  	v53 =	vand.u32 $0xFFFFFF80, v52;
	v38 =	vand.u32 $0x7F, v52;
	v54 =	vshll.u32 v39, $0x10  }
0xdf: {  	v31 =	vmul.f32 v54, v31;
	v34 =	vadd.s32 v1, v53;
	v32 =	vadd.f32 v33, v32  }
0xe0: {  	v30 =	vand.u32 $0xFFFF0000, v30;
	v56 =	vand.u32 $0xFFFF0000, v39;
	v55 =	vor.u32 v38, v34  }
0xe1: {  	v57 =	vadd.s32 $0x14, v4;
	v35 =	vld.idx.msk [tilespmem:v50+s13+$0x0], $0xffff;
	v30 =	vmul.f32 v56, v30;
	v31 =	vadd.f32 v31, v32  }
0xe2: {  	v58 =	vand.u32 $0xFFFFFF80, v57;
	v36 =	vand.u32 $0x7F, v57;
	v59 =	vshll.u32 v37, $0x10  }
0xe3: {  	v29 =	vmul.f32 v59, v29;
	v32 =	vadd.s32 v1, v58;
	v30 =	vadd.f32 v31, v30  }
0xe4: {  	v27 =	vand.u32 $0xFFFF0000, v27;
	v60 =	vand.u32 $0xFFFF0000, v37;
	v31 =	vor.u32 v36, v32  }
0xe5: {  	v61 =	vadd.s32 $0x15, v4;
	v27 =	vmul.f32 v60, v27;
	v33 =	vld.idx.msk [tilespmem:v55+s13+$0x0], $0xffff;
	v29 =	vadd.f32 v29, v30  }
0xe6: {  	v62 =	vshll.u32 v35, $0x10;
	v34 =	vand.u32 $0x7F, v61;
	v30 =	vand.u32 $0xFFFFFF80, v61  }
0xe7: {  	v28 =	vmul.f32 v62, v28;
	v30 =	vadd.s32 v1, v30;
	v27 =	vadd.f32 v29, v27  }
0xe8: {  	v26 =	vand.u32 $0xFFFF0000, v26;
	v29 =	vor.u32 v34, v30;
	v30 =	vand.u32 $0xFFFF0000, v35  }
0xe9: {  	v63 =	vadd.s32 $0x16, v4;
	v31 =	vld.idx.msk [tilespmem:v31+s13+$0x0], $0xffff;
	v26 =	vmul.f32 v30, v26;
	v27 =	vadd.f32 v28, v27  }
0xea: {  	v32 =	vand.u32 $0x7F, v63;
	v30 =	vshll.u32 v33, $0x10;
	v28 =	vand.u32 $0xFFFFFF80, v63  }
0xeb: {  	v25 =	vmul.f32 v30, v25;
	v28 =	vadd.s32 v1, v28;
	v26 =	vadd.f32 v27, v26  }
0xec: {  	v23 =	vand.u32 $0xFFFF0000, v23;
	v27 =	vor.u32 v32, v28;
	v28 =	vand.u32 $0xFFFF0000, v33  }
0xed: {  	v30 =	vadd.s32 $0x17, v4;
	v29 =	vld.idx.msk [tilespmem:v29+s13+$0x0], $0xffff;
	v23 =	vmul.f32 v28, v23;
	v25 =	vadd.f32 v25, v26  }
0xee: {  	v26 =	vand.u32 $0xFFFFFF80, v30;
	v28 =	vshll.u32 v31, $0x10;
	v30 =	vand.u32 $0x7F, v30  }
0xef: {  	v26 =	vadd.s32 v1, v26;
	v24 =	vmul.f32 v28, v24;
	v23 =	vadd.f32 v25, v23  }
0xf0: {  	v16 =	vshll.u32 v12, $0x10;
	v25 =	vor.u32 v30, v26;
	v26 =	vand.u32 $0xFFFF0000, v31  }
0xf1: {  	v28 =	vadd.s32 $0x18, v4;
	v27 =	vld.idx.msk [tilespmem:v27+s13+$0x0], $0xffff;
	v21 =	vmul.f32 v26, v21;
	v23 =	vadd.f32 v24, v23  }
0xf2: {  	v24 =	vand.u32 $0xFFFFFF80, v28;
	v26 =	vshll.u32 v29, $0x10;
	v28 =	vand.u32 $0x7F, v28  }
0xf3: {  	v24 =	vadd.s32 v1, v24;
	v22 =	vmul.f32 v26, v22;
	v21 =	vadd.f32 v23, v21  }
0xf4: {  	v20 =	vshll.u32 v17, $0x10;
	v23 =	vor.u32 v28, v24;
	v24 =	vand.u32 $0xFFFF0000, v29  }
0xf5: {  	v26 =	vadd.s32 $0x19, v4;
	v25 =	vld.idx.msk [tilespmem:v25+s13+$0x0], $0xffff;
	v19 =	vmul.f32 v24, v19;
	v21 =	vadd.f32 v22, v21  }
0xf6: {  	v22 =	vand.u32 $0xFFFFFF80, v26;
	v24 =	vshll.u32 v27, $0x10;
	v26 =	vand.u32 $0x7F, v26  }
0xf7: {  	v10 =	vld.idx.msk [tilespmem:v10+s12+$0x0], $0xffff;
	v22 =	vadd.s32 v1, v22;
	v20 =	vmul.f32 v24, v20;
	v19 =	vadd.f32 v21, v19  }
0xf8: {  	v17 =	vand.u32 $0xFFFF0000, v17;
	v21 =	vor.u32 v26, v22;
	v22 =	vand.u32 $0xFFFF0000, v27  }
0xf9: {  	v24 =	vadd.s32 $0x1A, v4;
	v23 =	vld.idx.msk [tilespmem:v23+s13+$0x0], $0xffff;
	v17 =	vmul.f32 v22, v17;
	v19 =	vadd.f32 v20, v19  }
0xfa: {  	v20 =	vand.u32 $0xFFFFFF80, v24;
	v22 =	vshll.u32 v25, $0x10;
	v24 =	vand.u32 $0x7F, v24  }
0xfb: {  	v20 =	vadd.s32 v1, v20;
	v18 =	vmul.f32 v22, v18;
	v17 =	vadd.f32 v19, v17  }
0xfc: {  	v15 =	vshll.u32 v10, $0x10;
	v19 =	vor.u32 v24, v20;
	v20 =	vand.u32 $0xFFFF0000, v25  }
0xfd: {  	v22 =	vadd.s32 $0x1B, v4;
	v21 =	vld.idx.msk [tilespmem:v21+s13+$0x0], $0xffff;
	v14 =	vmul.f32 v20, v14;
	v17 =	vadd.f32 v18, v17  }
0xfe: {  	v18 =	vand.u32 $0xFFFFFF80, v22;
	v20 =	vshll.u32 v23, $0x10;
	v22 =	vand.u32 $0x7F, v22  }
0xff: {  	v18 =	vadd.s32 v1, v18;
	v16 =	vmul.f32 v20, v16;
	v14 =	vadd.f32 v17, v14  }
0x100: {  	v12 =	vand.u32 $0xFFFF0000, v12;
	v17 =	vor.u32 v22, v18;
	v18 =	vand.u32 $0xFFFF0000, v23  }
0x101: {  	v20 =	vadd.s32 $0x1C, v4;
	v19 =	vld.idx.msk [tilespmem:v19+s13+$0x0], $0xffff;
	v12 =	vmul.f32 v18, v12;
	v14 =	vadd.f32 v16, v14  }
0x102: {  	v16 =	vand.u32 $0xFFFFFF80, v20;
	v18 =	vshll.u32 v21, $0x10;
	v20 =	vand.u32 $0x7F, v20  }
0x103: {  	v16 =	vadd.s32 v1, v16;
	v12 =	vadd.f32 v14, v12;
	v14 =	vmul.f32 v18, v15  }
0x104: {  	v10 =	vand.u32 $0xFFFF0000, v10;
	v15 =	vor.u32 v20, v16;
	v16 =	vand.u32 $0xFFFF0000, v21  }
0x105: {  	v18 =	vadd.s32 $0x1D, v4;
	v17 =	vld.idx.msk [tilespmem:v17+s13+$0x0], $0xffff;
	v10 =	vmul.f32 v16, v10;
	v12 =	vadd.f32 v14, v12  }
0x106: {  	v14 =	vand.u32 $0xFFFFFF80, v18;
	v16 =	vshll.u32 v19, $0x10;
	v18 =	vand.u32 $0x7F, v18  }
0x107: {  	v2 =	vld.idx.msk [tilespmem:v2+s12+$0x0], $0xffff;
	v14 =	vadd.s32 v1, v14;
	v10 =	vadd.f32 v12, v10;
	v12 =	vmul.f32 v16, v13  }
0x108: {  	v7 =	vand.u32 $0xFFFF0000, v7;
	v13 =	vor.u32 v18, v14;
	v14 =	vand.u32 $0xFFFF0000, v19  }
0x109: {  	v16 =	vadd.s32 $0x1E, v4;
	v15 =	vld.idx.msk [tilespmem:v15+s13+$0x0], $0xffff;
	v7 =	vmul.f32 v14, v7;
	v10 =	vadd.f32 v12, v10  }
0x10a: {  	v12 =	vand.u32 $0xFFFFFF80, v16;
	v14 =	vshll.u32 v17, $0x10;
	v16 =	vand.u32 $0x7F, v16  }
0x10b: {  	v12 =	vadd.s32 v1, v12;
	v7 =	vadd.f32 v10, v7;
	v10 =	vmul.f32 v14, v11  }
0x10c: {  	v8 =	vld.idx.msk [tilespmem:v8+s12+$0x0], $0xffff;
	v9 =	vshll.u32 v2, $0x10;
	v11 =	vor.u32 v16, v12;
	v12 =	vand.u32 $0xFFFF0000, v17  }
0x10d: {  	v4 =	vadd.s32 $0x1F, v4;
	v13 =	vld.idx.msk [tilespmem:v13+s13+$0x0], $0xffff;
	v6 =	vmul.f32 v12, v6;
	v7 =	vadd.f32 v10, v7  }
0x10e: {  	v10 =	vand.u32 $0xFFFFFF80, v4;
	v12 =	vshll.u32 v15, $0x10;
	v4 =	vand.u32 $0x7F, v4  }
0x10f: {  	v1 =	vadd.s32 v1, v10;
	v6 =	vadd.f32 v7, v6;
	v7 =	vmul.f32 v12, v9  }
0x110: {  	v5 =	vld.idx.msk [tilespmem:v5+s12+$0x0], $0xffff;
	v2 =	vand.u32 $0xFFFF0000, v2;
	v1 =	vor.u32 v4, v1;
	v4 =	vand.u32 $0xFFFF0000, v15  }
0x111: {  	v9 =	vld.idx.msk [tilespmem:v11+s13+$0x0], $0xffff;
	v2 =	vmul.f32 v4, v2;
	v6 =	vadd.f32 v7, v6  }
0x112: {  	v4 =	vshll.u32 v8, $0x10;
	v7 =	vshll.u32 v13, $0x10  }
0x113: {  	v4 =	vmul.f32 v7, v4;
	v2 =	vadd.f32 v6, v2  }
0x114: {  	v3 =	vld.idx.msk [tilespmem:v3+s12+$0x0], $0xffff;
	v7 =	vand.u32 $0xFFFF0000, v13;
	v6 =	vand.u32 $0xFFFF0000, v8  }
0x115: {  	v1 =	vld.idx.msk [tilespmem:v1+s13+$0x0], $0xffff;
	v2 =	vadd.f32 v4, v2;
	v4 =	vmul.f32 v7, v6  }
0x116: {  	v6 =	vshll.u32 v5, $0x10;
	v7 =	vshll.u32 v9, $0x10  }
0x117: {  	v2 =	vadd.f32 v2, v4;
	v4 =	vmul.f32 v7, v6  }
0x118: {  	v5 =	vand.u32 $0xFFFF0000, v5;
	v6 =	vand.u32 $0xFFFF0000, v9  }
0x119: {  	s30 =	simm.s32 $0x10;
	v2 =	vadd.f32 v4, v2;
	v4 =	vmul.f32 v6, v5  }
0x11a: {  	v5 =	vor.u32 s30, v0;
	v6 =	vshll.u32 v3, $0x10;
	v7 =	vshll.u32 v1, $0x10  }
0x11b: {  	v8 =	vmul.u32 $0xCCCD, v5;
	v2 =	vadd.f32 v2, v4;
	v4 =	vmul.f32 v7, v6  }
0x11c: {  	v3 =	vand.u32 $0xFFFF0000, v3;
	v1 =	vand.u32 $0xFFFF0000, v1  }
0x11d: {  	v1 =	vmul.f32 v1, v3;
	v6 =	vshrl.u32 v8, $0x12;
	v2 =	vadd.f32 v4, v2;
	_ =	sdelay $0x1  }
0x11e: {  	v1 =	vadd.f32 v2, v1  }
0x11f: {  	s30 =	simm.s32 $0x18600  }
0x120: {  	[tilespmem:s30+$0x0] =	vst v1  }
0x121: {  	v2 =	vld.idx.msk [tilespmem:v6+s23+$0x0], $0xffff;
	_ =	sdelay $0x3  }
0x122: {  	v12 =	vshll.u32 v6, $0x7  }
0x123: {  	v1 =	vshll.u32 v5, $0x7;
	v3 =	vadd.s32 $0x1E, v2;
	v4 =	vadd.s32 $0x1F, v2  }
0x124: {  	v5 =	vadd.s32 $0x1B, v2;
	v6 =	vadd.s32 $0x1C, v2;
	v7 =	vadd.s32 $0x1D, v2  }
0x125: {  	v8 =	vadd.s32 $0x18, v2;
	v13 =	vadd.s32 $0x19, v2;
	v14 =	vadd.s32 $0x1A, v2  }
0x126: {  	v15 =	vadd.s32 $0x15, v2;
	v16 =	vadd.s32 $0x16, v2;
	v17 =	vadd.s32 $0x17, v2  }
0x127: {  	v18 =	vadd.s32 $0x12, v2;
	v19 =	vadd.s32 $0x13, v2;
	v20 =	vadd.s32 $0x14, v2  }
0x128: {  	v22 =	vadd.s32 $0xF, v2;
	v21 =	vadd.s32 $0x10, v2;
	v23 =	vadd.s32 $0x11, v2  }
0x129: {  	v26 =	vadd.s32 $0xC, v2;
	v24 =	vadd.s32 $0xD, v2;
	v28 =	vadd.s32 $0xE, v2  }
0x12a: {  	v29 =	vadd.s32 $0x9, v2;
	v30 =	vadd.s32 $0xA, v2;
	v33 =	vadd.s32 $0xB, v2  }
0x12b: {  	v37 =	vadd.s32 $0x6, v2;
	v39 =	vadd.s32 $0x7, v2;
	v41 =	vadd.s32 $0x8, v2  }
0x12c: {  	v50 =	vadd.s32 $0x3, v2;
	v48 =	vadd.s32 $0x4, v2;
	v45 =	vadd.s32 $0x5, v2  }
0x12d: {  	v25 =	vand.u32 $0x7F, v2;
	v54 =	vadd.s32 $0x1, v2;
	v52 =	vadd.s32 $0x2, v2  }
0x12e: {  	v2 =	vand.u32 $0xFFFFFF80, v2;
	v55 =	vand.u32 $0xFFFFFF80, v4;
	v0 =	vand.u32 $0x7F, v4  }
0x12f: {  	v63 =	vand.u32 $0x7F, v7;
	v56 =	vand.u32 $0xFFFFFF80, v3;
	v4 =	vand.u32 $0x7F, v6  }
0x130: {  	v57 =	vand.u32 $0xFFFFFF80, v7;
	v7 =	vand.u32 $0xFFFFFF80, v5;
	v5 =	vand.u32 $0x7F, v5  }
0x131: {  	v35 =	vand.u32 $0xFFFFFF80, v13;
	v13 =	vand.u32 $0x7F, v13;
	v40 =	vand.u32 $0x7F, v17  }
0x132: {  	v38 =	vand.u32 $0xFFFFFF80, v8;
	v8 =	vand.u32 $0x7F, v8;
	v42 =	vand.u32 $0xFFFFFF80, v16  }
0x133: {  	v16 =	vand.u32 $0x7F, v16;
	v43 =	vand.u32 $0xFFFFFF80, v17;
	v47 =	vand.u32 $0x7F, v20  }
0x134: {  	v46 =	vand.u32 $0xFFFFFF80, v15;
	v15 =	vand.u32 $0x7F, v15;
	v51 =	vand.u32 $0xFFFFFF80, v19  }
0x135: {  	v53 =	vand.u32 $0x7F, v19;
	v49 =	vand.u32 $0xFFFFFF80, v20;
	v58 =	vand.u32 $0x7F, v23  }
0x136: {  	v59 =	vand.u32 $0xFFFFFF80, v18;
	v60 =	vand.u32 $0x7F, v18;
	v61 =	vand.u32 $0xFFFFFF80, v21  }
0x137: {  	v17 =	vand.u32 $0x7F, v21;
	v62 =	vand.u32 $0xFFFFFF80, v23;
	v21 =	vand.u32 $0x7F, v28  }
0x138: {  	v20 =	vand.u32 $0xFFFFFF80, v22;
	v2 =	vadd.s32 v12, v2;
	v27 =	vand.u32 $0xFFFFFF80, v24  }
0x139: {  	v19 =	vand.u32 $0x7F, v24;
	v24 =	vand.u32 $0xFFFFFF80, v28;
	v28 =	vand.u32 $0x7F, v33  }
0x13a: {  	v31 =	vand.u32 $0xFFFFFF80, v26;
	v26 =	vand.u32 $0x7F, v26;
	v34 =	vand.u32 $0xFFFFFF80, v30  }
0x13b: {  	v32 =	vand.u32 $0x7F, v30;
	v33 =	vand.u32 $0xFFFFFF80, v33;
	v36 =	vand.u32 $0x7F, v41  }
0x13c: {  	v44 =	vand.u32 $0xFFFFFF80, v37;
	[tilespmem:$0x1FFD0] =	vst v0;
	v0 =	vand.u32 $0x7F, v3;
	v3 =	vand.u32 $0xFFFFFF80, v6  }
0x13d: {  	v6 =	vand.u32 $0x7F, v14;
	v14 =	vand.u32 $0xFFFFFF80, v14;
	v3 =	vadd.s32 v12, v3  }
0x13e: {  	v2 =	vor.u32 v25, v2;
	[tilespmem:$0x1FFE0] =	vst v0;
	v0 =	vand.u32 $0x7F, v22;
	v3 =	vor.u32 v4, v3  }
0x13f: {  	v4 =	vadd.s32 v12, v7;
	v7 =	vadd.s32 v12, v38;
	v38 =	vand.u32 $0xFFFFFF80, v29  }
0x140: {  	v4 =	vor.u32 v5, v4;
	v5 =	vadd.s32 v12, v14;
	v7 =	vor.u32 v8, v7  }
0x141: {  	v8 =	vadd.s32 v12, v43;
	v43 =	vand.u32 $0xFFFFFF80, v39;
	v14 =	vadd.s32 v12, v46  }
0x142: {  	v5 =	vor.u32 v6, v5;
	v6 =	vadd.s32 v12, v35;
	v35 =	vand.u32 $0x7F, v29  }
0x143: {  	v8 =	vor.u32 v40, v8;
	v40 =	vand.u32 $0x7F, v39;
	v39 =	vand.u32 $0xFFFFFF80, v41  }
0x144: {  	v41 =	vand.u32 $0x7F, v37;
	v18 =	vor.u32 v15, v14;
	v14 =	vadd.s32 v12, v59  }
0x145: {  	v15 =	vadd.s32 v12, v62;
	v37 =	vadd.s32 v12, v61;
	v6 =	vor.u32 v13, v6;
	v46 =	vld.idx.msk [tilespmem:v2+s12+$0x0], $0xffff  }
0x146: {  	[tilespmem:$0x1FFF0] =	vst v0;
	v13 =	vadd.s32 v12, v42;
	v42 =	vand.u32 $0x7F, v45;
	v45 =	vand.u32 $0xFFFFFF80, v45;
	v0 =	vld.idx.msk [tilespmem:v3+s12+$0x0], $0xffff  }
0x147: {  	v29 =	vor.u32 v60, v14;
	v30 =	vor.u32 v58, v15;
	v13 =	vor.u32 v16, v13;
	v2 =	vld.idx.msk [tilespmem:v4+s12+$0x0], $0xffff  }
0x148: {  	v14 =	vadd.s32 v12, v55;
	v15 =	vadd.s32 v12, v56;
	v16 =	vadd.s32 v12, v49;
	v60 =	vld.idx.msk [tilespmem:v7+s12+$0x0], $0xffff  }
0x149: {  	v49 =	vand.u32 $0xFFFFFF80, v48;
	v22 =	vor.u32 v47, v16;
	v47 =	vand.u32 $0x7F, v48;
	v5 =	vld.idx.msk [tilespmem:v5+s12+$0x0], $0xffff  }
0x14a: {  	v48 =	vand.u32 $0x7F, v50;
	v4 =	vadd.s32 v12, v51;
	v51 =	vand.u32 $0xFFFFFF80, v50;
	v55 =	vld.idx.msk [tilespmem:v8+s12+$0x0], $0xffff  }
0x14b: {  	v50 =	vand.u32 $0x7F, v52;
	v23 =	vor.u32 v53, v4;
	v53 =	vand.u32 $0xFFFFFF80, v52;
	v59 =	vld.idx.msk [tilespmem:v6+s12+$0x0], $0xffff  }
0x14c: {  	s31 =	simm.s32 $0x20;
	v52 =	vand.u32 $0x7F, v54;
	v54 =	vand.u32 $0xFFFFFF80, v54;
	v8 =	vld.idx.msk [tilespmem:v13+s12+$0x0], $0xffff;
	v13 =	vadd.s32 v12, v57;
	v56 =	vmovc v0;
	v57 =	vmovc v2  }
.LBB2_5:
0x14d: {  	_ =	sdelay $0x1  }
0x14e: {  	v16 =	vld.idx.msk [tilespmem:v18+s12+$0x0], $0xffff  }
0x14f: {  	v0 =	vld [tilespmem:$0x1FFF0]  }
0x150: {  	v24 =	vadd.s32 v12, v24;
	v20 =	vadd.s32 v12, v20;
	v17 =	vor.u32 v17, v37;
	v7 =	vld.idx.msk [tilespmem:v22+s12+$0x0], $0xffff  }
0x151: {  	v18 =	vadd.s32 v12, v31;
	v27 =	vadd.s32 v12, v27;
	v22 =	vadd.s32 v12, v34;
	v25 =	vld.idx.msk [tilespmem:v30+s12+$0x0], $0xffff  }
0x152: {  	v31 =	vadd.s32 v12, v33;
	v33 =	vadd.s32 v12, v43;
	v24 =	vor.u32 v21, v24;
	v21 =	vld.idx.msk [tilespmem:v23+s12+$0x0], $0xffff  }
0x153: {  	v34 =	vadd.s32 v12, v39;
	v37 =	vadd.s32 v12, v38;
	v23 =	vld.idx.msk [tilespmem:v29+s12+$0x0], $0xffff;
	v33 =	vor.u32 v40, v33  }
0x154: {  	v38 =	vadd.s32 v12, v45;
	v61 =	vadd.s32 v12, v44;
	v20 =	vor.u32 v0, v20;
	v0 =	vld [tilespmem:$0x1FFE0]  }
0x155: {  	v30 =	vadd.s32 v12, v51;
	v58 =	vadd.s32 v12, v49;
	s29 =	sadd.s32 $0x10, s29;
	v62 =	vor.u32 v19, v27;
	v27 =	vld.idx.msk [tilespmem:v17+s12+$0x0], $0xffff  }
0x156: {  	v18 =	vor.u32 v26, v18;
	v26 =	vadd.s32 v12, v53;
	v17 =	vadd.s32 v12, v54;
	v12 =	vld [tilespmem:s29+$0x0]  }
0x157: {  	v28 =	vor.u32 v28, v31;
	v61 =	vor.u32 v41, v61;
	v31 =	vld.idx.msk [tilespmem:v24+s12+$0x0], $0xffff  }
0x158: {  	v53 =	vshll.u32 v46, $0x10;
	v43 =	vor.u32 v50, v26;
	v54 =	vand.u32 $0xFFFF0000, v46;
	v46 =	vld.idx.msk [tilespmem:v33+s12+$0x0], $0xffff  }
0x159: {  	v19 =	vand.u32 $0xFFFF0000, v7;
	v29 =	vld.idx.msk [tilespmem:v20+s12+$0x0], $0xffff;
	v20 =	vor.u32 v32, v22;
	v0 =	vor.u32 v0, v15  }
0x15a: {  	v24 =	vor.u32 v35, v37;
	v37 =	vor.u32 v48, v30;
	v30 =	vshll.u32 v23, $0x10;
	[tilespmem:$0x1FFB0] =	vst v0;
	v0 =	vld [tilespmem:$0x1FFD0]  }
0x15b: {  	v23 =	vand.u32 $0xFFFF0000, v23;
	v22 =	vor.u32 v36, v34;
	v32 =	vor.u32 v42, v38;
	v34 =	vld.idx.msk [tilespmem:v62+s12+$0x0], $0xffff  }
0x15c: {  	v62 =	vor.u32 v47, v58;
	v36 =	vld.idx.msk [tilespmem:v18+s12+$0x0], $0xffff;
	v47 =	vor.u32 v52, v17;
	v18 =	vshll.u32 v60, $0x10  }
0x15d: {  	v38 =	vld.idx.msk [tilespmem:v28+s12+$0x0], $0xffff;
	v17 =	vshll.u32 v59, $0x10;
	v45 =	vadd.s32 $0x1, v12;
	v28 =	vshll.u32 v21, $0x10  }
0x15e: {  	v33 =	vshll.u32 v27, $0x10;
	v27 =	vand.u32 $0xFFFF0000, v27;
	v40 =	vld.idx.msk [tilespmem:v20+s12+$0x0], $0xffff;
	v20 =	vand.u32 $0xFFFFFF80, v12  }
0x15f: {  	v42 =	vld.idx.msk [tilespmem:v24+s12+$0x0], $0xffff;
	v24 =	vand.u32 $0x7F, v12;
	v0 =	vor.u32 v0, v14;
	v26 =	vadd.s32 v1, v20  }
0x160: {  	v58 =	vand.u32 $0xFFFFFF80, v45;
	[tilespmem:$0x1FFC0] =	vst v0;
	v0 =	vor.u32 v63, v13;
	v63 =	vor.u32 v24, v26  }
0x161: {  	v48 =	vld.idx.msk [tilespmem:v61+s12+$0x0], $0xffff;
	v21 =	vand.u32 $0xFFFF0000, v21;
	v61 =	vand.u32 $0x7F, v45;
	v35 =	vadd.s32 v1, v58  }
0x162: {  	v52 =	vld.idx.msk [tilespmem:v62+s12+$0x0], $0xffff;
	v62 =	vadd.s32 $0x2, v12;
	v41 =	vshll.u32 v36, $0x10;
	v39 =	vshll.u32 v34, $0x10  }
0x163: {  	v10 =	vmovc v55;
	v58 =	vld.idx.msk [tilespmem:v43+s12+$0x0], $0xffff;
	v43 =	vshll.u32 v38, $0x10;
	v20 =	vshll.u32 v55, $0x10;
	v55 =	vor.u32 v61, v35  }
0x164: {  	v51 =	vld.idx.msk [tilespmem:v32+s12+$0x0], $0xffff;
	v38 =	vand.u32 $0xFFFF0000, v38;
	v36 =	vand.u32 $0xFFFF0000, v36;
	[tilespmem:$0x1FF90] =	vst v0;
	v0 =	vshll.u32 v5, $0x10  }
0x165: {  	v14 =	vmovc v57;
	v49 =	vand.u32 $0x7F, v62;
	v61 =	vadd.s32 $0x3, v12;
	[tilespmem:$0x1FF70] =	vst v0;
	v0 =	vshll.u32 v57, $0x10;
	v57 =	vld.idx.msk [tilespmem:v63+s13+$0x0], $0xffff  }
0x166: {  	v11 =	vmovc v5;
	v13 =	vmovc v59;
	v59 =	vld.idx.msk [tilespmem:v47+s12+$0x0], $0xffff;
	v47 =	vshll.u32 v42, $0x10;
	v42 =	vand.u32 $0xFFFF0000, v42;
	v63 =	vand.u32 $0xFFFFFF80, v62  }
0x167: {  	v15 =	vmovc v56;
	v5 =	vadd.s32 $0x4, v12;
	[tilespmem:$0x1FF80] =	vst v0;
	v0 =	vshll.u32 v56, $0x10;
	v56 =	vld.idx.msk [tilespmem:v37+s12+$0x0], $0xffff;
	v50 =	vadd.s32 v1, v63  }
0x168: {  	v9 =	vmovc v60;
	v3 =	vshll.u32 v52, $0x10;
	[tilespmem:$0x1FFA0] =	vst v0;
	v55 =	vld.idx.msk [tilespmem:v55+s13+$0x0], $0xffff;
	v0 =	vand.u32 $0xFFFFFF80, v61;
	v60 =	vor.u32 v49, v50  }
0x169: {  	v61 =	vand.u32 $0x7F, v61;
	v62 =	vshll.u32 v51, $0x10;
	v0 =	vadd.s32 v1, v0  }
0x16a: {  	v63 =	vshll.u32 v48, $0x10;
	v0 =	vor.u32 v61, v0;
	v4 =	vshll.u32 v57, $0x10  }
0x16b: {  	v61 =	vshll.u32 v59, $0x10;
	v48 =	vand.u32 $0xFFFF0000, v48;
	v4 =	vmul.f32 v4, v53  }
0x16c: {  	v50 =	vshll.u32 v46, $0x10;
	v2 =	vshll.u32 v56, $0x10;
	v57 =	vand.u32 $0xFFFF0000, v57  }
0x16d: {  	v6 =	vshll.u32 v55, $0x10;
	v54 =	vmul.f32 v57, v54;
	v60 =	vld.idx.msk [tilespmem:v60+s13+$0x0], $0xffff;
	v4 =	vadd.f32 $0.0e+00, v4  }
0x16e: {  	v55 =	vand.u32 $0xFFFF0000, v55;
	v6 =	vmul.f32 v6, v61;
	v57 =	vand.u32 $0xFFFFFF80, v5  }
0x16f: {  	v5 =	vand.u32 $0x7F, v5;
	v57 =	vadd.s32 v1, v57;
	v4 =	vadd.f32 v4, v54  }
0x170: {  	v61 =	vand.u32 $0xFFFF0000, v59;
	v53 =	vshll.u32 v58, $0x10;
	v5 =	vor.u32 v5, v57  }
0x171: {  	v0 =	vld.idx.msk [tilespmem:v0+s13+$0x0], $0xffff;
	v57 =	vadd.s32 $0x5, v12;
	v4 =	vadd.f32 v6, v4;
	v6 =	vmul.f32 v55, v61  }
0x172: {  	v54 =	vand.u32 $0xFFFFFF80, v57;
	v57 =	vand.u32 $0x7F, v57;
	v61 =	vshll.u32 v60, $0x10  }
0x173: {  	v54 =	vadd.s32 v1, v54;
	v4 =	vadd.f32 v4, v6;
	v6 =	vmul.f32 v61, v53  }
0x174: {  	v53 =	vor.u32 v57, v54;
	v54 =	vand.u32 $0xFFFF0000, v58;
	v61 =	vand.u32 $0xFFFF0000, v60  }
0x175: {  	v5 =	vld.idx.msk [tilespmem:v5+s13+$0x0], $0xffff;
	v57 =	vadd.s32 $0x6, v12;
	v4 =	vadd.f32 v6, v4;
	v6 =	vmul.f32 v61, v54  }
0x176: {  	v60 =	vand.u32 $0xFFFFFF80, v57;
	v57 =	vand.u32 $0x7F, v57;
	v61 =	vshll.u32 v0, $0x10  }
0x177: {  	v54 =	vadd.s32 v1, v60;
	v2 =	vmul.f32 v61, v2;
	v4 =	vadd.f32 v4, v6  }
0x178: {  	v59 =	vand.u32 $0xFFFF0000, v56;
	v0 =	vand.u32 $0xFFFF0000, v0;
	v6 =	vor.u32 v57, v54  }
0x179: {  	v60 =	vadd.s32 $0x7, v12;
	v0 =	vmul.f32 v0, v59;
	v53 =	vld.idx.msk [tilespmem:v53+s13+$0x0], $0xffff;
	v2 =	vadd.f32 v2, v4  }
0x17a: {  	v55 =	vand.u32 $0x7F, v60;
	v61 =	vshll.u32 v5, $0x10;
	v4 =	vand.u32 $0xFFFFFF80, v60  }
0x17b: {  	v4 =	vadd.s32 v1, v4;
	v0 =	vadd.f32 v2, v0;
	v2 =	vmul.f32 v61, v3  }
0x17c: {  	v5 =	vand.u32 $0xFFFF0000, v5;
	v3 =	vor.u32 v55, v4;
	v4 =	vand.u32 $0xFFFF0000, v52  }
0x17d: {  	v56 =	vadd.s32 $0x8, v12;
	v6 =	vld.idx.msk [tilespmem:v6+s13+$0x0], $0xffff;
	v0 =	vadd.f32 v2, v0;
	v2 =	vmul.f32 v5, v4  }
0x17e: {  	v52 =	vand.u32 $0x7F, v56;
	v4 =	vand.u32 $0xFFFFFF80, v56;
	v5 =	vshll.u32 v53, $0x10  }
0x17f: {  	v44 =	vld.idx.msk [tilespmem:v22+s12+$0x0], $0xffff;
	v4 =	vadd.s32 v1, v4;
	v0 =	vadd.f32 v0, v2;
	v2 =	vmul.f32 v5, v62  }
0x180: {  	v57 =	vand.u32 $0xFFFF0000, v53;
	v4 =	vor.u32 v52, v4;
	v5 =	vand.u32 $0xFFFF0000, v51  }
0x181: {  	v58 =	vadd.s32 $0x9, v12;
	v3 =	vld.idx.msk [tilespmem:v3+s13+$0x0], $0xffff;
	v0 =	vadd.f32 v2, v0;
	v2 =	vmul.f32 v57, v5  }
0x182: {  	v52 =	vand.u32 $0x7F, v58;
	v5 =	vand.u32 $0xFFFFFF80, v58;
	v59 =	vshll.u32 v6, $0x10  }
0x183: {  	v5 =	vadd.s32 v1, v5;
	v0 =	vadd.f32 v0, v2;
	v2 =	vmul.f32 v59, v63  }
0x184: {  	v49 =	vshll.u32 v44, $0x10;
	v6 =	vand.u32 $0xFFFF0000, v6;
	v5 =	vor.u32 v52, v5  }
0x185: {  	v60 =	vadd.s32 $0xA, v12;
	v4 =	vld.idx.msk [tilespmem:v4+s13+$0x0], $0xffff;
	v0 =	vadd.f32 v2, v0;
	v2 =	vmul.f32 v6, v48  }
0x186: {  	v51 =	vand.u32 $0x7F, v60;
	v6 =	vand.u32 $0xFFFFFF80, v60;
	v61 =	vshll.u32 v3, $0x10  }
0x187: {  	v6 =	vadd.s32 v1, v6;
	v0 =	vadd.f32 v0, v2;
	v2 =	vmul.f32 v61, v50  }
0x188: {  	v46 =	vand.u32 $0xFFFF0000, v46;
	v3 =	vand.u32 $0xFFFF0000, v3;
	v6 =	vor.u32 v51, v6  }
0x189: {  	v62 =	vadd.s32 $0xB, v12;
	v5 =	vld.idx.msk [tilespmem:v5+s13+$0x0], $0xffff;
	v0 =	vadd.f32 v2, v0;
	v2 =	vmul.f32 v3, v46  }
0x18a: {  	v48 =	vand.u32 $0x7F, v62;
	v3 =	vand.u32 $0xFFFFFF80, v62;
	v63 =	vshll.u32 v4, $0x10  }
0x18b: {  	v3 =	vadd.s32 v1, v3;
	v0 =	vadd.f32 v0, v2;
	v2 =	vmul.f32 v63, v49  }
0x18c: {  	v44 =	vand.u32 $0xFFFF0000, v44;
	v4 =	vand.u32 $0xFFFF0000, v4;
	v3 =	vor.u32 v48, v3  }
0x18d: {  	v51 =	vadd.s32 $0xC, v12;
	v6 =	vld.idx.msk [tilespmem:v6+s13+$0x0], $0xffff;
	v0 =	vadd.f32 v2, v0;
	v2 =	vmul.f32 v4, v44  }
0x18e: {  	v46 =	vand.u32 $0x7F, v51;
	v4 =	vand.u32 $0xFFFFFF80, v51;
	v52 =	vshll.u32 v5, $0x10  }
0x18f: {  	v4 =	vadd.s32 v1, v4;
	v0 =	vadd.f32 v0, v2;
	v2 =	vmul.f32 v52, v47  }
0x190: {  	v45 =	vshll.u32 v40, $0x10;
	v5 =	vand.u32 $0xFFFF0000, v5;
	v4 =	vor.u32 v46, v4  }
0x191: {  	v53 =	vadd.s32 $0xD, v12;
	v3 =	vld.idx.msk [tilespmem:v3+s13+$0x0], $0xffff;
	v0 =	vadd.f32 v2, v0;
	v2 =	vmul.f32 v5, v42  }
0x192: {  	v44 =	vand.u32 $0x7F, v53;
	v5 =	vand.u32 $0xFFFFFF80, v53;
	v54 =	vshll.u32 v6, $0x10  }
0x193: {  	v5 =	vadd.s32 v1, v5;
	v0 =	vadd.f32 v0, v2;
	v2 =	vmul.f32 v54, v45  }
0x194: {  	v40 =	vand.u32 $0xFFFF0000, v40;
	v6 =	vand.u32 $0xFFFF0000, v6;
	v5 =	vor.u32 v44, v5  }
0x195: {  	v55 =	vadd.s32 $0xE, v12;
	v4 =	vld.idx.msk [tilespmem:v4+s13+$0x0], $0xffff;
	v0 =	vadd.f32 v2, v0;
	v2 =	vmul.f32 v6, v40  }
0x196: {  	v42 =	vand.u32 $0x7F, v55;
	v6 =	vand.u32 $0xFFFFFF80, v55;
	v56 =	vshll.u32 v3, $0x10  }
0x197: {  	v6 =	vadd.s32 v1, v6;
	v0 =	vadd.f32 v0, v2;
	v2 =	vmul.f32 v56, v43  }
0x198: {  	v34 =	vand.u32 $0xFFFF0000, v34;
	v3 =	vand.u32 $0xFFFF0000, v3;
	v6 =	vor.u32 v42, v6  }
0x199: {  	v57 =	vadd.s32 $0xF, v12;
	v5 =	vld.idx.msk [tilespmem:v5+s13+$0x0], $0xffff;
	v0 =	vadd.f32 v2, v0;
	v2 =	vmul.f32 v3, v38  }
0x19a: {  	v40 =	vand.u32 $0x7F, v57;
	v3 =	vand.u32 $0xFFFFFF80, v57;
	v58 =	vshll.u32 v4, $0x10  }
0x19b: {  	v3 =	vadd.s32 v1, v3;
	v0 =	vadd.f32 v0, v2;
	v2 =	vmul.f32 v58, v41  }
0x19c: {  	v35 =	vshll.u32 v29, $0x10;
	v4 =	vand.u32 $0xFFFF0000, v4;
	v3 =	vor.u32 v40, v3  }
0x19d: {  	v59 =	vadd.s32 $0x10, v12;
	v6 =	vld.idx.msk [tilespmem:v6+s13+$0x0], $0xffff;
	v0 =	vadd.f32 v2, v0;
	v2 =	vmul.f32 v4, v36  }
0x19e: {  	v38 =	vand.u32 $0x7F, v59;
	v4 =	vand.u32 $0xFFFFFF80, v59;
	v60 =	vshll.u32 v5, $0x10  }
0x19f: {  	v4 =	vadd.s32 v1, v4;
	v0 =	vadd.f32 v0, v2;
	v2 =	vmul.f32 v60, v39  }
0x1a0: {  	v37 =	vshll.u32 v31, $0x10;
	v5 =	vand.u32 $0xFFFF0000, v5;
	v4 =	vor.u32 v38, v4  }
0x1a1: {  	v61 =	vadd.s32 $0x11, v12;
	v3 =	vld.idx.msk [tilespmem:v3+s13+$0x0], $0xffff;
	v0 =	vadd.f32 v2, v0;
	v2 =	vmul.f32 v5, v34  }
0x1a2: {  	v36 =	vand.u32 $0x7F, v61;
	v5 =	vand.u32 $0xFFFFFF80, v61;
	v62 =	vshll.u32 v6, $0x10  }
0x1a3: {  	v5 =	vadd.s32 v1, v5;
	v0 =	vadd.f32 v0, v2;
	v2 =	vmul.f32 v62, v37  }
0x1a4: {  	v31 =	vand.u32 $0xFFFF0000, v31;
	v6 =	vand.u32 $0xFFFF0000, v6;
	v5 =	vor.u32 v36, v5  }
0x1a5: {  	v63 =	vadd.s32 $0x12, v12;
	v4 =	vld.idx.msk [tilespmem:v4+s13+$0x0], $0xffff;
	v0 =	vadd.f32 v2, v0;
	v2 =	vmul.f32 v6, v31  }
0x1a6: {  	v34 =	vand.u32 $0x7F, v63;
	v6 =	vand.u32 $0xFFFFFF80, v63;
	v31 =	vshll.u32 v3, $0x10  }
0x1a7: {  	v6 =	vadd.s32 v1, v6;
	v0 =	vadd.f32 v0, v2;
	v2 =	vmul.f32 v31, v35  }
0x1a8: {  	v29 =	vand.u32 $0xFFFF0000, v29;
	v3 =	vand.u32 $0xFFFF0000, v3;
	v6 =	vor.u32 v34, v6  }
0x1a9: {  	v31 =	vadd.s32 $0x13, v12;
	v5 =	vld.idx.msk [tilespmem:v5+s13+$0x0], $0xffff;
	v0 =	vadd.f32 v2, v0;
	v2 =	vmul.f32 v3, v29  }
0x1aa: {  	v3 =	vand.u32 $0xFFFFFF80, v31;
	v29 =	vshll.u32 v4, $0x10;
	v31 =	vand.u32 $0x7F, v31  }
0x1ab: {  	v3 =	vadd.s32 v1, v3;
	v0 =	vadd.f32 v0, v2;
	v2 =	vmul.f32 v29, v33  }
0x1ac: {  	v32 =	vshll.u32 v25, $0x10;
	v4 =	vand.u32 $0xFFFF0000, v4;
	v3 =	vor.u32 v31, v3  }
0x1ad: {  	v29 =	vadd.s32 $0x14, v12;
	v6 =	vld.idx.msk [tilespmem:v6+s13+$0x0], $0xffff;
	v0 =	vadd.f32 v2, v0;
	v2 =	vmul.f32 v4, v27  }
0x1ae: {  	v4 =	vand.u32 $0xFFFFFF80, v29;
	v27 =	vshll.u32 v5, $0x10;
	v29 =	vand.u32 $0x7F, v29  }
0x1af: {  	v4 =	vadd.s32 v1, v4;
	v0 =	vadd.f32 v0, v2;
	v2 =	vmul.f32 v27, v32  }
0x1b0: {  	v25 =	vand.u32 $0xFFFF0000, v25;
	v5 =	vand.u32 $0xFFFF0000, v5;
	v4 =	vor.u32 v29, v4  }
0x1b1: {  	v27 =	vadd.s32 $0x15, v12;
	v3 =	vld.idx.msk [tilespmem:v3+s13+$0x0], $0xffff;
	v0 =	vadd.f32 v2, v0;
	v2 =	vmul.f32 v5, v25  }
0x1b2: {  	v5 =	vand.u32 $0xFFFFFF80, v27;
	v25 =	vshll.u32 v6, $0x10;
	v27 =	vand.u32 $0x7F, v27  }
0x1b3: {  	v5 =	vadd.s32 v1, v5;
	v0 =	vadd.f32 v0, v2;
	v2 =	vmul.f32 v25, v30  }
0x1b4: {  	v22 =	vshll.u32 v8, $0x10;
	v6 =	vand.u32 $0xFFFF0000, v6;
	v5 =	vor.u32 v27, v5  }
0x1b5: {  	v25 =	vadd.s32 $0x16, v12;
	v4 =	vld.idx.msk [tilespmem:v4+s13+$0x0], $0xffff;
	v0 =	vadd.f32 v2, v0;
	v2 =	vmul.f32 v6, v23  }
0x1b6: {  	v6 =	vand.u32 $0xFFFFFF80, v25;
	v23 =	vshll.u32 v3, $0x10;
	v25 =	vand.u32 $0x7F, v25  }
0x1b7: {  	v6 =	vadd.s32 v1, v6;
	v0 =	vadd.f32 v0, v2;
	v2 =	vmul.f32 v23, v28  }
0x1b8: {  	v26 =	vshll.u32 v7, $0x10;
	v3 =	vand.u32 $0xFFFF0000, v3;
	v6 =	vor.u32 v25, v6  }
0x1b9: {  	v23 =	vadd.s32 $0x17, v12;
	v5 =	vld.idx.msk [tilespmem:v5+s13+$0x0], $0xffff;
	v0 =	vadd.f32 v2, v0;
	v2 =	vmul.f32 v3, v21  }
0x1ba: {  	v3 =	vand.u32 $0xFFFFFF80, v23;
	v21 =	vshll.u32 v4, $0x10;
	v23 =	vand.u32 $0x7F, v23  }
0x1bb: {  	v3 =	vadd.s32 v1, v3;
	v0 =	vadd.f32 v0, v2;
	v2 =	vmul.f32 v21, v26  }
0x1bc: {  	v24 =	vshll.u32 v16, $0x10;
	v4 =	vand.u32 $0xFFFF0000, v4;
	v3 =	vor.u32 v23, v3  }
0x1bd: {  	v21 =	vadd.s32 $0x18, v12;
	v6 =	vld.idx.msk [tilespmem:v6+s13+$0x0], $0xffff;
	v0 =	vadd.f32 v2, v0;
	v2 =	vmul.f32 v4, v19  }
0x1be: {  	v4 =	vand.u32 $0xFFFFFF80, v21;
	v19 =	vshll.u32 v5, $0x10;
	v21 =	vand.u32 $0x7F, v21  }
0x1bf: {  	v4 =	vadd.s32 v1, v4;
	v0 =	vadd.f32 v0, v2;
	v2 =	vmul.f32 v19, v24  }
0x1c0: {  	v16 =	vand.u32 $0xFFFF0000, v16;
	v5 =	vand.u32 $0xFFFF0000, v5;
	v4 =	vor.u32 v21, v4  }
0x1c1: {  	v19 =	vadd.s32 $0x19, v12;
	v3 =	vld.idx.msk [tilespmem:v3+s13+$0x0], $0xffff;
	v0 =	vadd.f32 v2, v0;
	v2 =	vmul.f32 v5, v16  }
0x1c2: {  	v5 =	vand.u32 $0xFFFFFF80, v19;
	v16 =	vshll.u32 v6, $0x10;
	v19 =	vand.u32 $0x7F, v19  }
0x1c3: {  	v5 =	vadd.s32 v1, v5;
	v0 =	vadd.f32 v0, v2;
	v2 =	vmul.f32 v16, v22  }
0x1c4: {  	v8 =	vand.u32 $0xFFFF0000, v8;
	v6 =	vand.u32 $0xFFFF0000, v6;
	v5 =	vor.u32 v19, v5  }
0x1c5: {  	v4 =	vld.idx.msk [tilespmem:v4+s13+$0x0], $0xffff;
	v0 =	vadd.f32 v2, v0;
	v2 =	vmul.f32 v6, v8  }
0x1c6: {  	v8 =	vshll.u32 v3, $0x10  }
0x1c7: {  	v0 =	vadd.f32 v0, v2;
	v2 =	vmul.f32 v8, v20  }
0x1c8: {  	v7 =	vand.u32 $0xFFFF0000, v10;
	v3 =	vand.u32 $0xFFFF0000, v3  }
0x1c9: {  	v16 =	vadd.s32 $0x1A, v12;
	v5 =	vld.idx.msk [tilespmem:v5+s13+$0x0], $0xffff;
	v0 =	vadd.f32 v2, v0;
	v2 =	vmul.f32 v3, v7  }
0x1ca: {  	v6 =	vand.u32 $0xFFFFFF80, v16;
	v7 =	vshll.u32 v4, $0x10  }
0x1cb: {  	v16 =	vand.u32 $0x7F, v16;
	v0 =	vadd.f32 v0, v2;
	v2 =	vmul.f32 v7, v18  }
0x1cc: {  	v6 =	vadd.s32 v1, v6;
	v4 =	vand.u32 $0xFFFF0000, v4;
	v7 =	vand.u32 $0xFFFF0000, v9  }
0x1cd: {  	v6 =	vor.u32 v16, v6;
	v0 =	vadd.f32 v2, v0;
	v2 =	vmul.f32 v4, v7  }
0x1ce: {  	v7 =	vshll.u32 v5, $0x10  }
0x1cf: {  	v0 =	vadd.f32 v0, v2;
	v2 =	vmul.f32 v7, v17  }
0x1d0: {  	v5 =	vand.u32 $0xFFFF0000, v5;
	v7 =	vand.u32 $0xFFFF0000, v13  }
0x1d1: {  	v0 =	vadd.f32 v2, v0;
	v2 =	vmul.f32 v5, v7  }
0x1d2: {  	v6 =	vld.idx.msk [tilespmem:v6+s13+$0x0], $0xffff  }
0x1d3: {  	v8 =	vadd.s32 $0x1B, v12;
	v0 =	vadd.f32 v0, v2;
	v2 =	vld [tilespmem:$0x1FF70]  }
0x1d4: {  	v3 =	vand.u32 $0xFFFFFF80, v8  }
0x1d5: {  	v8 =	vand.u32 $0x7F, v8;
	v3 =	vadd.s32 v1, v3  }
0x1d6: {  	v3 =	vor.u32 v8, v3  }
0x1d7: {  	v7 =	vshll.u32 v6, $0x10  }
0x1d8: {  	v2 =	vmul.f32 v7, v2  }
0x1d9: {  	v6 =	vand.u32 $0xFFFF0000, v6;
	v7 =	vand.u32 $0xFFFF0000, v11  }
0x1da: {  	v8 =	vadd.s32 $0x1C, v12;
	v0 =	vadd.f32 v2, v0;
	v2 =	vmul.f32 v6, v7  }
0x1db: {  	v4 =	vand.u32 $0xFFFFFF80, v8;
	v3 =	vld.idx.msk [tilespmem:v3+s13+$0x0], $0xffff  }
0x1dc: {  	v8 =	vand.u32 $0x7F, v8;
	v4 =	vadd.s32 v1, v4;
	v0 =	vadd.f32 v0, v2;
	v2 =	vld [tilespmem:$0x1FF80]  }
0x1dd: {  	v4 =	vor.u32 v8, v4;
	v8 =	vadd.s32 $0x1D, v12  }
0x1de: {  	v5 =	vand.u32 $0xFFFFFF80, v8  }
0x1df: {  	v8 =	vand.u32 $0x7F, v8;
	v5 =	vadd.s32 v1, v5  }
0x1e0: {  	v5 =	vor.u32 v8, v5;
	v8 =	vadd.s32 $0x1E, v12;
	v7 =	vshll.u32 v3, $0x10  }
0x1e1: {  	v6 =	vand.u32 $0xFFFFFF80, v8;
	v2 =	vmul.f32 v7, v2;
	v7 =	vld [tilespmem:$0x1FF90]  }
0x1e2: {  	v8 =	vand.u32 $0x7F, v8;
	v6 =	vadd.s32 v1, v6  }
0x1e3: {  	v3 =	vand.u32 $0xFFFF0000, v3;
	v6 =	vor.u32 v8, v6;
	v8 =	vand.u32 $0xFFFF0000, v14  }
0x1e4: {  	v0 =	vadd.f32 v2, v0;
	v2 =	vmul.f32 v3, v8  }
0x1e5: {  	v4 =	vld.idx.msk [tilespmem:v4+s13+$0x0], $0xffff  }
0x1e6: {  	v0 =	vadd.f32 v0, v2;
	v2 =	vld [tilespmem:$0x1FFA0];
	_ =	sdelay $0x1  }
0x1e7: {  	v5 =	vld.idx.msk [tilespmem:v5+s13+$0x0], $0xffff  }
0x1e8: {  	v9 =	vadd.s32 $0x1F, v12;
	v7 =	vld.idx.msk [tilespmem:v7+s12+$0x0], $0xffff  }
0x1e9: {  	v3 =	vand.u32 $0xFFFFFF80, v9;
	v8 =	vshll.u32 v4, $0x10  }
0x1ea: {  	v1 =	vadd.s32 v1, v3;
	v3 =	vld [tilespmem:$0x1FFB0];
	v2 =	vmul.f32 v8, v2  }
0x1eb: {  	v4 =	vand.u32 $0xFFFF0000, v4;
	v8 =	vand.u32 $0xFFFF0000, v15  }
0x1ec: {  	v0 =	vadd.f32 v2, v0;
	v2 =	vmul.f32 v4, v8  }
0x1ed: {  	v8 =	vshll.u32 v5, $0x10;
	v4 =	vshll.u32 v7, $0x10  }
0x1ee: {  	v0 =	vadd.f32 v0, v2;
	v2 =	vmul.f32 v8, v4;
	v4 =	vld [tilespmem:$0x1FFC0]  }
0x1ef: {  	v9 =	vand.u32 $0x7F, v9  }
0x1f0: {  	v1 =	vor.u32 v9, v1  }
0x1f1: {  	v6 =	vld.idx.msk [tilespmem:v6+s13+$0x0], $0xffff  }
0x1f2: {  	v3 =	vld.idx.msk [tilespmem:v3+s12+$0x0], $0xffff;
	_ =	sdelay $0x2  }
0x1f3: {  	v1 =	vld.idx.msk [tilespmem:v1+s13+$0x0], $0xffff;
	v5 =	vand.u32 $0xFFFF0000, v5;
	v7 =	vand.u32 $0xFFFF0000, v7  }
0x1f4: {  	v0 =	vadd.f32 v2, v0;
	v2 =	vmul.f32 v5, v7;
	v4 =	vld.idx.msk [tilespmem:v4+s12+$0x0], $0xffff  }
0x1f5: {  	v5 =	vshll.u32 v3, $0x10;
	v7 =	vshll.u32 v6, $0x10  }
0x1f6: {  	v0 =	vadd.f32 v0, v2;
	v2 =	vmul.f32 v7, v5  }
0x1f7: {  	v3 =	vand.u32 $0xFFFF0000, v3;
	v5 =	vand.u32 $0xFFFF0000, v6  }
0x1f8: {  	v0 =	vadd.f32 v2, v0;
	v2 =	vmul.f32 v5, v3;
	v3 =	vlaneseq.u32  }
0x1f9: {  	v6 =	vshll.u32 v1, $0x10;
	v3 =	vor.u32 s31, v3;
	v5 =	vshll.u32 v4, $0x10  }
0x1fa: {  	v7 =	vmul.u32 $0xCCCD, v3;
	v0 =	vadd.f32 v0, v2;
	v2 =	vmul.f32 v6, v5  }
0x1fb: {  	v1 =	vand.u32 $0xFFFF0000, v1;
	v4 =	vand.u32 $0xFFFF0000, v4  }
0x1fc: {  	v5 =	vshrl.u32 v7, $0x12;
	v1 =	vmul.f32 v1, v4;
	v0 =	vadd.f32 v2, v0;
	_ =	sdelay $0x1  }
0x1fd: {  	v0 =	vadd.f32 v0, v1  }
0x1fe: {  	s30 =	sadd.s32 $0x10, s30  }
0x1ff: {  	[tilespmem:s30+$0x0] =	vst v0  }
0x200: {  	v0 =	vld.idx.msk [tilespmem:v5+s23+$0x0], $0xffff;
	_ =	sdelay $0x3  }
0x201: {  	v12 =	vshll.u32 v5, $0x7  }
0x202: {  	v1 =	vshll.u32 v3, $0x7;
	v2 =	vadd.s32 $0x1E, v0;
	v3 =	vadd.s32 $0x1F, v0  }
0x203: {  	v4 =	vadd.s32 $0x1B, v0;
	v5 =	vadd.s32 $0x1C, v0;
	v6 =	vadd.s32 $0x1D, v0  }
0x204: {  	v7 =	vadd.s32 $0x18, v0;
	v8 =	vadd.s32 $0x19, v0;
	v13 =	vadd.s32 $0x1A, v0  }
0x205: {  	v14 =	vadd.s32 $0x15, v0;
	v15 =	vadd.s32 $0x16, v0;
	v16 =	vadd.s32 $0x17, v0  }
0x206: {  	v17 =	vadd.s32 $0x12, v0;
	v18 =	vadd.s32 $0x13, v0;
	v19 =	vadd.s32 $0x14, v0  }
0x207: {  	v22 =	vadd.s32 $0xF, v0;
	v20 =	vadd.s32 $0x10, v0;
	v21 =	vadd.s32 $0x11, v0  }
0x208: {  	v23 =	vadd.s32 $0xC, v0;
	v24 =	vadd.s32 $0xD, v0;
	v26 =	vadd.s32 $0xE, v0  }
0x209: {  	v29 =	vadd.s32 $0x9, v0;
	v30 =	vadd.s32 $0xA, v0;
	v33 =	vadd.s32 $0xB, v0  }
0x20a: {  	v37 =	vadd.s32 $0x6, v0;
	v39 =	vadd.s32 $0x7, v0;
	v41 =	vadd.s32 $0x8, v0  }
0x20b: {  	v50 =	vadd.s32 $0x3, v0;
	v46 =	vadd.s32 $0x4, v0;
	v45 =	vadd.s32 $0x5, v0  }
0x20c: {  	v42 =	vand.u32 $0x7F, v0;
	v54 =	vadd.s32 $0x1, v0;
	v52 =	vadd.s32 $0x2, v0  }
0x20d: {  	v0 =	vand.u32 $0xFFFFFF80, v0;
	v55 =	vand.u32 $0xFFFFFF80, v3;
	v3 =	vand.u32 $0x7F, v3  }
0x20e: {  	v25 =	vand.u32 $0x7F, v6;
	v6 =	vand.u32 $0xFFFFFF80, v6;
	v48 =	vand.u32 $0x7F, v13  }
0x20f: {  	v47 =	vand.u32 $0xFFFFFF80, v4;
	v4 =	vand.u32 $0x7F, v4;
	v51 =	vand.u32 $0xFFFFFF80, v8  }
0x210: {  	v8 =	vand.u32 $0x7F, v8;
	v13 =	vand.u32 $0xFFFFFF80, v13;
	v53 =	vand.u32 $0x7F, v16  }
0x211: {  	v56 =	vand.u32 $0xFFFFFF80, v7;
	v7 =	vand.u32 $0x7F, v7;
	v57 =	vand.u32 $0xFFFFFF80, v15  }
0x212: {  	v15 =	vand.u32 $0x7F, v15;
	v16 =	vand.u32 $0xFFFFFF80, v16;
	v58 =	vand.u32 $0x7F, v19  }
0x213: {  	v59 =	vand.u32 $0xFFFFFF80, v14;
	v14 =	vand.u32 $0x7F, v14;
	v60 =	vand.u32 $0xFFFFFF80, v18  }
0x214: {  	v61 =	vand.u32 $0x7F, v18;
	v18 =	vand.u32 $0xFFFFFF80, v19;
	v62 =	vand.u32 $0x7F, v21  }
0x215: {  	v63 =	vand.u32 $0xFFFFFF80, v17;
	v9 =	vand.u32 $0x7F, v17;
	v10 =	vand.u32 $0xFFFFFF80, v20  }
0x216: {  	v17 =	vand.u32 $0x7F, v20;
	v11 =	vand.u32 $0xFFFFFF80, v21;
	v21 =	vand.u32 $0x7F, v26  }
0x217: {  	v20 =	vand.u32 $0xFFFFFF80, v22;
	v19 =	vand.u32 $0x7F, v22;
	v27 =	vand.u32 $0xFFFFFF80, v24  }
0x218: {  	v28 =	vand.u32 $0x7F, v33;
	v31 =	vand.u32 $0xFFFFFF80, v23;
	v34 =	vand.u32 $0xFFFFFF80, v30  }
0x219: {  	v32 =	vand.u32 $0x7F, v30;
	v33 =	vand.u32 $0xFFFFFF80, v33;
	v36 =	vand.u32 $0x7F, v41  }
0x21a: {  	v38 =	vand.u32 $0xFFFFFF80, v29;
	v35 =	vand.u32 $0x7F, v29;
	v43 =	vand.u32 $0xFFFFFF80, v39  }
0x21b: {  	v40 =	vand.u32 $0x7F, v39;
	v39 =	vand.u32 $0xFFFFFF80, v41;
	v0 =	vadd.s32 v12, v0  }
0x21c: {  	v44 =	vand.u32 $0xFFFFFF80, v37;
	v41 =	vand.u32 $0x7F, v37;
	v49 =	vand.u32 $0xFFFFFF80, v46;
	[tilespmem:$0x1FFD0] =	vst v3  }
0x21d: {  	v3 =	vand.u32 $0xFFFFFF80, v2;
	v2 =	vand.u32 $0x7F, v2;
	[tilespmem:$0x1FFF0] =	vst v19;
	v19 =	vand.u32 $0x7F, v24  }
0x21e: {  	v24 =	vand.u32 $0xFFFFFF80, v26;
	v26 =	vand.u32 $0x7F, v23;
	v0 =	vor.u32 v42, v0  }
0x21f: {  	v42 =	vand.u32 $0x7F, v45;
	v22 =	vadd.s32 v12, v47;
	[tilespmem:$0x1FFE0] =	vst v2;
	v2 =	vand.u32 $0xFFFFFF80, v5  }
0x220: {  	v5 =	vand.u32 $0x7F, v5;
	v4 =	vor.u32 v4, v22;
	v2 =	vadd.s32 v12, v2  }
0x221: {  	v45 =	vand.u32 $0xFFFFFF80, v45;
	v2 =	vor.u32 v5, v2;
	v5 =	vadd.s32 v12, v13  }
0x222: {  	v47 =	vand.u32 $0x7F, v46;
	v13 =	vadd.s32 v12, v51;
	v5 =	vor.u32 v48, v5  }
0x223: {  	v37 =	vadd.s32 v12, v10;
	v22 =	vadd.s32 v12, v56;
	v8 =	vor.u32 v8, v13  }
0x224: {  	v7 =	vor.u32 v7, v22;
	v51 =	vand.u32 $0xFFFFFF80, v50;
	v13 =	vadd.s32 v12, v57;
	v46 =	vld.idx.msk [tilespmem:v0+s12+$0x0], $0xffff  }
0x225: {  	v48 =	vand.u32 $0x7F, v50;
	v0 =	vadd.s32 v12, v16;
	v13 =	vor.u32 v15, v13;
	v57 =	vld.idx.msk [tilespmem:v4+s12+$0x0], $0xffff  }
0x226: {  	p0 =	sne.s32 s31, $0x270;
	v50 =	vand.u32 $0x7F, v52;
	v15 =	vadd.s32 v12, v3;
	v0 =	vor.u32 v53, v0;
	v56 =	vld.idx.msk [tilespmem:v2+s12+$0x0], $0xffff  }
.Ltmp1:
0x227: {  	v53 =	vand.u32 $0xFFFFFF80, v52;
	v52 =	vand.u32 $0x7F, v54;
	v4 =	vadd.s32 v12, v18;
	v5 =	vld.idx.msk [tilespmem:v5+s12+$0x0], $0xffff;
	(pc) =	sbr.rel @p0 .LBB2_5-.Ltmp1, $4  }
0x228: {  	v22 =	vor.u32 v58, v4;
	v4 =	vadd.s32 v12, v63;
	v2 =	vadd.s32 v12, v59;
	v59 =	vld.idx.msk [tilespmem:v8+s12+$0x0], $0xffff  }
0x229: {  	v54 =	vand.u32 $0xFFFFFF80, v54;
	v63 =	vmovc v25;
	v18 =	vor.u32 v14, v2;
	v2 =	vadd.s32 v12, v60;
	v60 =	vld.idx.msk [tilespmem:v7+s12+$0x0], $0xffff  }
0x22a: {  	v29 =	vor.u32 v9, v4;
	v23 =	vor.u32 v61, v2;
	v2 =	vadd.s32 v12, v11;
	v8 =	vld.idx.msk [tilespmem:v13+s12+$0x0], $0xffff  }
0x22b: {  	s31 =	sadd.s32 $0x10, s31;
	v14 =	vadd.s32 v12, v55;
	v13 =	vadd.s32 v12, v6;
	v55 =	vld.idx.msk [tilespmem:v0+s12+$0x0], $0xffff;
	v30 =	vor.u32 v62, v2  }
0x22c: {  	s29 =	sadd.s32 $0x10, s29  }
0x22d: {  	v16 =	vld [tilespmem:s29+$0x0];
	_ =	sdelay $0x4  }
0x22e: {  	v0 =	vand.u32 $0xFFFFFF80, v16  }
0x22f: {  	v2 =	vand.u32 $0x7F, v16;
	v0 =	vadd.s32 v1, v0  }
0x230: {  	v0 =	vor.u32 v2, v0  }
0x231: {  	v3 =	vadd.s32 v12, v54;
	v2 =	vadd.s32 $0x1, v16  }
0x232: {  	v3 =	vor.u32 v52, v3;
	v4 =	vand.u32 $0xFFFFFF80, v2  }
0x233: {  	v2 =	vand.u32 $0x7F, v2;
	v4 =	vadd.s32 v1, v4  }
0x234: {  	v25 =	vadd.s32 v12, v53;
	v9 =	vadd.s32 v12, v51;
	v2 =	vor.u32 v2, v4  }
0x235: {  	v54 =	vadd.s32 v12, v49;
	v10 =	vshll.u32 v46, $0x10;
	v53 =	vadd.s32 $0x2, v16;
	v0 =	vld.idx.msk [tilespmem:v0+s13+$0x0], $0xffff  }
0x236: {  	v58 =	vand.u32 $0xFFFF0000, v46;
	v44 =	vadd.s32 v12, v44;
	v6 =	vand.u32 $0xFFFFFF80, v53  }
0x237: {  	v52 =	vmovc v5;
	v50 =	vor.u32 v50, v25;
	v3 =	vld.idx.msk [tilespmem:v3+s12+$0x0], $0xffff;
	v5 =	vand.u32 $0x7F, v53;
	v6 =	vadd.s32 v1, v6  }
0x238: {  	v39 =	vadd.s32 v12, v39;
	v9 =	vor.u32 v48, v9;
	v5 =	vor.u32 v5, v6  }
0x239: {  	v41 =	vor.u32 v41, v44;
	v61 =	vadd.s32 $0x3, v16;
	v49 =	vadd.s32 $0x4, v16;
	v2 =	vld.idx.msk [tilespmem:v2+s13+$0x0], $0xffff  }
0x23a: {  	v62 =	vand.u32 $0xFFFFFF80, v61;
	v53 =	vadd.s32 v12, v43;
	v11 =	vshll.u32 v0, $0x10  }
0x23b: {  	v6 =	vor.u32 v47, v54;
	v47 =	vand.u32 $0x7F, v61;
	v10 =	vmul.f32 v11, v10  }
0x23c: {  	v54 =	vadd.s32 v12, v45;
	v4 =	vld.idx.msk [tilespmem:v50+s12+$0x0], $0xffff;
	v7 =	vshll.u32 v3, $0x10;
	v0 =	vand.u32 $0xFFFF0000, v0  }
0x23d: {  	v5 =	vld.idx.msk [tilespmem:v5+s13+$0x0], $0xffff;
	v11 =	vadd.s32 v1, v62;
	v0 =	vmul.f32 v0, v58;
	v10 =	vadd.f32 $0.0e+00, v10  }
0x23e: {  	v3 =	vand.u32 $0xFFFF0000, v3;
	v11 =	vor.u32 v47, v11;
	v25 =	vshll.u32 v2, $0x10  }
0x23f: {  	v9 =	vld.idx.msk [tilespmem:v9+s12+$0x0], $0xffff;
	v2 =	vand.u32 $0xFFFF0000, v2;
	v46 =	vmul.f32 v25, v7;
	v0 =	vadd.f32 v10, v0  }
0x240: {  	v61 =	vadd.s32 $0x5, v16;
	v50 =	vand.u32 $0xFFFFFF80, v49;
	v2 =	vmul.f32 v2, v3  }
0x241: {  	v3 =	vand.u32 $0x7F, v49;
	v0 =	vadd.f32 v46, v0;
	v46 =	vadd.s32 v1, v50  }
0x242: {  	v48 =	vshll.u32 v4, $0x10;
	v51 =	vshll.u32 v5, $0x10;
	v3 =	vor.u32 v3, v46  }
0x243: {  	v42 =	vor.u32 v42, v54;
	v11 =	vld.idx.msk [tilespmem:v11+s13+$0x0], $0xffff;
	v0 =	vadd.f32 v0, v2;
	v2 =	vmul.f32 v51, v48  }
0x244: {  	v43 =	vand.u32 $0x7F, v61;
	v4 =	vand.u32 $0xFFFF0000, v4;
	v58 =	vshll.u32 v9, $0x10  }
0x245: {  	v5 =	vand.u32 $0xFFFF0000, v5;
	v0 =	vadd.f32 v2, v0;
	v2 =	vand.u32 $0xFFFFFF80, v61  }
0x246: {  	v6 =	vld.idx.msk [tilespmem:v6+s12+$0x0], $0xffff;
	v62 =	vadd.s32 $0x6, v16;
	v4 =	vmul.f32 v5, v4;
	v2 =	vadd.s32 v1, v2  }
0x247: {  	v45 =	vand.u32 $0xFFFFFF80, v62;
	v5 =	vand.u32 $0x7F, v62;
	v2 =	vor.u32 v43, v2;
	v3 =	vld.idx.msk [tilespmem:v3+s13+$0x0], $0xffff  }
0x248: {  	v10 =	vor.u32 v40, v53;
	v40 =	vadd.s32 v1, v45;
	v25 =	vshll.u32 v11, $0x10  }
0x249: {  	v5 =	vor.u32 v5, v40;
	v0 =	vadd.f32 v0, v4;
	v44 =	vmul.f32 v25, v58  }
0x24a: {  	v9 =	vand.u32 $0xFFFF0000, v9;
	v49 =	vadd.s32 $0x7, v16;
	v11 =	vand.u32 $0xFFFF0000, v11  }
0x24b: {  	v47 =	vld.idx.msk [tilespmem:v42+s12+$0x0], $0xffff;
	v53 =	vand.u32 $0x7F, v49;
	v46 =	vmul.f32 v11, v9;
	v0 =	vadd.f32 v44, v0  }
0x24c: {  	v50 =	vand.u32 $0xFFFFFF80, v49;
	v48 =	vshll.u32 v6, $0x10;
	v2 =	vld.idx.msk [tilespmem:v2+s13+$0x0], $0xffff;
	v51 =	vshll.u32 v3, $0x10  }
0x24d: {  	v54 =	vadd.s32 v1, v50;
	v0 =	vadd.f32 v0, v46;
	v4 =	vmul.f32 v51, v48  }
0x24e: {  	v6 =	vand.u32 $0xFFFF0000, v6;
	v5 =	vld.idx.msk [tilespmem:v5+s13+$0x0], $0xffff;
	v11 =	vor.u32 v53, v54;
	v3 =	vand.u32 $0xFFFF0000, v3  }
0x24f: {  	v7 =	vadd.s32 $0x8, v16;
	v3 =	vmul.f32 v3, v6;
	v0 =	vadd.f32 v4, v0  }
0x250: {  	v42 =	vand.u32 $0x7F, v7;
	v62 =	vshll.u32 v47, $0x10;
	v61 =	vor.u32 v36, v39;
	v58 =	vld.idx.msk [tilespmem:v41+s12+$0x0], $0xffff  }
0x251: {  	v25 =	vand.u32 $0xFFFFFF80, v7;
	v0 =	vadd.f32 v0, v3;
	v3 =	vshll.u32 v2, $0x10  }
0x252: {  	v10 =	vld.idx.msk [tilespmem:v10+s12+$0x0], $0xffff;
	v9 =	vand.u32 $0xFFFF0000, v47;
	v53 =	vadd.s32 v12, v34;
	v3 =	vmul.f32 v3, v62  }
0x253: {  	v43 =	vadd.s32 v1, v25;
	v45 =	vshll.u32 v5, $0x10;
	v11 =	vld.idx.msk [tilespmem:v11+s13+$0x0], $0xffff;
	v2 =	vand.u32 $0xFFFF0000, v2  }
0x254: {  	v6 =	vor.u32 v42, v43;
	v2 =	vmul.f32 v2, v9;
	v0 =	vadd.f32 v3, v0  }
0x255: {  	v5 =	vand.u32 $0xFFFF0000, v5;
	v46 =	vadd.s32 $0x9, v16;
	v44 =	vshll.u32 v58, $0x10  }
0x256: {  	v47 =	vand.u32 $0xFFFF0000, v58;
	v9 =	vmul.f32 v45, v44;
	v0 =	vadd.f32 v0, v2  }
0x257: {  	v50 =	vand.u32 $0xFFFF0000, v10;
	v48 =	vand.u32 $0xFFFFFF80, v46;
	v5 =	vmul.f32 v5, v47  }
0x258: {  	v4 =	vld.idx.msk [tilespmem:v61+s12+$0x0], $0xffff;
	v49 =	vshll.u32 v11, $0x10;
	v3 =	vadd.s32 v12, v38;
	v0 =	vadd.f32 v9, v0  }
0x259: {  	v6 =	vld.idx.msk [tilespmem:v6+s13+$0x0], $0xffff;
	v3 =	vor.u32 v35, v3;
	v35 =	vand.u32 $0x7F, v46;
	v2 =	vshll.u32 v10, $0x10  }
0x25a: {  	v2 =	vmul.f32 v49, v2;
	v9 =	vadd.s32 v1, v48;
	v0 =	vadd.f32 v0, v5  }
0x25b: {  	v61 =	vadd.s32 $0xA, v16;
	v51 =	vand.u32 $0xFFFF0000, v11;
	v9 =	vor.u32 v35, v9  }
0x25c: {  	v62 =	vand.u32 $0xFFFFFF80, v61;
	v0 =	vadd.f32 v2, v0;
	v2 =	vmul.f32 v51, v50  }
0x25d: {  	v54 =	vor.u32 v32, v53;
	v7 =	vand.u32 $0x7F, v61;
	v25 =	vadd.s32 v1, v62  }
0x25e: {  	v58 =	vshll.u32 v4, $0x10;
	v0 =	vadd.f32 v0, v2;
	v2 =	vshll.u32 v6, $0x10  }
0x25f: {  	v39 =	vadd.s32 $0xC, v16;
	v10 =	vor.u32 v7, v25;
	v3 =	vld.idx.msk [tilespmem:v3+s12+$0x0], $0xffff;
	v2 =	vmul.f32 v2, v58  }
0x260: {  	v40 =	vand.u32 $0xFFFFFF80, v39;
	v32 =	vadd.s32 v12, v33;
	v33 =	vadd.s32 $0xB, v16;
	v9 =	vld.idx.msk [tilespmem:v9+s13+$0x0], $0xffff  }
0x261: {  	v43 =	vadd.s32 $0xD, v16;
	v0 =	vadd.f32 v2, v0;
	v2 =	vand.u32 $0xFFFFFF80, v33  }
0x262: {  	v11 =	vor.u32 v28, v32;
	v28 =	vand.u32 $0x7F, v33;
	v2 =	vadd.s32 v1, v2  }
0x263: {  	v4 =	vand.u32 $0xFFFF0000, v4;
	v5 =	vld.idx.msk [tilespmem:v54+s12+$0x0], $0xffff;
	v6 =	vand.u32 $0xFFFF0000, v6;
	v2 =	vor.u32 v28, v2  }
0x264: {  	v44 =	vand.u32 $0xFFFFFF80, v43;
	v25 =	vadd.s32 v12, v31;
	v10 =	vld.idx.msk [tilespmem:v10+s13+$0x0], $0xffff;
	v4 =	vmul.f32 v6, v4  }
0x265: {  	v25 =	vor.u32 v26, v25;
	v34 =	vshll.u32 v3, $0x10;
	v35 =	vshll.u32 v9, $0x10  }
0x266: {  	v26 =	vand.u32 $0x7F, v39;
	v0 =	vadd.f32 v0, v4;
	v36 =	vmul.f32 v35, v34  }
0x267: {  	v11 =	vld.idx.msk [tilespmem:v11+s12+$0x0], $0xffff;
	v3 =	vand.u32 $0xFFFF0000, v3;
	v9 =	vand.u32 $0xFFFF0000, v9;
	v4 =	vadd.s32 v1, v40  }
0x268: {  	v3 =	vmul.f32 v9, v3;
	v4 =	vor.u32 v26, v4;
	v0 =	vadd.f32 v36, v0;
	v2 =	vld.idx.msk [tilespmem:v2+s13+$0x0], $0xffff  }
0x269: {  	v38 =	vadd.s32 v12, v27;
	v41 =	vshll.u32 v5, $0x10;
	v42 =	vshll.u32 v10, $0x10  }
0x26a: {  	v46 =	vand.u32 $0x7F, v43;
	v9 =	vmul.f32 v42, v41;
	v0 =	vadd.f32 v0, v3  }
0x26b: {  	v6 =	vor.u32 v19, v38;
	v5 =	vand.u32 $0xFFFF0000, v5;
	v10 =	vand.u32 $0xFFFF0000, v10  }
0x26c: {  	v45 =	vld.idx.msk [tilespmem:v25+s12+$0x0], $0xffff;
	v5 =	vmul.f32 v10, v5;
	v0 =	vadd.f32 v9, v0;
	v9 =	vadd.s32 v1, v44  }
0x26d: {  	v3 =	vshll.u32 v11, $0x10;
	v4 =	vld.idx.msk [tilespmem:v4+s13+$0x0], $0xffff;
	v9 =	vor.u32 v46, v9;
	v47 =	vshll.u32 v2, $0x10  }
0x26e: {  	v48 =	vadd.s32 v12, v24;
	v0 =	vadd.f32 v0, v5;
	v3 =	vmul.f32 v47, v3  }
0x26f: {  	v49 =	vadd.s32 $0xE, v16;
	v11 =	vand.u32 $0xFFFF0000, v11;
	v5 =	vor.u32 v21, v48  }
0x270: {  	v54 =	vld [tilespmem:$0x1FFF0];
	v2 =	vand.u32 $0xFFFF0000, v2;
	v0 =	vadd.f32 v3, v0;
	v3 =	vand.u32 $0xFFFFFF80, v49  }
0x271: {  	v6 =	vld.idx.msk [tilespmem:v6+s12+$0x0], $0xffff;
	v21 =	vand.u32 $0x7F, v49;
	v2 =	vmul.f32 v2, v11;
	v3 =	vadd.s32 v1, v3  }
0x272: {  	v50 =	vshll.u32 v45, $0x10;
	v51 =	vshll.u32 v4, $0x10;
	v9 =	vld.idx.msk [tilespmem:v9+s13+$0x0], $0xffff;
	v3 =	vor.u32 v21, v3  }
0x273: {  	v53 =	vadd.s32 v12, v20;
	v0 =	vadd.f32 v0, v2;
	v2 =	vmul.f32 v51, v50  }
0x274: {  	v61 =	vadd.s32 $0xF, v16;
	v10 =	vand.u32 $0xFFFF0000, v45;
	v4 =	vand.u32 $0xFFFF0000, v4  }
0x275: {  	v62 =	vand.u32 $0xFFFFFF80, v61;
	v0 =	vadd.f32 v2, v0;
	v2 =	vmul.f32 v4, v10  }
0x276: {  	v7 =	vand.u32 $0x7F, v61;
	v12 =	vadd.s32 v1, v62;
	v58 =	vshll.u32 v6, $0x10;
	v5 =	vld.idx.msk [tilespmem:v5+s12+$0x0], $0xffff  }
0x277: {  	v4 =	vor.u32 v54, v53;
	v0 =	vadd.f32 v0, v2;
	v2 =	vshll.u32 v9, $0x10;
	v3 =	vld.idx.msk [tilespmem:v3+s13+$0x0], $0xffff  }
0x278: {  	v10 =	vor.u32 v7, v12;
	v2 =	vmul.f32 v2, v58  }
0x279: {  	v20 =	vadd.s32 $0x10, v16;
	v6 =	vand.u32 $0xFFFF0000, v6;
	v9 =	vand.u32 $0xFFFF0000, v9  }
0x27a: {  	v21 =	vand.u32 $0xFFFFFF80, v20;
	v0 =	vadd.f32 v2, v0;
	v2 =	vmul.f32 v9, v6  }
0x27b: {  	v17 =	vor.u32 v17, v37;
	v24 =	vand.u32 $0x7F, v20;
	v25 =	vadd.s32 v1, v21  }
0x27c: {  	v19 =	vshll.u32 v5, $0x10;
	v4 =	vld.idx.msk [tilespmem:v4+s12+$0x0], $0xffff;
	v0 =	vadd.f32 v0, v2;
	v2 =	vshll.u32 v3, $0x10  }
0x27d: {  	v9 =	vor.u32 v24, v25;
	v10 =	vld.idx.msk [tilespmem:v10+s13+$0x0], $0xffff;
	v2 =	vmul.f32 v2, v19  }
0x27e: {  	v31 =	vadd.s32 $0x12, v16;
	v26 =	vadd.s32 $0x11, v16;
	v5 =	vand.u32 $0xFFFF0000, v5  }
0x27f: {  	v3 =	vand.u32 $0xFFFF0000, v3;
	v0 =	vadd.f32 v2, v0;
	v2 =	vand.u32 $0xFFFFFF80, v26  }
0x280: {  	v11 =	vand.u32 $0x7F, v26;
	v3 =	vmul.f32 v3, v5;
	v2 =	vadd.s32 v1, v2  }
0x281: {  	v27 =	vld.idx.msk [tilespmem:v17+s12+$0x0], $0xffff;
	v32 =	vand.u32 $0xFFFFFF80, v31;
	v2 =	vor.u32 v11, v2  }
0x282: {  	v28 =	vshll.u32 v4, $0x10;
	v9 =	vld.idx.msk [tilespmem:v9+s13+$0x0], $0xffff;
	v0 =	vadd.f32 v0, v3;
	v3 =	vshll.u32 v10, $0x10  }
0x283: {  	v6 =	vadd.s32 v1, v32;
	v3 =	vmul.f32 v3, v28  }
0x284: {  	v4 =	vand.u32 $0xFFFF0000, v4;
	v11 =	vand.u32 $0x7F, v31;
	v10 =	vand.u32 $0xFFFF0000, v10  }
0x285: {  	v33 =	vld.idx.msk [tilespmem:v30+s12+$0x0], $0xffff;
	v6 =	vor.u32 v11, v6;
	v0 =	vadd.f32 v3, v0;
	v3 =	vmul.f32 v10, v4  }
0x286: {  	v34 =	vshll.u32 v27, $0x10;
	v2 =	vld.idx.msk [tilespmem:v2+s13+$0x0], $0xffff  }
0x287: {  	v36 =	vadd.s32 $0x13, v16;
	v0 =	vadd.f32 v0, v3;
	v3 =	vshll.u32 v9, $0x10  }
0x288: {  	v37 =	vand.u32 $0xFFFFFF80, v36;
	v12 =	vand.u32 $0x7F, v36;
	v3 =	vmul.f32 v3, v34  }
0x289: {  	v35 =	vld.idx.msk [tilespmem:v29+s12+$0x0], $0xffff;
	v5 =	vand.u32 $0xFFFF0000, v27;
	v4 =	vadd.s32 v1, v37;
	v9 =	vand.u32 $0xFFFF0000, v9  }
0x28a: {  	v4 =	vor.u32 v12, v4;
	v6 =	vld.idx.msk [tilespmem:v6+s13+$0x0], $0xffff;
	v0 =	vadd.f32 v3, v0;
	v3 =	vmul.f32 v9, v5  }
0x28b: {  	v38 =	vshll.u32 v33, $0x10;
	v39 =	vshll.u32 v2, $0x10  }
0x28c: {  	v0 =	vadd.f32 v0, v3;
	v5 =	vmul.f32 v39, v38  }
0x28d: {  	v40 =	vadd.s32 $0x14, v16;
	v11 =	vand.u32 $0xFFFF0000, v33;
	v2 =	vand.u32 $0xFFFF0000, v2  }
0x28e: {  	v41 =	vld.idx.msk [tilespmem:v23+s12+$0x0], $0xffff;
	v42 =	vand.u32 $0xFFFFFF80, v40;
	v2 =	vmul.f32 v2, v11;
	v0 =	vadd.f32 v5, v0  }
0x28f: {  	v44 =	vadd.s32 $0x15, v16;
	v4 =	vld.idx.msk [tilespmem:v4+s13+$0x0], $0xffff;
	v3 =	vshll.u32 v35, $0x10;
	v43 =	vshll.u32 v6, $0x10  }
0x290: {  	v9 =	vand.u32 $0x7F, v40;
	v0 =	vadd.f32 v0, v2;
	v2 =	vmul.f32 v43, v3  }
0x291: {  	v6 =	vand.u32 $0xFFFF0000, v6;
	v5 =	vadd.s32 v1, v42;
	v3 =	vand.u32 $0xFFFF0000, v35  }
0x292: {  	v5 =	vor.u32 v9, v5;
	v0 =	vadd.f32 v2, v0;
	v2 =	vmul.f32 v6, v3  }
0x293: {  	v46 =	vand.u32 $0xFFFFFF80, v44  }
0x294: {  	v45 =	vld.idx.msk [tilespmem:v22+s12+$0x0], $0xffff;
	v3 =	vshll.u32 v41, $0x10;
	v0 =	vadd.f32 v0, v2;
	v2 =	vshll.u32 v4, $0x10  }
0x295: {  	v47 =	vadd.s32 v1, v46;
	v2 =	vmul.f32 v2, v3;
	v3 =	vand.u32 $0x7F, v44  }
0x296: {  	v3 =	vor.u32 v3, v47  }
0x297: {  	v5 =	vld.idx.msk [tilespmem:v5+s13+$0x0], $0xffff;
	_ =	sdelay $0x1  }
0x298: {  	v48 =	vadd.s32 $0x16, v16;
	v49 =	vand.u32 $0xFFFF0000, v41;
	v51 =	vshll.u32 v45, $0x10  }
0x299: {  	v50 =	vld.idx.msk [tilespmem:v18+s12+$0x0], $0xffff;
	v4 =	vand.u32 $0xFFFF0000, v4;
	v0 =	vadd.f32 v2, v0;
	v2 =	vand.u32 $0xFFFFFF80, v48  }
0x29a: {  	v6 =	vand.u32 $0x7F, v48;
	v4 =	vmul.f32 v4, v49;
	v2 =	vadd.s32 v1, v2;
	v3 =	vld.idx.msk [tilespmem:v3+s13+$0x0], $0xffff  }
0x29b: {  	v58 =	vadd.s32 $0x17, v16;
	v2 =	vor.u32 v6, v2;
	v53 =	vshll.u32 v5, $0x10  }
0x29c: {  	v61 =	vand.u32 $0xFFFFFF80, v58;
	v0 =	vadd.f32 v0, v4;
	v54 =	vmul.f32 v53, v51  }
0x29d: {  	v9 =	vand.u32 $0xFFFF0000, v45;
	v5 =	vand.u32 $0xFFFF0000, v5;
	v6 =	vand.u32 $0x7F, v58  }
0x29e: {  	v4 =	vadd.s32 v1, v61;
	v5 =	vmul.f32 v5, v9;
	v0 =	vadd.f32 v54, v0  }
0x29f: {  	v62 =	vshll.u32 v50, $0x10;
	v4 =	vor.u32 v6, v4;
	v12 =	vshll.u32 v3, $0x10  }
0x2a0: {  	v2 =	vld.idx.msk [tilespmem:v2+s13+$0x0], $0xffff;
	v0 =	vadd.f32 v0, v5;
	v6 =	vmul.f32 v12, v62  }
0x2a1: {  	v18 =	vadd.s32 $0x18, v16;
	v10 =	vand.u32 $0xFFFF0000, v50;
	v3 =	vand.u32 $0xFFFF0000, v3  }
0x2a2: {  	v19 =	vand.u32 $0xFFFFFF80, v18;
	v3 =	vmul.f32 v3, v10;
	v0 =	vadd.f32 v6, v0  }
0x2a3: {  	v9 =	vand.u32 $0x7F, v18;
	v6 =	vadd.s32 v1, v19  }
0x2a4: {  	v6 =	vor.u32 v9, v6;
	v0 =	vadd.f32 v0, v3;
	v3 =	vld.idx.msk [tilespmem:v4+s13+$0x0], $0xffff  }
0x2a5: {  	v17 =	vshll.u32 v8, $0x10;
	v20 =	vshll.u32 v2, $0x10  }
0x2a6: {  	v22 =	vadd.s32 $0x19, v16;
	v21 =	vmul.f32 v20, v17  }
0x2a7: {  	v23 =	vand.u32 $0xFFFFFF80, v22;
	v24 =	vand.u32 $0xFFFF0000, v8;
	v2 =	vand.u32 $0xFFFF0000, v2  }
0x2a8: {  	v25 =	vshll.u32 v55, $0x10;
	v2 =	vmul.f32 v2, v24;
	v0 =	vadd.f32 v21, v0  }
0x2a9: {  	v5 =	vand.u32 $0x7F, v22;
	v4 =	vadd.s32 v1, v23;
	v26 =	vld.idx.msk [tilespmem:v6+s13+$0x0], $0xffff;
	v27 =	vshll.u32 v3, $0x10  }
0x2aa: {  	v4 =	vor.u32 v5, v4;
	v0 =	vadd.f32 v0, v2;
	v2 =	vmul.f32 v27, v25  }
0x2ab: {  	v28 =	vand.u32 $0xFFFF0000, v55;
	v3 =	vand.u32 $0xFFFF0000, v3  }
0x2ac: {  	v0 =	vadd.f32 v2, v0;
	v2 =	vmul.f32 v3, v28  }
0x2ad: {  	v29 =	vadd.s32 $0x1A, v16  }
0x2ae: {  	v3 =	vshll.u32 v60, $0x10;
	v0 =	vadd.f32 v0, v2;
	v2 =	vshll.u32 v26, $0x10  }
0x2af: {  	v4 =	vld.idx.msk [tilespmem:v4+s13+$0x0], $0xffff;
	v2 =	vmul.f32 v2, v3;
	v3 =	vand.u32 $0xFFFFFF80, v29  }
0x2b0: {  	v6 =	vand.u32 $0x7F, v29;
	v3 =	vadd.s32 v1, v3  }
0x2b1: {  	v7 =	vand.u32 $0xFFFF0000, v60;
	v5 =	vand.u32 $0xFFFF0000, v26;
	v3 =	vor.u32 v6, v3  }
0x2b2: {  	v31 =	vadd.s32 $0x1B, v16;
	v0 =	vadd.f32 v2, v0;
	v2 =	vmul.f32 v5, v7  }
0x2b3: {  	v30 =	vshll.u32 v59, $0x10;
	v32 =	vand.u32 $0xFFFFFF80, v31;
	v33 =	vand.u32 $0x7F, v31  }
0x2b4: {  	v34 =	vadd.s32 v1, v32;
	v0 =	vadd.f32 v0, v2;
	v2 =	vshll.u32 v4, $0x10  }
0x2b5: {  	v37 =	vadd.s32 $0x1C, v16;
	v5 =	vor.u32 v33, v34;
	v2 =	vmul.f32 v2, v30  }
0x2b6: {  	v46 =	vadd.s32 $0x1E, v16;
	v50 =	vadd.s32 $0x1F, v16;
	v8 =	vand.u32 $0x7F, v37;
	v3 =	vld.idx.msk [tilespmem:v3+s13+$0x0], $0xffff  }
0x2b7: {  	v40 =	vadd.s32 $0x1D, v16;
	v0 =	vadd.f32 v2, v0;
	v2 =	vand.u32 $0xFFFFFF80, v37  }
0x2b8: {  	v38 =	vand.u32 $0xFFFF0000, v59;
	v39 =	vor.u32 v63, v13;
	v2 =	vadd.s32 v1, v2  }
0x2b9: {  	v42 =	vand.u32 $0xFFFFFF80, v40;
	v35 =	vld [tilespmem:$0x1FFE0];
	v4 =	vand.u32 $0xFFFF0000, v4;
	v2 =	vor.u32 v8, v2  }
0x2ba: {  	v11 =	vadd.s32 v1, v42;
	v45 =	vand.u32 $0xFFFF0000, v52;
	v4 =	vmul.f32 v4, v38;
	v5 =	vld.idx.msk [tilespmem:v5+s13+$0x0], $0xffff  }
0x2bb: {  	v41 =	vshll.u32 v52, $0x10;
	v52 =	vshll.u32 v56, $0x10;
	v43 =	vshll.u32 v3, $0x10  }
0x2bc: {  	v0 =	vadd.f32 v0, v4;
	v8 =	vand.u32 $0x7F, v40;
	v4 =	vmul.f32 v43, v41  }
0x2bd: {  	v44 =	vshll.u32 v57, $0x10;
	v8 =	vor.u32 v8, v11;
	v3 =	vand.u32 $0xFFFF0000, v3  }
0x2be: {  	v47 =	vand.u32 $0xFFFFFF80, v46;
	v3 =	vmul.f32 v3, v45;
	v2 =	vld.idx.msk [tilespmem:v2+s13+$0x0], $0xffff;
	v0 =	vadd.f32 v4, v0  }
0x2bf: {  	v12 =	vand.u32 $0x7F, v46;
	v7 =	vor.u32 v35, v15;
	v48 =	vshll.u32 v5, $0x10  }
0x2c0: {  	v36 =	vld [tilespmem:$0x1FFD0];
	v4 =	vadd.s32 v1, v47;
	v0 =	vadd.f32 v0, v3;
	v3 =	vmul.f32 v48, v44  }
0x2c1: {  	v49 =	vand.u32 $0xFFFF0000, v57;
	v9 =	vld.idx.msk [tilespmem:v39+s12+$0x0], $0xffff;
	v5 =	vand.u32 $0xFFFF0000, v5;
	v4 =	vor.u32 v12, v4  }
0x2c2: {  	v51 =	vand.u32 $0xFFFFFF80, v50;
	v8 =	vld.idx.msk [tilespmem:v8+s13+$0x0], $0xffff;
	v0 =	vadd.f32 v3, v0;
	v3 =	vmul.f32 v5, v49  }
0x2c3: {  	v54 =	vand.u32 $0x7F, v50;
	v1 =	vadd.s32 v1, v51;
	v53 =	vshll.u32 v2, $0x10  }
0x2c4: {  	v1 =	vor.u32 v54, v1;
	v0 =	vadd.f32 v0, v3;
	v3 =	vmul.f32 v53, v52  }
0x2c5: {  	v56 =	vand.u32 $0xFFFF0000, v56;
	v6 =	vor.u32 v36, v14;
	v55 =	vld.idx.msk [tilespmem:v7+s12+$0x0], $0xffff;
	v2 =	vand.u32 $0xFFFF0000, v2  }
0x2c6: {  	v2 =	vmul.f32 v2, v56;
	v4 =	vld.idx.msk [tilespmem:v4+s13+$0x0], $0xffff;
	v0 =	vadd.f32 v3, v0  }
0x2c7: {  	v57 =	vshll.u32 v8, $0x10;
	v3 =	vshll.u32 v9, $0x10  }
0x2c8: {  	v0 =	vadd.f32 v0, v2;
	v2 =	vmul.f32 v57, v3  }
0x2c9: {  	v58 =	vand.u32 $0xFFFF0000, v9;
	v59 =	vand.u32 $0xFFFF0000, v8;
	v1 =	vld.idx.msk [tilespmem:v1+s13+$0x0], $0xffff  }
0x2ca: {  	v3 =	vld.idx.msk [tilespmem:v6+s12+$0x0], $0xffff;
	v0 =	vadd.f32 v2, v0;
	v2 =	vmul.f32 v59, v58  }
0x2cb: {  	v60 =	vshll.u32 v55, $0x10;
	v61 =	vshll.u32 v4, $0x10  }
0x2cc: {  	v0 =	vadd.f32 v0, v2;
	v2 =	vmul.f32 v61, v60  }
0x2cd: {  	v5 =	vand.u32 $0xFFFF0000, v55;
	v4 =	vand.u32 $0xFFFF0000, v4  }
0x2ce: {  	v0 =	vadd.f32 v2, v0;
	v2 =	vmul.f32 v4, v5  }
0x2cf: {  	v63 =	vshll.u32 v1, $0x10;
	v62 =	vshll.u32 v3, $0x10  }
0x2d0: {  	v0 =	vadd.f32 v0, v2;
	v2 =	vmul.f32 v63, v62  }
0x2d1: {  	v1 =	vand.u32 $0xFFFF0000, v1;
	v3 =	vand.u32 $0xFFFF0000, v3  }
0x2d2: {  	v1 =	vmul.f32 v1, v3;
	v0 =	vadd.f32 v2, v0;
	_ =	sdelay $0x1  }
0x2d3: {  	s26 =	sadd.s32 $0x1, s26;
	v0 =	vadd.f32 v0, v1  }
0x2d4: {  	s31 =	sadd.s32 $0x10, s30;
	p0 =	sne.s32 s26, $0x4  }
.Ltmp2:
0x2d5: {  	s28 =	sadd.s32 s7, s28;
	[tilespmem:s31+$0x0] =	vst v0;
	(pc) =	sbr.rel @p0 .LBB2_2-.Ltmp2, $4  }
0x2d6: {  	[hbm4b:s28+s3] =	stream.linear.scatter [tilespmem:s24], [sflag:$0x2], $0x280, $0x38;
	[tilespmem:$0x18880] =	vst v63  }
0x2d7: {  	_ =	swait.ge [sflag:s10], $0x280  }
0x2d8: {  	[sflag:s10] =	ssyncset.done $0x0  }
0x2d9: {  	v0 =	vlaneseq.u32;
	[sflag:s10] =	ssyncadd.s32 $0xFFFFFD80  }
0x2da: {  	s25 =	sadd.s32 $0x1, s25  }
0x2db: {  	p0 =	sne.s32 s25, s9  }
.Ltmp3:
0x2dc: {  	_ = 	snop;
	(pc) =	sbr.rel @p0 .LBB2_1-.Ltmp3, $1  }
0x2dd: {  	_ =	sdelay $0x3  }
0x2de: {  	_ =	sfence.sel $0x180000  }
0x2df: {  	[bflag:$0x0] =	sbarrier.arrive $0xFFFF  }
0x2e0: {  	p0 =	sne.s32 s4, $0x0;
	_ =	strace $0x90000047  }
0x2e1: {  	s0 =	sadd.s32 @!p0 $0x100000, s0;
	[bflag:$0x2] =	sbarrier.arrive $0xFFFF  }
0x2e2: {  	[sflag:s0] =	ssyncadd.tile.s32 @!p0 $0x1;
	_ =	shalt  }
.Lfunc_end2:
_tile_overlayer_lowered:
.L_overlay_start_2:
0x2e3: {  	(tag) =	ssettag $0x2  }
0x2e4: {  	s0 =	rddreg [dreg:$0x0];
	s2 =	stileid.u32  }
0x2e5: {  	s1 =	rddreg [dreg:$0x1];
	p0 =	sne.s32 s2, $0x0  }
0x2e6: {  	s3 =	rddreg [dreg:$0x2];
	[bflag:$0x3] =	sbarrier.arrive $0xFFFF;
	s2 =	simm.s32 @!p0 $0x1C02  }
0x2e7: {  	[timem:s3], [sflag:s2] =	dma.local @!p0 [hbm:s0], s1  }
0x2e8: {  	s0 =	simm.s32 @!p0 $0x2  }
0x2e9: {  	_ =	swait.ge @!p0 [sflag:s0], s1  }
0x2ea: {  	s1 =	ssub.s32 @!p0 $0x0, s1;
	[sflag:s0] =	ssyncset.done @!p0 $0x0  }
0x2eb: {  	[sflag:s0] =	ssyncadd.s32 @!p0 s1  }
0x2ec: {  	[bflag:$0x3] =	sbarrier.arrive $0xFFFF  }
0x2ed: {  	_ =	shalt  }

</sc_bundles>
